<compile_context>
chip_gen: v7x
topology: tpu7x:2x2x1
jax: 0.10.2.dev20260603
libtpu: 0.0.44.dev20260713+nightly
codegen_flags: <defaults>
</compile_context>

<pallas_src>
import jax
import jax.numpy as jnp
import numpy as _np
from jax import lax
from jax.experimental import pallas as pl
from jax.experimental.pallas import tpu as pltpu
from jax.experimental.pallas import tpu_sc as plsc

DEPTH = 6
E = 128
F = 64
B = 512
LEAVES = 64
NODES = 63
NC, NS, LANES = 2, 16, 16
NW = NC * NS
EPW = E // NW
ROWS = EPW * NODES
NG = ROWS // LANES + 1
PAD = LANES
_Z0 = float(_np.uint32(0x34B17218).view(_np.float32))
NCHAIN = 4


def _argmax_group(sia_buf, sv_buf, ridx):
    span = F // NCHAIN
    ms, as_ = [], []
    for c in range(NCHAIN):
        m = jnp.full((LANES,), -jnp.inf, jnp.float32)
        a = jnp.zeros((LANES,), jnp.int32)
        for j in range(span):
            fi = c * span + j
            col = jnp.full((LANES,), fi, jnp.int32)
            v = plsc.load_gather(sia_buf, [ridx, col])
            upd = v > m
            m = jnp.where(upd, v, m)
            a = jnp.where(upd, fi, a)
        ms.append(m)
        as_.append(a)
    while len(ms) > 1:
        nm, na = [], []
        for i in range(0, len(ms), 2):
            upd = ms[i + 1] > ms[i]
            nm.append(jnp.where(upd, ms[i + 1], ms[i]))
            na.append(jnp.where(upd, as_[i + 1], as_[i]))
        ms, as_ = nm, na
    t = plsc.load_gather(sv_buf, [ridx, as_[0]])
    return as_[0], t


def _sc_body(sia_hbm, sv_hbm, x_hbm, lc_hbm, out_hbm,
             sia_all, sv_all, f_loc, t_loc, x_all, lc_buf, out_buf,
             sem_a, sem_x, sem_l):
    cid = lax.axis_index("c")
    sid = lax.axis_index("s")
    wid = sid * NC + cid
    row0 = wid * ROWS
    iota = lax.broadcasted_iota(jnp.int32, (LANES,), 0)

    ca = pltpu.async_copy(sia_hbm.at[pl.ds(row0, ROWS), :], sia_all, sem_a)
    cb = pltpu.async_copy(sv_hbm.at[pl.ds(row0, ROWS), :], sv_all, sem_a)
    cx = pltpu.async_copy(x_hbm, x_all, sem_x)
    cl = pltpu.async_copy(lc_hbm.at[pl.ds(wid * EPW, EPW), :], lc_buf, sem_l)
    ca.wait()
    cb.wait()

    @plsc.parallel_loop(0, NG, step=1, unroll=2)
    def _(g):
        ridx = jnp.minimum(g * LANES + iota, ROWS - 1)
        a, t = _argmax_group(sia_all, sv_all, ridx)
        f_loc[pl.ds(PAD + g * LANES, LANES)] = a
        t_loc[pl.ds(PAD + g * LANES, LANES)] = t

    cx.wait()
    cl.wait()

    @plsc.parallel_loop(0, B // LANES, step=1, unroll=4)
    def _(c):
        row = c * LANES + iota
        for el in range(EPW):
            off = jnp.full((LANES,), PAD + el * NODES, jnp.int32)
            n = jnp.zeros((LANES,), jnp.int32)
            for _d in range(DEPTH):
                idx = n + off
                fsel = plsc.load_gather(f_loc, [idx])
                tsel = plsc.load_gather(t_loc, [idx])
                x = plsc.load_gather(x_all, [row, fsel])
                bit = jnp.where(tsel - x <= _Z0, 1, 0).astype(jnp.int32)
                n = 2 * n + 1 + bit
            leaf = n - NODES
            erow = jnp.full((LANES,), el, jnp.int32)
            val = plsc.load_gather(lc_buf, [erow, leaf])
            out_buf[el, pl.ds(c * LANES, LANES)] = val

    pltpu.sync_copy(out_buf, out_hbm.at[pl.ds(wid * EPW, EPW), :])


def kernel(inputs, split_values, split_index_array, leaf_classes_array, training):
    del training
    inputs = inputs.astype(jnp.bfloat16).astype(jnp.float32)
    sia = split_index_array.reshape(E * NODES, F)
    sv = split_values.reshape(E * NODES, F)
    mesh = plsc.VectorSubcoreMesh(core_axis_name="c", subcore_axis_name="s",
                                  num_cores=NC, num_subcores=NS)
    run = pl.kernel(
        _sc_body,
        out_type=jax.ShapeDtypeStruct((E, B), jnp.float32),
        mesh=mesh,
        compiler_params=pltpu.CompilerParams(use_tc_tiling_on_sc=False,
                                             needs_layout_passes=False),
        scratch_types=[
            pltpu.VMEM((ROWS, F), jnp.float32),
            pltpu.VMEM((ROWS, F), jnp.float32),
            pltpu.VMEM((PAD + (NG + 1) * LANES,), jnp.int32),
            pltpu.VMEM((PAD + (NG + 1) * LANES,), jnp.float32),
            pltpu.VMEM((B, F), jnp.float32),
            pltpu.VMEM((EPW, LEAVES), jnp.float32),
            pltpu.VMEM((EPW, B), jnp.float32),
            pltpu.SemaphoreType.DMA,
            pltpu.SemaphoreType.DMA,
            pltpu.SemaphoreType.DMA,
        ],
    )
    out_eb = run(sia, sv, inputs, leaf_classes_array)
    return out_eb.T

# --- scband reference (transcript-rebuilt; emitter-appended) ---
"""Pipeline reference for scband-grad-tree-block-54322746360311 (READ-ONLY COPY).

The authoritative reference and input builder live on the scoring server;
editing this copy changes nothing except your own understanding.
"""

import jax, jax.numpy as jnp
import numpy as np

DEPTH = 6
N_ESTIMATORS = 128
N_FEATURES = 64
BATCH = 512
LEAF_NUM = 2 ** DEPTH
INTERNAL_NUM = 2 ** DEPTH - 1


def _tree_indices(depth):
    leaf_num = 2 ** depth
    path_id = np.zeros((leaf_num, depth), dtype=np.float32)
    node_idx = np.zeros((leaf_num, depth), dtype=np.int64)
    for leaf in range(leaf_num):
        for d in range(1, depth + 1):
            path_id[leaf, d - 1] = float((leaf // (2 ** (depth - d))) % 2)
            node_idx[leaf, d - 1] = int(2 ** (d - 1) + leaf // (2 ** (depth - (d - 1))) - 1)
    return jnp.asarray(path_id), jnp.asarray(node_idx)


PATH_ID, NODE_IDX = _tree_indices(DEPTH)


def entmax15(x):
    # entmax 1.5 forward: full descending sort over last axis (top-k over all outcomes)
    x = x / 2.0
    x = x - jnp.max(x, axis=-1, keepdims=True)
    n = x.shape[-1]
    xs = jnp.flip(jnp.sort(x, axis=-1), axis=-1)
    rho = jnp.arange(1, n + 1, dtype=x.dtype).reshape((1,) * (x.ndim - 1) + (n,))
    mean = jnp.cumsum(xs, axis=-1) / rho
    mean_sq = jnp.cumsum(jnp.square(xs), axis=-1) / rho
    delta = (1.0 - rho * (mean_sq - jnp.square(mean))) / rho
    tau = mean - jnp.sqrt(jax.nn.relu(delta))
    support = jnp.sum((tau <= xs).astype(jnp.int64), axis=-1, keepdims=True)
    tau_star = jnp.take_along_axis(tau, support - 1, axis=-1)
    out_sqrt = jax.nn.relu(x - tau_star)
    return jnp.square(out_sqrt)


def hardmax(x):
    return jax.nn.one_hot(jnp.argmax(x, axis=-1), x.shape[-1], dtype=x.dtype)


def setup_inputs(seed: int = 0):
    key = jax.random.key(seed)
    k1, k2, k3, k4 = jax.random.split(key, 4)
    lim = float(np.sqrt(6.0 / (INTERNAL_NUM + N_FEATURES)))
    lim_leaf = float(np.sqrt(6.0 / (N_ESTIMATORS + LEAF_NUM)))
    return {
        "inputs": jax.random.normal(k1, (BATCH, N_FEATURES), dtype=jnp.float32),
        "split_values": jax.random.uniform(k2, (N_ESTIMATORS, INTERNAL_NUM, N_FEATURES), dtype=jnp.float32, minval=-lim, maxval=lim),
        "split_index_array": jax.random.uniform(k3, (N_ESTIMATORS, INTERNAL_NUM, N_FEATURES), dtype=jnp.float32, minval=-lim, maxval=lim),
        "leaf_classes_array": jax.random.uniform(k4, (N_ESTIMATORS, LEAF_NUM), dtype=jnp.float32, minval=-lim_leaf, maxval=lim_leaf),
        "training": False,
    }


def reference(inputs, split_values, split_index_array, leaf_classes_array, training=False):
    # feature selection per internal node: entmax15 with straight-through hardmax
    si = entmax15(split_index_array)
    si = si - jax.lax.stop_gradient(si - hardmax(si))
    # gather internal-node params along each root-to-leaf path: [E, L, D, F]
    si_sel = jnp.take(si, NODE_IDX, axis=1)
    sv_sel = jnp.take(split_values, NODE_IDX, axis=1)
    s1_sum = jnp.einsum("eldn,eldn->eld", sv_sel, si_sel)
    s2_sum = jnp.einsum("bn,eldn->beld", inputs, si_sel)
    node_result = jax.nn.sigmoid(s1_sum[None, ...] - s2_sum)
    # straight-through rounding to hard split decisions
    node_result = node_result - jax.lax.stop_gradient(node_result - jnp.round(node_result))
    p = jnp.prod((1.0 - PATH_ID) * node_result + PATH_ID * (1.0 - node_result), axis=-1)
    return jnp.einsum("bel,el->be", p, leaf_classes_array)

if __name__ == "__main__":
    import jax
    _d = setup_inputs()
    print(jax.jit(kernel)(*tuple(_d.values())))

</pallas_src>

<mosaic_0001>
#map = affine_map<(d0, d1) -> (0, 0)>
module attributes {stable_mosaic.version = 14 : i64} {
  func.func @_sc_body(%arg0: i32, %arg1: i32, %arg2: memref<8064x64xf32, #tpu.memory_space<hbm>>, %arg3: memref<8064x64xf32, #tpu.memory_space<hbm>>, %arg4: memref<512x64xf32, #tpu.memory_space<hbm>>, %arg5: memref<128x64xf32, #tpu.memory_space<hbm>>, %arg6: memref<128x512xf32, #tpu.memory_space<hbm>>, %arg7: memref<252x64xf32, #tpu.memory_space<vmem>>, %arg8: memref<252x64xf32, #tpu.memory_space<vmem>>, %arg9: memref<288xi32, #tpu.memory_space<vmem>>, %arg10: memref<288xf32, #tpu.memory_space<vmem>>, %arg11: memref<512x64xf32, #tpu.memory_space<vmem>>, %arg12: memref<4x64xf32, #tpu.memory_space<vmem>>, %arg13: memref<4x512xf32, #tpu.memory_space<vmem>>, %arg14: memref<!tpu.dma_semaphore, #tpu.memory_space<semaphore_mem>>, %arg15: memref<!tpu.dma_semaphore, #tpu.memory_space<semaphore_mem>>, %arg16: memref<!tpu.dma_semaphore, #tpu.memory_space<semaphore_mem>>) attributes {dimension_semantics = [#tpu.dimension_semantics<core_parallel>, #tpu.dimension_semantics<subcore_parallel>], iteration_bounds = array<i64: 2, 16>, scalar_prefetch = 0 : i64, scratch_operands = 10 : i64, tpu.core_type = #tpu.core_type<sc_vector_subcore>, window_params = [{transform_indices = #map}, {transform_indices = #map}, {transform_indices = #map}, {transform_indices = #map}, {transform_indices = #map}]} {
    %mul3A = arith.constant 2 : i32
    %mul3A_0 = arith.muli %arg1, %mul3A : i32
    %add3A = arith.addi %mul3A_0, %arg0 : i32
    %mul3A_1 = arith.constant 252 : i32
    %mul3A_2 = arith.muli %add3A, %mul3A_1 : i32
    %iota3A = tpu.iota {dimensions = array<i32: 0>} : vector<16xi32>
    %dma_start3A = arith.constant 0 : i32
    %dma_start3A_3 = tpu.memref_slice %arg2[%mul3A_2, %dma_start3A] : memref<8064x64xf32, #tpu.memory_space<hbm>> -> memref<252x64xf32, #tpu.memory_space<hbm>>
    %dma_start3A_4 = arith.constant 0 : i32
    %dma_start3A_5 = tpu.memref_slice %arg2[%mul3A_2, %dma_start3A_4] : memref<8064x64xf32, #tpu.memory_space<hbm>> -> memref<252x64xf32, #tpu.memory_space<hbm>>
    tpu.enqueue_dma source(%dma_start3A_5 : memref<252x64xf32, #tpu.memory_space<hbm>>) target(%arg7 : memref<252x64xf32, #tpu.memory_space<vmem>>) target_semaphore(%arg14 : memref<!tpu.dma_semaphore, #tpu.memory_space<semaphore_mem>>)
    %dma_start3A_6 = arith.constant 0 : i32
    %dma_start3A_7 = tpu.memref_slice %arg3[%mul3A_2, %dma_start3A_6] : memref<8064x64xf32, #tpu.memory_space<hbm>> -> memref<252x64xf32, #tpu.memory_space<hbm>>
    %dma_start3A_8 = arith.constant 0 : i32
    %dma_start3A_9 = tpu.memref_slice %arg3[%mul3A_2, %dma_start3A_8] : memref<8064x64xf32, #tpu.memory_space<hbm>> -> memref<252x64xf32, #tpu.memory_space<hbm>>
    tpu.enqueue_dma source(%dma_start3A_9 : memref<252x64xf32, #tpu.memory_space<hbm>>) target(%arg8 : memref<252x64xf32, #tpu.memory_space<vmem>>) target_semaphore(%arg14 : memref<!tpu.dma_semaphore, #tpu.memory_space<semaphore_mem>>)
    tpu.enqueue_dma source(%arg4 : memref<512x64xf32, #tpu.memory_space<hbm>>) target(%arg11 : memref<512x64xf32, #tpu.memory_space<vmem>>) target_semaphore(%arg15 : memref<!tpu.dma_semaphore, #tpu.memory_space<semaphore_mem>>)
    %mul3A_10 = arith.constant 4 : i32
    %mul3A_11 = arith.muli %add3A, %mul3A_10 : i32
    %dma_start3A_12 = arith.constant 0 : i32
    %dma_start3A_13 = tpu.memref_slice %arg5[%mul3A_11, %dma_start3A_12] : memref<128x64xf32, #tpu.memory_space<hbm>> -> memref<4x64xf32, #tpu.memory_space<hbm>>
    %dma_start3A_14 = arith.constant 0 : i32
    %dma_start3A_15 = tpu.memref_slice %arg5[%mul3A_11, %dma_start3A_14] : memref<128x64xf32, #tpu.memory_space<hbm>> -> memref<4x64xf32, #tpu.memory_space<hbm>>
    tpu.enqueue_dma source(%dma_start3A_15 : memref<4x64xf32, #tpu.memory_space<hbm>>) target(%arg12 : memref<4x64xf32, #tpu.memory_space<vmem>>) target_semaphore(%arg16 : memref<!tpu.dma_semaphore, #tpu.memory_space<semaphore_mem>>)
    %dma_wait3A = arith.constant 0 : i32
    %dma_wait3A_16 = tpu.memref_slice %arg2[%mul3A_2, %dma_wait3A] : memref<8064x64xf32, #tpu.memory_space<hbm>> -> memref<252x64xf32, #tpu.memory_space<hbm>>
    %dma_wait3A_17 = arith.constant 0 : i32
    %dma_wait3A_18 = tpu.memref_slice %arg2[%mul3A_2, %dma_wait3A_17] : memref<8064x64xf32, #tpu.memory_space<hbm>> -> memref<252x64xf32, #tpu.memory_space<hbm>>
    tpu.wait_dma2 semaphore(%arg14 : memref<!tpu.dma_semaphore, #tpu.memory_space<semaphore_mem>>) src(%dma_wait3A_18 : memref<252x64xf32, #tpu.memory_space<hbm>>) dst(%arg7 : memref<252x64xf32, #tpu.memory_space<vmem>>)
    %dma_wait3A_19 = arith.constant 0 : i32
    %dma_wait3A_20 = tpu.memref_slice %arg3[%mul3A_2, %dma_wait3A_19] : memref<8064x64xf32, #tpu.memory_space<hbm>> -> memref<252x64xf32, #tpu.memory_space<hbm>>
    %dma_wait3A_21 = arith.constant 0 : i32
    %dma_wait3A_22 = tpu.memref_slice %arg3[%mul3A_2, %dma_wait3A_21] : memref<8064x64xf32, #tpu.memory_space<hbm>> -> memref<252x64xf32, #tpu.memory_space<hbm>>
    tpu.wait_dma2 semaphore(%arg14 : memref<!tpu.dma_semaphore, #tpu.memory_space<semaphore_mem>>) src(%dma_wait3A_22 : memref<252x64xf32, #tpu.memory_space<hbm>>) dst(%arg8 : memref<252x64xf32, #tpu.memory_space<vmem>>)
    %parallel_loop3A = arith.constant 0 : i32
    %parallel_loop3A_23 = arith.constant 16 : i32
    %parallel_loop3A_24 = arith.constant 1 : i32
    scf.for %parallel_loop3A_34 = %parallel_loop3A to %parallel_loop3A_23 step %parallel_loop3A_24  : i32 {
      %parallel_loop3A_35 = arith.constant 16 : i32
      %parallel_loop3A_36 = arith.muli %parallel_loop3A_34, %parallel_loop3A_35 : i32
      %parallel_loop3A_37 = vector.broadcast %parallel_loop3A_36 : i32 to vector<16xi32>
      %parallel_loop3A_38 = arith.addi %parallel_loop3A_37, %iota3A : vector<16xi32>
      %parallel_loop3A_39 = arith.constant 251 : i32
      %parallel_loop3A_40 = vector.broadcast %parallel_loop3A_39 : i32 to vector<16xi32>
      %parallel_loop3A_41 = arith.minsi %parallel_loop3A_38, %parallel_loop3A_40 : vector<16xi32>
      %parallel_loop3A_42 = arith.constant 0xFF800000 : f32
      %parallel_loop3A_43 = vector.broadcast %parallel_loop3A_42 : f32 to vector<16xf32>
      %parallel_loop3A_44 = arith.constant 0 : i32
      %parallel_loop3A_45 = vector.broadcast %parallel_loop3A_44 : i32 to vector<16xi32>
      %parallel_loop3A_46 = arith.constant 0 : i32
      %parallel_loop3A_47 = vector.broadcast %parallel_loop3A_46 : i32 to vector<16xi32>
      %parallel_loop3A_48 = tpu.vector_load_idx %arg7[%parallel_loop3A_41, %parallel_loop3A_47] : memref<252x64xf32, #tpu.memory_space<vmem>>[vector<16xi32>, vector<16xi32>], vector<16xf32>,
      %parallel_loop3A_49 = arith.cmpf ogt, %parallel_loop3A_48, %parallel_loop3A_43 : vector<16xf32>
      %parallel_loop3A_50 = arith.select %parallel_loop3A_49, %parallel_loop3A_48, %parallel_loop3A_43 : vector<16xi1>, vector<16xf32>
      %parallel_loop3A_51 = arith.constant 0 : i32
      %parallel_loop3A_52 = vector.broadcast %parallel_loop3A_51 : i32 to vector<16xi32>
      %parallel_loop3A_53 = arith.select %parallel_loop3A_49, %parallel_loop3A_52, %parallel_loop3A_45 : vector<16xi1>, vector<16xi32>
      %parallel_loop3A_54 = arith.constant 1 : i32
      %parallel_loop3A_55 = vector.broadcast %parallel_loop3A_54 : i32 to vector<16xi32>
      %parallel_loop3A_56 = tpu.vector_load_idx %arg7[%parallel_loop3A_41, %parallel_loop3A_55] : memref<252x64xf32, #tpu.memory_space<vmem>>[vector<16xi32>, vector<16xi32>], vector<16xf32>,
      %parallel_loop3A_57 = arith.cmpf ogt, %parallel_loop3A_56, %parallel_loop3A_50 : vector<16xf32>
      %parallel_loop3A_58 = arith.select %parallel_loop3A_57, %parallel_loop3A_56, %parallel_loop3A_50 : vector<16xi1>, vector<16xf32>
      %parallel_loop3A_59 = arith.constant 1 : i32
      %parallel_loop3A_60 = vector.broadcast %parallel_loop3A_59 : i32 to vector<16xi32>
      %parallel_loop3A_61 = arith.select %parallel_loop3A_57, %parallel_loop3A_60, %parallel_loop3A_53 : vector<16xi1>, vector<16xi32>
      %parallel_loop3A_62 = arith.constant 2 : i32
      %parallel_loop3A_63 = vector.broadcast %parallel_loop3A_62 : i32 to vector<16xi32>
      %parallel_loop3A_64 = tpu.vector_load_idx %arg7[%parallel_loop3A_41, %parallel_loop3A_63] : memref<252x64xf32, #tpu.memory_space<vmem>>[vector<16xi32>, vector<16xi32>], vector<16xf32>,
      %parallel_loop3A_65 = arith.cmpf ogt, %parallel_loop3A_64, %parallel_loop3A_58 : vector<16xf32>
      %parallel_loop3A_66 = arith.select %parallel_loop3A_65, %parallel_loop3A_64, %parallel_loop3A_58 : vector<16xi1>, vector<16xf32>
      %parallel_loop3A_67 = arith.constant 2 : i32
      %parallel_loop3A_68 = vector.broadcast %parallel_loop3A_67 : i32 to vector<16xi32>
      %parallel_loop3A_69 = arith.select %parallel_loop3A_65, %parallel_loop3A_68, %parallel_loop3A_61 : vector<16xi1>, vector<16xi32>
      %parallel_loop3A_70 = arith.constant 3 : i32
      %parallel_loop3A_71 = vector.broadcast %parallel_loop3A_70 : i32 to vector<16xi32>
      %parallel_loop3A_72 = tpu.vector_load_idx %arg7[%parallel_loop3A_41, %parallel_loop3A_71] : memref<252x64xf32, #tpu.memory_space<vmem>>[vector<16xi32>, vector<16xi32>], vector<16xf32>,
      %parallel_loop3A_73 = arith.cmpf ogt, %parallel_loop3A_72, %parallel_loop3A_66 : vector<16xf32>
      %parallel_loop3A_74 = arith.select %parallel_loop3A_73, %parallel_loop3A_72, %parallel_loop3A_66 : vector<16xi1>, vector<16xf32>
      %parallel_loop3A_75 = arith.constant 3 : i32
      %parallel_loop3A_76 = vector.broadcast %parallel_loop3A_75 : i32 to vector<16xi32>
      %parallel_loop3A_77 = arith.select %parallel_loop3A_73, %parallel_loop3A_76, %parallel_loop3A_69 : vector<16xi1>, vector<16xi32>
      %parallel_loop3A_78 = arith.constant 4 : i32
      %parallel_loop3A_79 = vector.broadcast %parallel_loop3A_78 : i32 to vector<16xi32>
      %parallel_loop3A_80 = tpu.vector_load_idx %arg7[%parallel_loop3A_41, %parallel_loop3A_79] : memref<252x64xf32, #tpu.memory_space<vmem>>[vector<16xi32>, vector<16xi32>], vector<16xf32>,
      %parallel_loop3A_81 = arith.cmpf ogt, %parallel_loop3A_80, %parallel_loop3A_74 : vector<16xf32>
      %parallel_loop3A_82 = arith.select %parallel_loop3A_81, %parallel_loop3A_80, %parallel_loop3A_74 : vector<16xi1>, vector<16xf32>
      %parallel_loop3A_83 = arith.constant 4 : i32
      %parallel_loop3A_84 = vector.broadcast %parallel_loop3A_83 : i32 to vector<16xi32>
      %parallel_loop3A_85 = arith.select %parallel_loop3A_81, %parallel_loop3A_84, %parallel_loop3A_77 : vector<16xi1>, vector<16xi32>
      %parallel_loop3A_86 = arith.constant 5 : i32
      %parallel_loop3A_87 = vector.broadcast %parallel_loop3A_86 : i32 to vector<16xi32>
      %parallel_loop3A_88 = tpu.vector_load_idx %arg7[%parallel_loop3A_41, %parallel_loop3A_87] : memref<252x64xf32, #tpu.memory_space<vmem>>[vector<16xi32>, vector<16xi32>], vector<16xf32>,
      %parallel_loop3A_89 = arith.cmpf ogt, %parallel_loop3A_88, %parallel_loop3A_82 : vector<16xf32>
      %parallel_loop3A_90 = arith.select %parallel_loop3A_89, %parallel_loop3A_88, %parallel_loop3A_82 : vector<16xi1>, vector<16xf32>
      %parallel_loop3A_91 = arith.constant 5 : i32
      %parallel_loop3A_92 = vector.broadcast %parallel_loop3A_91 : i32 to vector<16xi32>
      %parallel_loop3A_93 = arith.select %parallel_loop3A_89, %parallel_loop3A_92, %parallel_loop3A_85 : vector<16xi1>, vector<16xi32>
      %parallel_loop3A_94 = arith.constant 6 : i32
      %parallel_loop3A_95 = vector.broadcast %parallel_loop3A_94 : i32 to vector<16xi32>
      %parallel_loop3A_96 = tpu.vector_load_idx %arg7[%parallel_loop3A_41, %parallel_loop3A_95] : memref<252x64xf32, #tpu.memory_space<vmem>>[vector<16xi32>, vector<16xi32>], vector<16xf32>,
      %parallel_loop3A_97 = arith.cmpf ogt, %parallel_loop3A_96, %parallel_loop3A_90 : vector<16xf32>
      %parallel_loop3A_98 = arith.select %parallel_loop3A_97, %parallel_loop3A_96, %parallel_loop3A_90 : vector<16xi1>, vector<16xf32>
      %parallel_loop3A_99 = arith.constant 6 : i32
      %parallel_loop3A_100 = vector.broadcast %parallel_loop3A_99 : i32 to vector<16xi32>
      %parallel_loop3A_101 = arith.select %parallel_loop3A_97, %parallel_loop3A_100, %parallel_loop3A_93 : vector<16xi1>, vector<16xi32>
      %parallel_loop3A_102 = arith.constant 7 : i32
      %parallel_loop3A_103 = vector.broadcast %parallel_loop3A_102 : i32 to vector<16xi32>
      %parallel_loop3A_104 = tpu.vector_load_idx %arg7[%parallel_loop3A_41, %parallel_loop3A_103] : memref<252x64xf32, #tpu.memory_space<vmem>>[vector<16xi32>, vector<16xi32>], vector<16xf32>,
      %parallel_loop3A_105 = arith.cmpf ogt, %parallel_loop3A_104, %parallel_loop3A_98 : vector<16xf32>
      %parallel_loop3A_106 = arith.select %parallel_loop3A_105, %parallel_loop3A_104, %parallel_loop3A_98 : vector<16xi1>, vector<16xf32>
      %parallel_loop3A_107 = arith.constant 7 : i32
      %parallel_loop3A_108 = vector.broadcast %parallel_loop3A_107 : i32 to vector<16xi32>
      %parallel_loop3A_109 = arith.select %parallel_loop3A_105, %parallel_loop3A_108, %parallel_loop3A_101 : vector<16xi1>, vector<16xi32>
      %parallel_loop3A_110 = arith.constant 8 : i32
      %parallel_loop3A_111 = vector.broadcast %parallel_loop3A_110 : i32 to vector<16xi32>
      %parallel_loop3A_112 = tpu.vector_load_idx %arg7[%parallel_loop3A_41, %parallel_loop3A_111] : memref<252x64xf32, #tpu.memory_space<vmem>>[vector<16xi32>, vector<16xi32>], vector<16xf32>,
      %parallel_loop3A_113 = arith.cmpf ogt, %parallel_loop3A_112, %parallel_loop3A_106 : vector<16xf32>
      %parallel_loop3A_114 = arith.select %parallel_loop3A_113, %parallel_loop3A_112, %parallel_loop3A_106 : vector<16xi1>, vector<16xf32>
      %parallel_loop3A_115 = arith.constant 8 : i32
      %parallel_loop3A_116 = vector.broadcast %parallel_loop3A_115 : i32 to vector<16xi32>
      %parallel_loop3A_117 = arith.select %parallel_loop3A_113, %parallel_loop3A_116, %parallel_loop3A_109 : vector<16xi1>, vector<16xi32>
      %parallel_loop3A_118 = arith.constant 9 : i32
      %parallel_loop3A_119 = vector.broadcast %parallel_loop3A_118 : i32 to vector<16xi32>
      %parallel_loop3A_120 = tpu.vector_load_idx %arg7[%parallel_loop3A_41, %parallel_loop3A_119] : memref<252x64xf32, #tpu.memory_space<vmem>>[vector<16xi32>, vector<16xi32>], vector<16xf32>,
      %parallel_loop3A_121 = arith.cmpf ogt, %parallel_loop3A_120, %parallel_loop3A_114 : vector<16xf32>
      %parallel_loop3A_122 = arith.select %parallel_loop3A_121, %parallel_loop3A_120, %parallel_loop3A_114 : vector<16xi1>, vector<16xf32>
      %parallel_loop3A_123 = arith.constant 9 : i32
      %parallel_loop3A_124 = vector.broadcast %parallel_loop3A_123 : i32 to vector<16xi32>
      %parallel_loop3A_125 = arith.select %parallel_loop3A_121, %parallel_loop3A_124, %parallel_loop3A_117 : vector<16xi1>, vector<16xi32>
      %parallel_loop3A_126 = arith.constant 10 : i32
      %parallel_loop3A_127 = vector.broadcast %parallel_loop3A_126 : i32 to vector<16xi32>
      %parallel_loop3A_128 = tpu.vector_load_idx %arg7[%parallel_loop3A_41, %parallel_loop3A_127] : memref<252x64xf32, #tpu.memory_space<vmem>>[vector<16xi32>, vector<16xi32>], vector<16xf32>,
      %parallel_loop3A_129 = arith.cmpf ogt, %parallel_loop3A_128, %parallel_loop3A_122 : vector<16xf32>
      %parallel_loop3A_130 = arith.select %parallel_loop3A_129, %parallel_loop3A_128, %parallel_loop3A_122 : vector<16xi1>, vector<16xf32>
      %parallel_loop3A_131 = arith.constant 10 : i32
      %parallel_loop3A_132 = vector.broadcast %parallel_loop3A_131 : i32 to vector<16xi32>
      %parallel_loop3A_133 = arith.select %parallel_loop3A_129, %parallel_loop3A_132, %parallel_loop3A_125 : vector<16xi1>, vector<16xi32>
      %parallel_loop3A_134 = arith.constant 11 : i32
      %parallel_loop3A_135 = vector.broadcast %parallel_loop3A_134 : i32 to vector<16xi32>
      %parallel_loop3A_136 = tpu.vector_load_idx %arg7[%parallel_loop3A_41, %parallel_loop3A_135] : memref<252x64xf32, #tpu.memory_space<vmem>>[vector<16xi32>, vector<16xi32>], vector<16xf32>,
      %parallel_loop3A_137 = arith.cmpf ogt, %parallel_loop3A_136, %parallel_loop3A_130 : vector<16xf32>
      %parallel_loop3A_138 = arith.select %parallel_loop3A_137, %parallel_loop3A_136, %parallel_loop3A_130 : vector<16xi1>, vector<16xf32>
      %parallel_loop3A_139 = arith.constant 11 : i32
      %parallel_loop3A_140 = vector.broadcast %parallel_loop3A_139 : i32 to vector<16xi32>
      %parallel_loop3A_141 = arith.select %parallel_loop3A_137, %parallel_loop3A_140, %parallel_loop3A_133 : vector<16xi1>, vector<16xi32>
      %parallel_loop3A_142 = arith.constant 12 : i32
      %parallel_loop3A_143 = vector.broadcast %parallel_loop3A_142 : i32 to vector<16xi32>
      %parallel_loop3A_144 = tpu.vector_load_idx %arg7[%parallel_loop3A_41, %parallel_loop3A_143] : memref<252x64xf32, #tpu.memory_space<vmem>>[vector<16xi32>, vector<16xi32>], vector<16xf32>,
      %parallel_loop3A_145 = arith.cmpf ogt, %parallel_loop3A_144, %parallel_loop3A_138 : vector<16xf32>
      %parallel_loop3A_146 = arith.select %parallel_loop3A_145, %parallel_loop3A_144, %parallel_loop3A_138 : vector<16xi1>, vector<16xf32>
      %parallel_loop3A_147 = arith.constant 12 : i32
      %parallel_loop3A_148 = vector.broadcast %parallel_loop3A_147 : i32 to vector<16xi32>
      %parallel_loop3A_149 = arith.select %parallel_loop3A_145, %parallel_loop3A_148, %parallel_loop3A_141 : vector<16xi1>, vector<16xi32>
      %parallel_loop3A_150 = arith.constant 13 : i32
      %parallel_loop3A_151 = vector.broadcast %parallel_loop3A_150 : i32 to vector<16xi32>
      %parallel_loop3A_152 = tpu.vector_load_idx %arg7[%parallel_loop3A_41, %parallel_loop3A_151] : memref<252x64xf32, #tpu.memory_space<vmem>>[vector<16xi32>, vector<16xi32>], vector<16xf32>,
      %parallel_loop3A_153 = arith.cmpf ogt, %parallel_loop3A_152, %parallel_loop3A_146 : vector<16xf32>
      %parallel_loop3A_154 = arith.select %parallel_loop3A_153, %parallel_loop3A_152, %parallel_loop3A_146 : vector<16xi1>, vector<16xf32>
      %parallel_loop3A_155 = arith.constant 13 : i32
      %parallel_loop3A_156 = vector.broadcast %parallel_loop3A_155 : i32 to vector<16xi32>
      %parallel_loop3A_157 = arith.select %parallel_loop3A_153, %parallel_loop3A_156, %parallel_loop3A_149 : vector<16xi1>, vector<16xi32>
      %parallel_loop3A_158 = arith.constant 14 : i32
      %parallel_loop3A_159 = vector.broadcast %parallel_loop3A_158 : i32 to vector<16xi32>
      %parallel_loop3A_160 = tpu.vector_load_idx %arg7[%parallel_loop3A_41, %parallel_loop3A_159] : memref<252x64xf32, #tpu.memory_space<vmem>>[vector<16xi32>, vector<16xi32>], vector<16xf32>,
      %parallel_loop3A_161 = arith.cmpf ogt, %parallel_loop3A_160, %parallel_loop3A_154 : vector<16xf32>
      %parallel_loop3A_162 = arith.select %parallel_loop3A_161, %parallel_loop3A_160, %parallel_loop3A_154 : vector<16xi1>, vector<16xf32>
      %parallel_loop3A_163 = arith.constant 14 : i32
      %parallel_loop3A_164 = vector.broadcast %parallel_loop3A_163 : i32 to vector<16xi32>
      %parallel_loop3A_165 = arith.select %parallel_loop3A_161, %parallel_loop3A_164, %parallel_loop3A_157 : vector<16xi1>, vector<16xi32>
      %parallel_loop3A_166 = arith.constant 15 : i32
      %parallel_loop3A_167 = vector.broadcast %parallel_loop3A_166 : i32 to vector<16xi32>
      %parallel_loop3A_168 = tpu.vector_load_idx %arg7[%parallel_loop3A_41, %parallel_loop3A_167] : memref<252x64xf32, #tpu.memory_space<vmem>>[vector<16xi32>, vector<16xi32>], vector<16xf32>,
      %parallel_loop3A_169 = arith.cmpf ogt, %parallel_loop3A_168, %parallel_loop3A_162 : vector<16xf32>
      %parallel_loop3A_170 = arith.select %parallel_loop3A_169, %parallel_loop3A_168, %parallel_loop3A_162 : vector<16xi1>, vector<16xf32>
      %parallel_loop3A_171 = arith.constant 15 : i32
      %parallel_loop3A_172 = vector.broadcast %parallel_loop3A_171 : i32 to vector<16xi32>
      %parallel_loop3A_173 = arith.select %parallel_loop3A_169, %parallel_loop3A_172, %parallel_loop3A_165 : vector<16xi1>, vector<16xi32>
      %parallel_loop3A_174 = arith.constant 0xFF800000 : f32
      %parallel_loop3A_175 = vector.broadcast %parallel_loop3A_174 : f32 to vector<16xf32>
      %parallel_loop3A_176 = arith.constant 0 : i32
      %parallel_loop3A_177 = vector.broadcast %parallel_loop3A_176 : i32 to vector<16xi32>
      %parallel_loop3A_178 = arith.constant 16 : i32
      %parallel_loop3A_179 = vector.broadcast %parallel_loop3A_178 : i32 to vector<16xi32>
      %parallel_loop3A_180 = tpu.vector_load_idx %arg7[%parallel_loop3A_41, %parallel_loop3A_179] : memref<252x64xf32, #tpu.memory_space<vmem>>[vector<16xi32>, vector<16xi32>], vector<16xf32>,
      %parallel_loop3A_181 = arith.cmpf ogt, %parallel_loop3A_180, %parallel_loop3A_175 : vector<16xf32>
      %parallel_loop3A_182 = arith.select %parallel_loop3A_181, %parallel_loop3A_180, %parallel_loop3A_175 : vector<16xi1>, vector<16xf32>
      %parallel_loop3A_183 = arith.constant 16 : i32
      %parallel_loop3A_184 = vector.broadcast %parallel_loop3A_183 : i32 to vector<16xi32>
      %parallel_loop3A_185 = arith.select %parallel_loop3A_181, %parallel_loop3A_184, %parallel_loop3A_177 : vector<16xi1>, vector<16xi32>
      %parallel_loop3A_186 = arith.constant 17 : i32
      %parallel_loop3A_187 = vector.broadcast %parallel_loop3A_186 : i32 to vector<16xi32>
      %parallel_loop3A_188 = tpu.vector_load_idx %arg7[%parallel_loop3A_41, %parallel_loop3A_187] : memref<252x64xf32, #tpu.memory_space<vmem>>[vector<16xi32>, vector<16xi32>], vector<16xf32>,
      %parallel_loop3A_189 = arith.cmpf ogt, %parallel_loop3A_188, %parallel_loop3A_182 : vector<16xf32>
      %parallel_loop3A_190 = arith.select %parallel_loop3A_189, %parallel_loop3A_188, %parallel_loop3A_182 : vector<16xi1>, vector<16xf32>
      %parallel_loop3A_191 = arith.constant 17 : i32
      %parallel_loop3A_192 = vector.broadcast %parallel_loop3A_191 : i32 to vector<16xi32>
      %parallel_loop3A_193 = arith.select %parallel_loop3A_189, %parallel_loop3A_192, %parallel_loop3A_185 : vector<16xi1>, vector<16xi32>
      %parallel_loop3A_194 = arith.constant 18 : i32
      %parallel_loop3A_195 = vector.broadcast %parallel_loop3A_194 : i32 to vector<16xi32>
      %parallel_loop3A_196 = tpu.vector_load_idx %arg7[%parallel_loop3A_41, %parallel_loop3A_195] : memref<252x64xf32, #tpu.memory_space<vmem>>[vector<16xi32>, vector<16xi32>], vector<16xf32>,
      %parallel_loop3A_197 = arith.cmpf ogt, %parallel_loop3A_196, %parallel_loop3A_190 : vector<16xf32>
      %parallel_loop3A_198 = arith.select %parallel_loop3A_197, %parallel_loop3A_196, %parallel_loop3A_190 : vector<16xi1>, vector<16xf32>
      %parallel_loop3A_199 = arith.constant 18 : i32
      %parallel_loop3A_200 = vector.broadcast %parallel_loop3A_199 : i32 to vector<16xi32>
      %parallel_loop3A_201 = arith.select %parallel_loop3A_197, %parallel_loop3A_200, %parallel_loop3A_193 : vector<16xi1>, vector<16xi32>
      %parallel_loop3A_202 = arith.constant 19 : i32
      %parallel_loop3A_203 = vector.broadcast %parallel_loop3A_202 : i32 to vector<16xi32>
      %parallel_loop3A_204 = tpu.vector_load_idx %arg7[%parallel_loop3A_41, %parallel_loop3A_203] : memref<252x64xf32, #tpu.memory_space<vmem>>[vector<16xi32>, vector<16xi32>], vector<16xf32>,
      %parallel_loop3A_205 = arith.cmpf ogt, %parallel_loop3A_204, %parallel_loop3A_198 : vector<16xf32>
      %parallel_loop3A_206 = arith.select %parallel_loop3A_205, %parallel_loop3A_204, %parallel_loop3A_198 : vector<16xi1>, vector<16xf32>
      %parallel_loop3A_207 = arith.constant 19 : i32
      %parallel_loop3A_208 = vector.broadcast %parallel_loop3A_207 : i32 to vector<16xi32>
      %parallel_loop3A_209 = arith.select %parallel_loop3A_205, %parallel_loop3A_208, %parallel_loop3A_201 : vector<16xi1>, vector<16xi32>
      %parallel_loop3A_210 = arith.constant 20 : i32
      %parallel_loop3A_211 = vector.broadcast %parallel_loop3A_210 : i32 to vector<16xi32>
      %parallel_loop3A_212 = tpu.vector_load_idx %arg7[%parallel_loop3A_41, %parallel_loop3A_211] : memref<252x64xf32, #tpu.memory_space<vmem>>[vector<16xi32>, vector<16xi32>], vector<16xf32>,
      %parallel_loop3A_213 = arith.cmpf ogt, %parallel_loop3A_212, %parallel_loop3A_206 : vector<16xf32>
      %parallel_loop3A_214 = arith.select %parallel_loop3A_213, %parallel_loop3A_212, %parallel_loop3A_206 : vector<16xi1>, vector<16xf32>
      %parallel_loop3A_215 = arith.constant 20 : i32
      %parallel_loop3A_216 = vector.broadcast %parallel_loop3A_215 : i32 to vector<16xi32>
      %parallel_loop3A_217 = arith.select %parallel_loop3A_213, %parallel_loop3A_216, %parallel_loop3A_209 : vector<16xi1>, vector<16xi32>
      %parallel_loop3A_218 = arith.constant 21 : i32
      %parallel_loop3A_219 = vector.broadcast %parallel_loop3A_218 : i32 to vector<16xi32>
      %parallel_loop3A_220 = tpu.vector_load_idx %arg7[%parallel_loop3A_41, %parallel_loop3A_219] : memref<252x64xf32, #tpu.memory_space<vmem>>[vector<16xi32>, vector<16xi32>], vector<16xf32>,
      %parallel_loop3A_221 = arith.cmpf ogt, %parallel_loop3A_220, %parallel_loop3A_214 : vector<16xf32>
      %parallel_loop3A_222 = arith.select %parallel_loop3A_221, %parallel_loop3A_220, %parallel_loop3A_214 : vector<16xi1>, vector<16xf32>
      %parallel_loop3A_223 = arith.constant 21 : i32
      %parallel_loop3A_224 = vector.broadcast %parallel_loop3A_223 : i32 to vector<16xi32>
      %parallel_loop3A_225 = arith.select %parallel_loop3A_221, %parallel_loop3A_224, %parallel_loop3A_217 : vector<16xi1>, vector<16xi32>
      %parallel_loop3A_226 = arith.constant 22 : i32
      %parallel_loop3A_227 = vector.broadcast %parallel_loop3A_226 : i32 to vector<16xi32>
      %parallel_loop3A_228 = tpu.vector_load_idx %arg7[%parallel_loop3A_41, %parallel_loop3A_227] : memref<252x64xf32, #tpu.memory_space<vmem>>[vector<16xi32>, vector<16xi32>], vector<16xf32>,
      %parallel_loop3A_229 = arith.cmpf ogt, %parallel_loop3A_228, %parallel_loop3A_222 : vector<16xf32>
      %parallel_loop3A_230 = arith.select %parallel_loop3A_229, %parallel_loop3A_228, %parallel_loop3A_222 : vector<16xi1>, vector<16xf32>
      %parallel_loop3A_231 = arith.constant 22 : i32
      %parallel_loop3A_232 = vector.broadcast %parallel_loop3A_231 : i32 to vector<16xi32>
      %parallel_loop3A_233 = arith.select %parallel_loop3A_229, %parallel_loop3A_232, %parallel_loop3A_225 : vector<16xi1>, vector<16xi32>
      %parallel_loop3A_234 = arith.constant 23 : i32
      %parallel_loop3A_235 = vector.broadcast %parallel_loop3A_234 : i32 to vector<16xi32>
      %parallel_loop3A_236 = tpu.vector_load_idx %arg7[%parallel_loop3A_41, %parallel_loop3A_235] : memref<252x64xf32, #tpu.memory_space<vmem>>[vector<16xi32>, vector<16xi32>], vector<16xf32>,
      %parallel_loop3A_237 = arith.cmpf ogt, %parallel_loop3A_236, %parallel_loop3A_230 : vector<16xf32>
      %parallel_loop3A_238 = arith.select %parallel_loop3A_237, %parallel_loop3A_236, %parallel_loop3A_230 : vector<16xi1>, vector<16xf32>
      %parallel_loop3A_239 = arith.constant 23 : i32
      %parallel_loop3A_240 = vector.broadcast %parallel_loop3A_239 : i32 to vector<16xi32>
      %parallel_loop3A_241 = arith.select %parallel_loop3A_237, %parallel_loop3A_240, %parallel_loop3A_233 : vector<16xi1>, vector<16xi32>
      %parallel_loop3A_242 = arith.constant 24 : i32
      %parallel_loop3A_243 = vector.broadcast %parallel_loop3A_242 : i32 to vector<16xi32>
      %parallel_loop3A_244 = tpu.vector_load_idx %arg7[%parallel_loop3A_41, %parallel_loop3A_243] : memref<252x64xf32, #tpu.memory_space<vmem>>[vector<16xi32>, vector<16xi32>], vector<16xf32>,
      %parallel_loop3A_245 = arith.cmpf ogt, %parallel_loop3A_244, %parallel_loop3A_238 : vector<16xf32>
      %parallel_loop3A_246 = arith.select %parallel_loop3A_245, %parallel_loop3A_244, %parallel_loop3A_238 : vector<16xi1>, vector<16xf32>
      %parallel_loop3A_247 = arith.constant 24 : i32
      %parallel_loop3A_248 = vector.broadcast %parallel_loop3A_247 : i32 to vector<16xi32>
      %parallel_loop3A_249 = arith.select %parallel_loop3A_245, %parallel_loop3A_248, %parallel_loop3A_241 : vector<16xi1>, vector<16xi32>
      %parallel_loop3A_250 = arith.constant 25 : i32
      %parallel_loop3A_251 = vector.broadcast %parallel_loop3A_250 : i32 to vector<16xi32>
      %parallel_loop3A_252 = tpu.vector_load_idx %arg7[%parallel_loop3A_41, %parallel_loop3A_251] : memref<252x64xf32, #tpu.memory_space<vmem>>[vector<16xi32>, vector<16xi32>], vector<16xf32>,
      %parallel_loop3A_253 = arith.cmpf ogt, %parallel_loop3A_252, %parallel_loop3A_246 : vector<16xf32>
      %parallel_loop3A_254 = arith.select %parallel_loop3A_253, %parallel_loop3A_252, %parallel_loop3A_246 : vector<16xi1>, vector<16xf32>
      %parallel_loop3A_255 = arith.constant 25 : i32
      %parallel_loop3A_256 = vector.broadcast %parallel_loop3A_255 : i32 to vector<16xi32>
      %parallel_loop3A_257 = arith.select %parallel_loop3A_253, %parallel_loop3A_256, %parallel_loop3A_249 : vector<16xi1>, vector<16xi32>
      %parallel_loop3A_258 = arith.constant 26 : i32
      %parallel_loop3A_259 = vector.broadcast %parallel_loop3A_258 : i32 to vector<16xi32>
      %parallel_loop3A_260 = tpu.vector_load_idx %arg7[%parallel_loop3A_41, %parallel_loop3A_259] : memref<252x64xf32, #tpu.memory_space<vmem>>[vector<16xi32>, vector<16xi32>], vector<16xf32>,
      %parallel_loop3A_261 = arith.cmpf ogt, %parallel_loop3A_260, %parallel_loop3A_254 : vector<16xf32>
      %parallel_loop3A_262 = arith.select %parallel_loop3A_261, %parallel_loop3A_260, %parallel_loop3A_254 : vector<16xi1>, vector<16xf32>
      %parallel_loop3A_263 = arith.constant 26 : i32
      %parallel_loop3A_264 = vector.broadcast %parallel_loop3A_263 : i32 to vector<16xi32>
      %parallel_loop3A_265 = arith.select %parallel_loop3A_261, %parallel_loop3A_264, %parallel_loop3A_257 : vector<16xi1>, vector<16xi32>
      %parallel_loop3A_266 = arith.constant 27 : i32
      %parallel_loop3A_267 = vector.broadcast %parallel_loop3A_266 : i32 to vector<16xi32>
      %parallel_loop3A_268 = tpu.vector_load_idx %arg7[%parallel_loop3A_41, %parallel_loop3A_267] : memref<252x64xf32, #tpu.memory_space<vmem>>[vector<16xi32>, vector<16xi32>], vector<16xf32>,
      %parallel_loop3A_269 = arith.cmpf ogt, %parallel_loop3A_268, %parallel_loop3A_262 : vector<16xf32>
      %parallel_loop3A_270 = arith.select %parallel_loop3A_269, %parallel_loop3A_268, %parallel_loop3A_262 : vector<16xi1>, vector<16xf32>
      %parallel_loop3A_271 = arith.constant 27 : i32
      %parallel_loop3A_272 = vector.broadcast %parallel_loop3A_271 : i32 to vector<16xi32>
      %parallel_loop3A_273 = arith.select %parallel_loop3A_269, %parallel_loop3A_272, %parallel_loop3A_265 : vector<16xi1>, vector<16xi32>
      %parallel_loop3A_274 = arith.constant 28 : i32
      %parallel_loop3A_275 = vector.broadcast %parallel_loop3A_274 : i32 to vector<16xi32>
      %parallel_loop3A_276 = tpu.vector_load_idx %arg7[%parallel_loop3A_41, %parallel_loop3A_275] : memref<252x64xf32, #tpu.memory_space<vmem>>[vector<16xi32>, vector<16xi32>], vector<16xf32>,
      %parallel_loop3A_277 = arith.cmpf ogt, %parallel_loop3A_276, %parallel_loop3A_270 : vector<16xf32>
      %parallel_loop3A_278 = arith.select %parallel_loop3A_277, %parallel_loop3A_276, %parallel_loop3A_270 : vector<16xi1>, vector<16xf32>
      %parallel_loop3A_279 = arith.constant 28 : i32
      %parallel_loop3A_280 = vector.broadcast %parallel_loop3A_279 : i32 to vector<16xi32>
      %parallel_loop3A_281 = arith.select %parallel_loop3A_277, %parallel_loop3A_280, %parallel_loop3A_273 : vector<16xi1>, vector<16xi32>
      %parallel_loop3A_282 = arith.constant 29 : i32
      %parallel_loop3A_283 = vector.broadcast %parallel_loop3A_282 : i32 to vector<16xi32>
      %parallel_loop3A_284 = tpu.vector_load_idx %arg7[%parallel_loop3A_41, %parallel_loop3A_283] : memref<252x64xf32, #tpu.memory_space<vmem>>[vector<16xi32>, vector<16xi32>], vector<16xf32>,
      %parallel_loop3A_285 = arith.cmpf ogt, %parallel_loop3A_284, %parallel_loop3A_278 : vector<16xf32>
      %parallel_loop3A_286 = arith.select %parallel_loop3A_285, %parallel_loop3A_284, %parallel_loop3A_278 : vector<16xi1>, vector<16xf32>
      %parallel_loop3A_287 = arith.constant 29 : i32
      %parallel_loop3A_288 = vector.broadcast %parallel_loop3A_287 : i32 to vector<16xi32>
      %parallel_loop3A_289 = arith.select %parallel_loop3A_285, %parallel_loop3A_288, %parallel_loop3A_281 : vector<16xi1>, vector<16xi32>
      %parallel_loop3A_290 = arith.constant 30 : i32
      %parallel_loop3A_291 = vector.broadcast %parallel_loop3A_290 : i32 to vector<16xi32>
      %parallel_loop3A_292 = tpu.vector_load_idx %arg7[%parallel_loop3A_41, %parallel_loop3A_291] : memref<252x64xf32, #tpu.memory_space<vmem>>[vector<16xi32>, vector<16xi32>], vector<16xf32>,
      %parallel_loop3A_293 = arith.cmpf ogt, %parallel_loop3A_292, %parallel_loop3A_286 : vector<16xf32>
      %parallel_loop3A_294 = arith.select %parallel_loop3A_293, %parallel_loop3A_292, %parallel_loop3A_286 : vector<16xi1>, vector<16xf32>
      %parallel_loop3A_295 = arith.constant 30 : i32
      %parallel_loop3A_296 = vector.broadcast %parallel_loop3A_295 : i32 to vector<16xi32>
      %parallel_loop3A_297 = arith.select %parallel_loop3A_293, %parallel_loop3A_296, %parallel_loop3A_289 : vector<16xi1>, vector<16xi32>
      %parallel_loop3A_298 = arith.constant 31 : i32
      %parallel_loop3A_299 = vector.broadcast %parallel_loop3A_298 : i32 to vector<16xi32>
      %parallel_loop3A_300 = tpu.vector_load_idx %arg7[%parallel_loop3A_41, %parallel_loop3A_299] : memref<252x64xf32, #tpu.memory_space<vmem>>[vector<16xi32>, vector<16xi32>], vector<16xf32>,
      %parallel_loop3A_301 = arith.cmpf ogt, %parallel_loop3A_300, %parallel_loop3A_294 : vector<16xf32>
      %parallel_loop3A_302 = arith.select %parallel_loop3A_301, %parallel_loop3A_300, %parallel_loop3A_294 : vector<16xi1>, vector<16xf32>
      %parallel_loop3A_303 = arith.constant 31 : i32
      %parallel_loop3A_304 = vector.broadcast %parallel_loop3A_303 : i32 to vector<16xi32>
      %parallel_loop3A_305 = arith.select %parallel_loop3A_301, %parallel_loop3A_304, %parallel_loop3A_297 : vector<16xi1>, vector<16xi32>
      %parallel_loop3A_306 = arith.constant 0xFF800000 : f32
      %parallel_loop3A_307 = vector.broadcast %parallel_loop3A_306 : f32 to vector<16xf32>
      %parallel_loop3A_308 = arith.constant 0 : i32
      %parallel_loop3A_309 = vector.broadcast %parallel_loop3A_308 : i32 to vector<16xi32>
      %parallel_loop3A_310 = arith.constant 32 : i32
      %parallel_loop3A_311 = vector.broadcast %parallel_loop3A_310 : i32 to vector<16xi32>
      %parallel_loop3A_312 = tpu.vector_load_idx %arg7[%parallel_loop3A_41, %parallel_loop3A_311] : memref<252x64xf32, #tpu.memory_space<vmem>>[vector<16xi32>, vector<16xi32>], vector<16xf32>,
      %parallel_loop3A_313 = arith.cmpf ogt, %parallel_loop3A_312, %parallel_loop3A_307 : vector<16xf32>
      %parallel_loop3A_314 = arith.select %parallel_loop3A_313, %parallel_loop3A_312, %parallel_loop3A_307 : vector<16xi1>, vector<16xf32>
      %parallel_loop3A_315 = arith.constant 32 : i32
      %parallel_loop3A_316 = vector.broadcast %parallel_loop3A_315 : i32 to vector<16xi32>
      %parallel_loop3A_317 = arith.select %parallel_loop3A_313, %parallel_loop3A_316, %parallel_loop3A_309 : vector<16xi1>, vector<16xi32>
      %parallel_loop3A_318 = arith.constant 33 : i32
      %parallel_loop3A_319 = vector.broadcast %parallel_loop3A_318 : i32 to vector<16xi32>
      %parallel_loop3A_320 = tpu.vector_load_idx %arg7[%parallel_loop3A_41, %parallel_loop3A_319] : memref<252x64xf32, #tpu.memory_space<vmem>>[vector<16xi32>, vector<16xi32>], vector<16xf32>,
      %parallel_loop3A_321 = arith.cmpf ogt, %parallel_loop3A_320, %parallel_loop3A_314 : vector<16xf32>
      %parallel_loop3A_322 = arith.select %parallel_loop3A_321, %parallel_loop3A_320, %parallel_loop3A_314 : vector<16xi1>, vector<16xf32>
      %parallel_loop3A_323 = arith.constant 33 : i32
      %parallel_loop3A_324 = vector.broadcast %parallel_loop3A_323 : i32 to vector<16xi32>
      %parallel_loop3A_325 = arith.select %parallel_loop3A_321, %parallel_loop3A_324, %parallel_loop3A_317 : vector<16xi1>, vector<16xi32>
      %parallel_loop3A_326 = arith.constant 34 : i32
      %parallel_loop3A_327 = vector.broadcast %parallel_loop3A_326 : i32 to vector<16xi32>
      %parallel_loop3A_328 = tpu.vector_load_idx %arg7[%parallel_loop3A_41, %parallel_loop3A_327] : memref<252x64xf32, #tpu.memory_space<vmem>>[vector<16xi32>, vector<16xi32>], vector<16xf32>,
      %parallel_loop3A_329 = arith.cmpf ogt, %parallel_loop3A_328, %parallel_loop3A_322 : vector<16xf32>
      %parallel_loop3A_330 = arith.select %parallel_loop3A_329, %parallel_loop3A_328, %parallel_loop3A_322 : vector<16xi1>, vector<16xf32>
      %parallel_loop3A_331 = arith.constant 34 : i32
      %parallel_loop3A_332 = vector.broadcast %parallel_loop3A_331 : i32 to vector<16xi32>
      %parallel_loop3A_333 = arith.select %parallel_loop3A_329, %parallel_loop3A_332, %parallel_loop3A_325 : vector<16xi1>, vector<16xi32>
      %parallel_loop3A_334 = arith.constant 35 : i32
      %parallel_loop3A_335 = vector.broadcast %parallel_loop3A_334 : i32 to vector<16xi32>
      %parallel_loop3A_336 = tpu.vector_load_idx %arg7[%parallel_loop3A_41, %parallel_loop3A_335] : memref<252x64xf32, #tpu.memory_space<vmem>>[vector<16xi32>, vector<16xi32>], vector<16xf32>,
      %parallel_loop3A_337 = arith.cmpf ogt, %parallel_loop3A_336, %parallel_loop3A_330 : vector<16xf32>
      %parallel_loop3A_338 = arith.select %parallel_loop3A_337, %parallel_loop3A_336, %parallel_loop3A_330 : vector<16xi1>, vector<16xf32>
      %parallel_loop3A_339 = arith.constant 35 : i32
      %parallel_loop3A_340 = vector.broadcast %parallel_loop3A_339 : i32 to vector<16xi32>
      %parallel_loop3A_341 = arith.select %parallel_loop3A_337, %parallel_loop3A_340, %parallel_loop3A_333 : vector<16xi1>, vector<16xi32>
      %parallel_loop3A_342 = arith.constant 36 : i32
      %parallel_loop3A_343 = vector.broadcast %parallel_loop3A_342 : i32 to vector<16xi32>
      %parallel_loop3A_344 = tpu.vector_load_idx %arg7[%parallel_loop3A_41, %parallel_loop3A_343] : memref<252x64xf32, #tpu.memory_space<vmem>>[vector<16xi32>, vector<16xi32>], vector<16xf32>,
      %parallel_loop3A_345 = arith.cmpf ogt, %parallel_loop3A_344, %parallel_loop3A_338 : vector<16xf32>
      %parallel_loop3A_346 = arith.select %parallel_loop3A_345, %parallel_loop3A_344, %parallel_loop3A_338 : vector<16xi1>, vector<16xf32>
      %parallel_loop3A_347 = arith.constant 36 : i32
      %parallel_loop3A_348 = vector.broadcast %parallel_loop3A_347 : i32 to vector<16xi32>
      %parallel_loop3A_349 = arith.select %parallel_loop3A_345, %parallel_loop3A_348, %parallel_loop3A_341 : vector<16xi1>, vector<16xi32>
      %parallel_loop3A_350 = arith.constant 37 : i32
      %parallel_loop3A_351 = vector.broadcast %parallel_loop3A_350 : i32 to vector<16xi32>
      %parallel_loop3A_352 = tpu.vector_load_idx %arg7[%parallel_loop3A_41, %parallel_loop3A_351] : memref<252x64xf32, #tpu.memory_space<vmem>>[vector<16xi32>, vector<16xi32>], vector<16xf32>,
      %parallel_loop3A_353 = arith.cmpf ogt, %parallel_loop3A_352, %parallel_loop3A_346 : vector<16xf32>
      %parallel_loop3A_354 = arith.select %parallel_loop3A_353, %parallel_loop3A_352, %parallel_loop3A_346 : vector<16xi1>, vector<16xf32>
      %parallel_loop3A_355 = arith.constant 37 : i32
      %parallel_loop3A_356 = vector.broadcast %parallel_loop3A_355 : i32 to vector<16xi32>
      %parallel_loop3A_357 = arith.select %parallel_loop3A_353, %parallel_loop3A_356, %parallel_loop3A_349 : vector<16xi1>, vector<16xi32>
      %parallel_loop3A_358 = arith.constant 38 : i32
      %parallel_loop3A_359 = vector.broadcast %parallel_loop3A_358 : i32 to vector<16xi32>
      %parallel_loop3A_360 = tpu.vector_load_idx %arg7[%parallel_loop3A_41, %parallel_loop3A_359] : memref<252x64xf32, #tpu.memory_space<vmem>>[vector<16xi32>, vector<16xi32>], vector<16xf32>,
      %parallel_loop3A_361 = arith.cmpf ogt, %parallel_loop3A_360, %parallel_loop3A_354 : vector<16xf32>
      %parallel_loop3A_362 = arith.select %parallel_loop3A_361, %parallel_loop3A_360, %parallel_loop3A_354 : vector<16xi1>, vector<16xf32>
      %parallel_loop3A_363 = arith.constant 38 : i32
      %parallel_loop3A_364 = vector.broadcast %parallel_loop3A_363 : i32 to vector<16xi32>
      %parallel_loop3A_365 = arith.select %parallel_loop3A_361, %parallel_loop3A_364, %parallel_loop3A_357 : vector<16xi1>, vector<16xi32>
      %parallel_loop3A_366 = arith.constant 39 : i32
      %parallel_loop3A_367 = vector.broadcast %parallel_loop3A_366 : i32 to vector<16xi32>
      %parallel_loop3A_368 = tpu.vector_load_idx %arg7[%parallel_loop3A_41, %parallel_loop3A_367] : memref<252x64xf32, #tpu.memory_space<vmem>>[vector<16xi32>, vector<16xi32>], vector<16xf32>,
      %parallel_loop3A_369 = arith.cmpf ogt, %parallel_loop3A_368, %parallel_loop3A_362 : vector<16xf32>
      %parallel_loop3A_370 = arith.select %parallel_loop3A_369, %parallel_loop3A_368, %parallel_loop3A_362 : vector<16xi1>, vector<16xf32>
      %parallel_loop3A_371 = arith.constant 39 : i32
      %parallel_loop3A_372 = vector.broadcast %parallel_loop3A_371 : i32 to vector<16xi32>
      %parallel_loop3A_373 = arith.select %parallel_loop3A_369, %parallel_loop3A_372, %parallel_loop3A_365 : vector<16xi1>, vector<16xi32>
      %parallel_loop3A_374 = arith.constant 40 : i32
      %parallel_loop3A_375 = vector.broadcast %parallel_loop3A_374 : i32 to vector<16xi32>
      %parallel_loop3A_376 = tpu.vector_load_idx %arg7[%parallel_loop3A_41, %parallel_loop3A_375] : memref<252x64xf32, #tpu.memory_space<vmem>>[vector<16xi32>, vector<16xi32>], vector<16xf32>,
      %parallel_loop3A_377 = arith.cmpf ogt, %parallel_loop3A_376, %parallel_loop3A_370 : vector<16xf32>
      %parallel_loop3A_378 = arith.select %parallel_loop3A_377, %parallel_loop3A_376, %parallel_loop3A_370 : vector<16xi1>, vector<16xf32>
      %parallel_loop3A_379 = arith.constant 40 : i32
      %parallel_loop3A_380 = vector.broadcast %parallel_loop3A_379 : i32 to vector<16xi32>
      %parallel_loop3A_381 = arith.select %parallel_loop3A_377, %parallel_loop3A_380, %parallel_loop3A_373 : vector<16xi1>, vector<16xi32>
      %parallel_loop3A_382 = arith.constant 41 : i32
      %parallel_loop3A_383 = vector.broadcast %parallel_loop3A_382 : i32 to vector<16xi32>
      %parallel_loop3A_384 = tpu.vector_load_idx %arg7[%parallel_loop3A_41, %parallel_loop3A_383] : memref<252x64xf32, #tpu.memory_space<vmem>>[vector<16xi32>, vector<16xi32>], vector<16xf32>,
      %parallel_loop3A_385 = arith.cmpf ogt, %parallel_loop3A_384, %parallel_loop3A_378 : vector<16xf32>
      %parallel_loop3A_386 = arith.select %parallel_loop3A_385, %parallel_loop3A_384, %parallel_loop3A_378 : vector<16xi1>, vector<16xf32>
      %parallel_loop3A_387 = arith.constant 41 : i32
      %parallel_loop3A_388 = vector.broadcast %parallel_loop3A_387 : i32 to vector<16xi32>
      %parallel_loop3A_389 = arith.select %parallel_loop3A_385, %parallel_loop3A_388, %parallel_loop3A_381 : vector<16xi1>, vector<16xi32>
      %parallel_loop3A_390 = arith.constant 42 : i32
      %parallel_loop3A_391 = vector.broadcast %parallel_loop3A_390 : i32 to vector<16xi32>
      %parallel_loop3A_392 = tpu.vector_load_idx %arg7[%parallel_loop3A_41, %parallel_loop3A_391] : memref<252x64xf32, #tpu.memory_space<vmem>>[vector<16xi32>, vector<16xi32>], vector<16xf32>,
      %parallel_loop3A_393 = arith.cmpf ogt, %parallel_loop3A_392, %parallel_loop3A_386 : vector<16xf32>
      %parallel_loop3A_394 = arith.select %parallel_loop3A_393, %parallel_loop3A_392, %parallel_loop3A_386 : vector<16xi1>, vector<16xf32>
      %parallel_loop3A_395 = arith.constant 42 : i32
      %parallel_loop3A_396 = vector.broadcast %parallel_loop3A_395 : i32 to vector<16xi32>
      %parallel_loop3A_397 = arith.select %parallel_loop3A_393, %parallel_loop3A_396, %parallel_loop3A_389 : vector<16xi1>, vector<16xi32>
      %parallel_loop3A_398 = arith.constant 43 : i32
      %parallel_loop3A_399 = vector.broadcast %parallel_loop3A_398 : i32 to vector<16xi32>
      %parallel_loop3A_400 = tpu.vector_load_idx %arg7[%parallel_loop3A_41, %parallel_loop3A_399] : memref<252x64xf32, #tpu.memory_space<vmem>>[vector<16xi32>, vector<16xi32>], vector<16xf32>,
      %parallel_loop3A_401 = arith.cmpf ogt, %parallel_loop3A_400, %parallel_loop3A_394 : vector<16xf32>
      %parallel_loop3A_402 = arith.select %parallel_loop3A_401, %parallel_loop3A_400, %parallel_loop3A_394 : vector<16xi1>, vector<16xf32>
      %parallel_loop3A_403 = arith.constant 43 : i32
      %parallel_loop3A_404 = vector.broadcast %parallel_loop3A_403 : i32 to vector<16xi32>
      %parallel_loop3A_405 = arith.select %parallel_loop3A_401, %parallel_loop3A_404, %parallel_loop3A_397 : vector<16xi1>, vector<16xi32>
      %parallel_loop3A_406 = arith.constant 44 : i32
      %parallel_loop3A_407 = vector.broadcast %parallel_loop3A_406 : i32 to vector<16xi32>
      %parallel_loop3A_408 = tpu.vector_load_idx %arg7[%parallel_loop3A_41, %parallel_loop3A_407] : memref<252x64xf32, #tpu.memory_space<vmem>>[vector<16xi32>, vector<16xi32>], vector<16xf32>,
      %parallel_loop3A_409 = arith.cmpf ogt, %parallel_loop3A_408, %parallel_loop3A_402 : vector<16xf32>
      %parallel_loop3A_410 = arith.select %parallel_loop3A_409, %parallel_loop3A_408, %parallel_loop3A_402 : vector<16xi1>, vector<16xf32>
      %parallel_loop3A_411 = arith.constant 44 : i32
      %parallel_loop3A_412 = vector.broadcast %parallel_loop3A_411 : i32 to vector<16xi32>
      %parallel_loop3A_413 = arith.select %parallel_loop3A_409, %parallel_loop3A_412, %parallel_loop3A_405 : vector<16xi1>, vector<16xi32>
      %parallel_loop3A_414 = arith.constant 45 : i32
      %parallel_loop3A_415 = vector.broadcast %parallel_loop3A_414 : i32 to vector<16xi32>
      %parallel_loop3A_416 = tpu.vector_load_idx %arg7[%parallel_loop3A_41, %parallel_loop3A_415] : memref<252x64xf32, #tpu.memory_space<vmem>>[vector<16xi32>, vector<16xi32>], vector<16xf32>,
      %parallel_loop3A_417 = arith.cmpf ogt, %parallel_loop3A_416, %parallel_loop3A_410 : vector<16xf32>
      %parallel_loop3A_418 = arith.select %parallel_loop3A_417, %parallel_loop3A_416, %parallel_loop3A_410 : vector<16xi1>, vector<16xf32>
      %parallel_loop3A_419 = arith.constant 45 : i32
      %parallel_loop3A_420 = vector.broadcast %parallel_loop3A_419 : i32 to vector<16xi32>
      %parallel_loop3A_421 = arith.select %parallel_loop3A_417, %parallel_loop3A_420, %parallel_loop3A_413 : vector<16xi1>, vector<16xi32>
      %parallel_loop3A_422 = arith.constant 46 : i32
      %parallel_loop3A_423 = vector.broadcast %parallel_loop3A_422 : i32 to vector<16xi32>
      %parallel_loop3A_424 = tpu.vector_load_idx %arg7[%parallel_loop3A_41, %parallel_loop3A_423] : memref<252x64xf32, #tpu.memory_space<vmem>>[vector<16xi32>, vector<16xi32>], vector<16xf32>,
      %parallel_loop3A_425 = arith.cmpf ogt, %parallel_loop3A_424, %parallel_loop3A_418 : vector<16xf32>
      %parallel_loop3A_426 = arith.select %parallel_loop3A_425, %parallel_loop3A_424, %parallel_loop3A_418 : vector<16xi1>, vector<16xf32>
      %parallel_loop3A_427 = arith.constant 46 : i32
      %parallel_loop3A_428 = vector.broadcast %parallel_loop3A_427 : i32 to vector<16xi32>
      %parallel_loop3A_429 = arith.select %parallel_loop3A_425, %parallel_loop3A_428, %parallel_loop3A_421 : vector<16xi1>, vector<16xi32>
      %parallel_loop3A_430 = arith.constant 47 : i32
      %parallel_loop3A_431 = vector.broadcast %parallel_loop3A_430 : i32 to vector<16xi32>
      %parallel_loop3A_432 = tpu.vector_load_idx %arg7[%parallel_loop3A_41, %parallel_loop3A_431] : memref<252x64xf32, #tpu.memory_space<vmem>>[vector<16xi32>, vector<16xi32>], vector<16xf32>,
      %parallel_loop3A_433 = arith.cmpf ogt, %parallel_loop3A_432, %parallel_loop3A_426 : vector<16xf32>
      %parallel_loop3A_434 = arith.select %parallel_loop3A_433, %parallel_loop3A_432, %parallel_loop3A_426 : vector<16xi1>, vector<16xf32>
      %parallel_loop3A_435 = arith.constant 47 : i32
      %parallel_loop3A_436 = vector.broadcast %parallel_loop3A_435 : i32 to vector<16xi32>
      %parallel_loop3A_437 = arith.select %parallel_loop3A_433, %parallel_loop3A_436, %parallel_loop3A_429 : vector<16xi1>, vector<16xi32>
      %parallel_loop3A_438 = arith.constant 0xFF800000 : f32
      %parallel_loop3A_439 = vector.broadcast %parallel_loop3A_438 : f32 to vector<16xf32>
      %parallel_loop3A_440 = arith.constant 0 : i32
      %parallel_loop3A_441 = vector.broadcast %parallel_loop3A_440 : i32 to vector<16xi32>
      %parallel_loop3A_442 = arith.constant 48 : i32
      %parallel_loop3A_443 = vector.broadcast %parallel_loop3A_442 : i32 to vector<16xi32>
      %parallel_loop3A_444 = tpu.vector_load_idx %arg7[%parallel_loop3A_41, %parallel_loop3A_443] : memref<252x64xf32, #tpu.memory_space<vmem>>[vector<16xi32>, vector<16xi32>], vector<16xf32>,
      %parallel_loop3A_445 = arith.cmpf ogt, %parallel_loop3A_444, %parallel_loop3A_439 : vector<16xf32>
      %parallel_loop3A_446 = arith.select %parallel_loop3A_445, %parallel_loop3A_444, %parallel_loop3A_439 : vector<16xi1>, vector<16xf32>
      %parallel_loop3A_447 = arith.constant 48 : i32
      %parallel_loop3A_448 = vector.broadcast %parallel_loop3A_447 : i32 to vector<16xi32>
      %parallel_loop3A_449 = arith.select %parallel_loop3A_445, %parallel_loop3A_448, %parallel_loop3A_441 : vector<16xi1>, vector<16xi32>
      %parallel_loop3A_450 = arith.constant 49 : i32
      %parallel_loop3A_451 = vector.broadcast %parallel_loop3A_450 : i32 to vector<16xi32>
      %parallel_loop3A_452 = tpu.vector_load_idx %arg7[%parallel_loop3A_41, %parallel_loop3A_451] : memref<252x64xf32, #tpu.memory_space<vmem>>[vector<16xi32>, vector<16xi32>], vector<16xf32>,
      %parallel_loop3A_453 = arith.cmpf ogt, %parallel_loop3A_452, %parallel_loop3A_446 : vector<16xf32>
      %parallel_loop3A_454 = arith.select %parallel_loop3A_453, %parallel_loop3A_452, %parallel_loop3A_446 : vector<16xi1>, vector<16xf32>
      %parallel_loop3A_455 = arith.constant 49 : i32
      %parallel_loop3A_456 = vector.broadcast %parallel_loop3A_455 : i32 to vector<16xi32>
      %parallel_loop3A_457 = arith.select %parallel_loop3A_453, %parallel_loop3A_456, %parallel_loop3A_449 : vector<16xi1>, vector<16xi32>
      %parallel_loop3A_458 = arith.constant 50 : i32
      %parallel_loop3A_459 = vector.broadcast %parallel_loop3A_458 : i32 to vector<16xi32>
      %parallel_loop3A_460 = tpu.vector_load_idx %arg7[%parallel_loop3A_41, %parallel_loop3A_459] : memref<252x64xf32, #tpu.memory_space<vmem>>[vector<16xi32>, vector<16xi32>], vector<16xf32>,
      %parallel_loop3A_461 = arith.cmpf ogt, %parallel_loop3A_460, %parallel_loop3A_454 : vector<16xf32>
      %parallel_loop3A_462 = arith.select %parallel_loop3A_461, %parallel_loop3A_460, %parallel_loop3A_454 : vector<16xi1>, vector<16xf32>
      %parallel_loop3A_463 = arith.constant 50 : i32
      %parallel_loop3A_464 = vector.broadcast %parallel_loop3A_463 : i32 to vector<16xi32>
      %parallel_loop3A_465 = arith.select %parallel_loop3A_461, %parallel_loop3A_464, %parallel_loop3A_457 : vector<16xi1>, vector<16xi32>
      %parallel_loop3A_466 = arith.constant 51 : i32
      %parallel_loop3A_467 = vector.broadcast %parallel_loop3A_466 : i32 to vector<16xi32>
      %parallel_loop3A_468 = tpu.vector_load_idx %arg7[%parallel_loop3A_41, %parallel_loop3A_467] : memref<252x64xf32, #tpu.memory_space<vmem>>[vector<16xi32>, vector<16xi32>], vector<16xf32>,
      %parallel_loop3A_469 = arith.cmpf ogt, %parallel_loop3A_468, %parallel_loop3A_462 : vector<16xf32>
      %parallel_loop3A_470 = arith.select %parallel_loop3A_469, %parallel_loop3A_468, %parallel_loop3A_462 : vector<16xi1>, vector<16xf32>
      %parallel_loop3A_471 = arith.constant 51 : i32
      %parallel_loop3A_472 = vector.broadcast %parallel_loop3A_471 : i32 to vector<16xi32>
      %parallel_loop3A_473 = arith.select %parallel_loop3A_469, %parallel_loop3A_472, %parallel_loop3A_465 : vector<16xi1>, vector<16xi32>
      %parallel_loop3A_474 = arith.constant 52 : i32
      %parallel_loop3A_475 = vector.broadcast %parallel_loop3A_474 : i32 to vector<16xi32>
      %parallel_loop3A_476 = tpu.vector_load_idx %arg7[%parallel_loop3A_41, %parallel_loop3A_475] : memref<252x64xf32, #tpu.memory_space<vmem>>[vector<16xi32>, vector<16xi32>], vector<16xf32>,
      %parallel_loop3A_477 = arith.cmpf ogt, %parallel_loop3A_476, %parallel_loop3A_470 : vector<16xf32>
      %parallel_loop3A_478 = arith.select %parallel_loop3A_477, %parallel_loop3A_476, %parallel_loop3A_470 : vector<16xi1>, vector<16xf32>
      %parallel_loop3A_479 = arith.constant 52 : i32
      %parallel_loop3A_480 = vector.broadcast %parallel_loop3A_479 : i32 to vector<16xi32>
      %parallel_loop3A_481 = arith.select %parallel_loop3A_477, %parallel_loop3A_480, %parallel_loop3A_473 : vector<16xi1>, vector<16xi32>
      %parallel_loop3A_482 = arith.constant 53 : i32
      %parallel_loop3A_483 = vector.broadcast %parallel_loop3A_482 : i32 to vector<16xi32>
      %parallel_loop3A_484 = tpu.vector_load_idx %arg7[%parallel_loop3A_41, %parallel_loop3A_483] : memref<252x64xf32, #tpu.memory_space<vmem>>[vector<16xi32>, vector<16xi32>], vector<16xf32>,
      %parallel_loop3A_485 = arith.cmpf ogt, %parallel_loop3A_484, %parallel_loop3A_478 : vector<16xf32>
      %parallel_loop3A_486 = arith.select %parallel_loop3A_485, %parallel_loop3A_484, %parallel_loop3A_478 : vector<16xi1>, vector<16xf32>
      %parallel_loop3A_487 = arith.constant 53 : i32
      %parallel_loop3A_488 = vector.broadcast %parallel_loop3A_487 : i32 to vector<16xi32>
      %parallel_loop3A_489 = arith.select %parallel_loop3A_485, %parallel_loop3A_488, %parallel_loop3A_481 : vector<16xi1>, vector<16xi32>
      %parallel_loop3A_490 = arith.constant 54 : i32
      %parallel_loop3A_491 = vector.broadcast %parallel_loop3A_490 : i32 to vector<16xi32>
      %parallel_loop3A_492 = tpu.vector_load_idx %arg7[%parallel_loop3A_41, %parallel_loop3A_491] : memref<252x64xf32, #tpu.memory_space<vmem>>[vector<16xi32>, vector<16xi32>], vector<16xf32>,
      %parallel_loop3A_493 = arith.cmpf ogt, %parallel_loop3A_492, %parallel_loop3A_486 : vector<16xf32>
      %parallel_loop3A_494 = arith.select %parallel_loop3A_493, %parallel_loop3A_492, %parallel_loop3A_486 : vector<16xi1>, vector<16xf32>
      %parallel_loop3A_495 = arith.constant 54 : i32
      %parallel_loop3A_496 = vector.broadcast %parallel_loop3A_495 : i32 to vector<16xi32>
      %parallel_loop3A_497 = arith.select %parallel_loop3A_493, %parallel_loop3A_496, %parallel_loop3A_489 : vector<16xi1>, vector<16xi32>
      %parallel_loop3A_498 = arith.constant 55 : i32
      %parallel_loop3A_499 = vector.broadcast %parallel_loop3A_498 : i32 to vector<16xi32>
      %parallel_loop3A_500 = tpu.vector_load_idx %arg7[%parallel_loop3A_41, %parallel_loop3A_499] : memref<252x64xf32, #tpu.memory_space<vmem>>[vector<16xi32>, vector<16xi32>], vector<16xf32>,
      %parallel_loop3A_501 = arith.cmpf ogt, %parallel_loop3A_500, %parallel_loop3A_494 : vector<16xf32>
      %parallel_loop3A_502 = arith.select %parallel_loop3A_501, %parallel_loop3A_500, %parallel_loop3A_494 : vector<16xi1>, vector<16xf32>
      %parallel_loop3A_503 = arith.constant 55 : i32
      %parallel_loop3A_504 = vector.broadcast %parallel_loop3A_503 : i32 to vector<16xi32>
      %parallel_loop3A_505 = arith.select %parallel_loop3A_501, %parallel_loop3A_504, %parallel_loop3A_497 : vector<16xi1>, vector<16xi32>
      %parallel_loop3A_506 = arith.constant 56 : i32
      %parallel_loop3A_507 = vector.broadcast %parallel_loop3A_506 : i32 to vector<16xi32>
      %parallel_loop3A_508 = tpu.vector_load_idx %arg7[%parallel_loop3A_41, %parallel_loop3A_507] : memref<252x64xf32, #tpu.memory_space<vmem>>[vector<16xi32>, vector<16xi32>], vector<16xf32>,
      %parallel_loop3A_509 = arith.cmpf ogt, %parallel_loop3A_508, %parallel_loop3A_502 : vector<16xf32>
      %parallel_loop3A_510 = arith.select %parallel_loop3A_509, %parallel_loop3A_508, %parallel_loop3A_502 : vector<16xi1>, vector<16xf32>
      %parallel_loop3A_511 = arith.constant 56 : i32
      %parallel_loop3A_512 = vector.broadcast %parallel_loop3A_511 : i32 to vector<16xi32>
      %parallel_loop3A_513 = arith.select %parallel_loop3A_509, %parallel_loop3A_512, %parallel_loop3A_505 : vector<16xi1>, vector<16xi32>
      %parallel_loop3A_514 = arith.constant 57 : i32
      %parallel_loop3A_515 = vector.broadcast %parallel_loop3A_514 : i32 to vector<16xi32>
      %parallel_loop3A_516 = tpu.vector_load_idx %arg7[%parallel_loop3A_41, %parallel_loop3A_515] : memref<252x64xf32, #tpu.memory_space<vmem>>[vector<16xi32>, vector<16xi32>], vector<16xf32>,
      %parallel_loop3A_517 = arith.cmpf ogt, %parallel_loop3A_516, %parallel_loop3A_510 : vector<16xf32>
      %parallel_loop3A_518 = arith.select %parallel_loop3A_517, %parallel_loop3A_516, %parallel_loop3A_510 : vector<16xi1>, vector<16xf32>
      %parallel_loop3A_519 = arith.constant 57 : i32
      %parallel_loop3A_520 = vector.broadcast %parallel_loop3A_519 : i32 to vector<16xi32>
      %parallel_loop3A_521 = arith.select %parallel_loop3A_517, %parallel_loop3A_520, %parallel_loop3A_513 : vector<16xi1>, vector<16xi32>
      %parallel_loop3A_522 = arith.constant 58 : i32
      %parallel_loop3A_523 = vector.broadcast %parallel_loop3A_522 : i32 to vector<16xi32>
      %parallel_loop3A_524 = tpu.vector_load_idx %arg7[%parallel_loop3A_41, %parallel_loop3A_523] : memref<252x64xf32, #tpu.memory_space<vmem>>[vector<16xi32>, vector<16xi32>], vector<16xf32>,
      %parallel_loop3A_525 = arith.cmpf ogt, %parallel_loop3A_524, %parallel_loop3A_518 : vector<16xf32>
      %parallel_loop3A_526 = arith.select %parallel_loop3A_525, %parallel_loop3A_524, %parallel_loop3A_518 : vector<16xi1>, vector<16xf32>
      %parallel_loop3A_527 = arith.constant 58 : i32
      %parallel_loop3A_528 = vector.broadcast %parallel_loop3A_527 : i32 to vector<16xi32>
      %parallel_loop3A_529 = arith.select %parallel_loop3A_525, %parallel_loop3A_528, %parallel_loop3A_521 : vector<16xi1>, vector<16xi32>
      %parallel_loop3A_530 = arith.constant 59 : i32
      %parallel_loop3A_531 = vector.broadcast %parallel_loop3A_530 : i32 to vector<16xi32>
      %parallel_loop3A_532 = tpu.vector_load_idx %arg7[%parallel_loop3A_41, %parallel_loop3A_531] : memref<252x64xf32, #tpu.memory_space<vmem>>[vector<16xi32>, vector<16xi32>], vector<16xf32>,
      %parallel_loop3A_533 = arith.cmpf ogt, %parallel_loop3A_532, %parallel_loop3A_526 : vector<16xf32>
      %parallel_loop3A_534 = arith.select %parallel_loop3A_533, %parallel_loop3A_532, %parallel_loop3A_526 : vector<16xi1>, vector<16xf32>
      %parallel_loop3A_535 = arith.constant 59 : i32
      %parallel_loop3A_536 = vector.broadcast %parallel_loop3A_535 : i32 to vector<16xi32>
      %parallel_loop3A_537 = arith.select %parallel_loop3A_533, %parallel_loop3A_536, %parallel_loop3A_529 : vector<16xi1>, vector<16xi32>
      %parallel_loop3A_538 = arith.constant 60 : i32
      %parallel_loop3A_539 = vector.broadcast %parallel_loop3A_538 : i32 to vector<16xi32>
      %parallel_loop3A_540 = tpu.vector_load_idx %arg7[%parallel_loop3A_41, %parallel_loop3A_539] : memref<252x64xf32, #tpu.memory_space<vmem>>[vector<16xi32>, vector<16xi32>], vector<16xf32>,
      %parallel_loop3A_541 = arith.cmpf ogt, %parallel_loop3A_540, %parallel_loop3A_534 : vector<16xf32>
      %parallel_loop3A_542 = arith.select %parallel_loop3A_541, %parallel_loop3A_540, %parallel_loop3A_534 : vector<16xi1>, vector<16xf32>
      %parallel_loop3A_543 = arith.constant 60 : i32
      %parallel_loop3A_544 = vector.broadcast %parallel_loop3A_543 : i32 to vector<16xi32>
      %parallel_loop3A_545 = arith.select %parallel_loop3A_541, %parallel_loop3A_544, %parallel_loop3A_537 : vector<16xi1>, vector<16xi32>
      %parallel_loop3A_546 = arith.constant 61 : i32
      %parallel_loop3A_547 = vector.broadcast %parallel_loop3A_546 : i32 to vector<16xi32>
      %parallel_loop3A_548 = tpu.vector_load_idx %arg7[%parallel_loop3A_41, %parallel_loop3A_547] : memref<252x64xf32, #tpu.memory_space<vmem>>[vector<16xi32>, vector<16xi32>], vector<16xf32>,
      %parallel_loop3A_549 = arith.cmpf ogt, %parallel_loop3A_548, %parallel_loop3A_542 : vector<16xf32>
      %parallel_loop3A_550 = arith.select %parallel_loop3A_549, %parallel_loop3A_548, %parallel_loop3A_542 : vector<16xi1>, vector<16xf32>
      %parallel_loop3A_551 = arith.constant 61 : i32
      %parallel_loop3A_552 = vector.broadcast %parallel_loop3A_551 : i32 to vector<16xi32>
      %parallel_loop3A_553 = arith.select %parallel_loop3A_549, %parallel_loop3A_552, %parallel_loop3A_545 : vector<16xi1>, vector<16xi32>
      %parallel_loop3A_554 = arith.constant 62 : i32
      %parallel_loop3A_555 = vector.broadcast %parallel_loop3A_554 : i32 to vector<16xi32>
      %parallel_loop3A_556 = tpu.vector_load_idx %arg7[%parallel_loop3A_41, %parallel_loop3A_555] : memref<252x64xf32, #tpu.memory_space<vmem>>[vector<16xi32>, vector<16xi32>], vector<16xf32>,
      %parallel_loop3A_557 = arith.cmpf ogt, %parallel_loop3A_556, %parallel_loop3A_550 : vector<16xf32>
      %parallel_loop3A_558 = arith.select %parallel_loop3A_557, %parallel_loop3A_556, %parallel_loop3A_550 : vector<16xi1>, vector<16xf32>
      %parallel_loop3A_559 = arith.constant 62 : i32
      %parallel_loop3A_560 = vector.broadcast %parallel_loop3A_559 : i32 to vector<16xi32>
      %parallel_loop3A_561 = arith.select %parallel_loop3A_557, %parallel_loop3A_560, %parallel_loop3A_553 : vector<16xi1>, vector<16xi32>
      %parallel_loop3A_562 = arith.constant 63 : i32
      %parallel_loop3A_563 = vector.broadcast %parallel_loop3A_562 : i32 to vector<16xi32>
      %parallel_loop3A_564 = tpu.vector_load_idx %arg7[%parallel_loop3A_41, %parallel_loop3A_563] : memref<252x64xf32, #tpu.memory_space<vmem>>[vector<16xi32>, vector<16xi32>], vector<16xf32>,
      %parallel_loop3A_565 = arith.cmpf ogt, %parallel_loop3A_564, %parallel_loop3A_558 : vector<16xf32>
      %parallel_loop3A_566 = arith.select %parallel_loop3A_565, %parallel_loop3A_564, %parallel_loop3A_558 : vector<16xi1>, vector<16xf32>
      %parallel_loop3A_567 = arith.constant 63 : i32
      %parallel_loop3A_568 = vector.broadcast %parallel_loop3A_567 : i32 to vector<16xi32>
      %parallel_loop3A_569 = arith.select %parallel_loop3A_565, %parallel_loop3A_568, %parallel_loop3A_561 : vector<16xi1>, vector<16xi32>
      %parallel_loop3A_570 = arith.cmpf ogt, %parallel_loop3A_302, %parallel_loop3A_170 : vector<16xf32>
      %parallel_loop3A_571 = arith.select %parallel_loop3A_570, %parallel_loop3A_302, %parallel_loop3A_170 : vector<16xi1>, vector<16xf32>
      %parallel_loop3A_572 = arith.select %parallel_loop3A_570, %parallel_loop3A_305, %parallel_loop3A_173 : vector<16xi1>, vector<16xi32>
      %parallel_loop3A_573 = arith.cmpf ogt, %parallel_loop3A_566, %parallel_loop3A_434 : vector<16xf32>
      %parallel_loop3A_574 = arith.select %parallel_loop3A_573, %parallel_loop3A_566, %parallel_loop3A_434 : vector<16xi1>, vector<16xf32>
      %parallel_loop3A_575 = arith.select %parallel_loop3A_573, %parallel_loop3A_569, %parallel_loop3A_437 : vector<16xi1>, vector<16xi32>
      %parallel_loop3A_576 = arith.cmpf ogt, %parallel_loop3A_574, %parallel_loop3A_571 : vector<16xf32>
      %parallel_loop3A_577 = arith.select %parallel_loop3A_576, %parallel_loop3A_574, %parallel_loop3A_571 : vector<16xi1>, vector<16xf32>
      %parallel_loop3A_578 = arith.select %parallel_loop3A_576, %parallel_loop3A_575, %parallel_loop3A_572 : vector<16xi1>, vector<16xi32>
      %parallel_loop3A_579 = tpu.vector_load_idx %arg8[%parallel_loop3A_41, %parallel_loop3A_578] : memref<252x64xf32, #tpu.memory_space<vmem>>[vector<16xi32>, vector<16xi32>], vector<16xf32>,
      %parallel_loop3A_580 = arith.constant 16 : i32
      %parallel_loop3A_581 = arith.muli %parallel_loop3A_34, %parallel_loop3A_580 : i32
      %parallel_loop3A_582 = arith.constant 16 : i32
      %parallel_loop3A_583 = arith.addi %parallel_loop3A_582, %parallel_loop3A_581 : i32
      %parallel_loop3A_584 = arith.index_cast %parallel_loop3A_583 : i32 to index
      %parallel_loop3A_585 = tpu.vector_load %arg9[%parallel_loop3A_584] {strides = array<i32>} : memref<288xi32, #tpu.memory_space<vmem>>, vector<16xi32>,
      tpu.vector_store %arg9[%parallel_loop3A_584], %parallel_loop3A_578 {strides = array<i32>} : memref<288xi32, #tpu.memory_space<vmem>>, vector<16xi32>,
      %parallel_loop3A_586 = arith.constant 16 : i32
      %parallel_loop3A_587 = arith.muli %parallel_loop3A_34, %parallel_loop3A_586 : i32
      %parallel_loop3A_588 = arith.constant 16 : i32
      %parallel_loop3A_589 = arith.addi %parallel_loop3A_588, %parallel_loop3A_587 : i32
      %parallel_loop3A_590 = arith.index_cast %parallel_loop3A_589 : i32 to index
      %parallel_loop3A_591 = tpu.vector_load %arg10[%parallel_loop3A_590] {strides = array<i32>} : memref<288xf32, #tpu.memory_space<vmem>>, vector<16xf32>,
      tpu.vector_store %arg10[%parallel_loop3A_590], %parallel_loop3A_579 {strides = array<i32>} : memref<288xf32, #tpu.memory_space<vmem>>, vector<16xf32>,
    } {sc.loop_unroll_factor = 2 : i64, sc.parallel_access}
    tpu.wait_dma2 semaphore(%arg15 : memref<!tpu.dma_semaphore, #tpu.memory_space<semaphore_mem>>) src(%arg4 : memref<512x64xf32, #tpu.memory_space<hbm>>) dst(%arg11 : memref<512x64xf32, #tpu.memory_space<vmem>>)
    %dma_wait3A_25 = arith.constant 0 : i32
    %dma_wait3A_26 = tpu.memref_slice %arg5[%mul3A_11, %dma_wait3A_25] : memref<128x64xf32, #tpu.memory_space<hbm>> -> memref<4x64xf32, #tpu.memory_space<hbm>>
    %dma_wait3A_27 = arith.constant 0 : i32
    %dma_wait3A_28 = tpu.memref_slice %arg5[%mul3A_11, %dma_wait3A_27] : memref<128x64xf32, #tpu.memory_space<hbm>> -> memref<4x64xf32, #tpu.memory_space<hbm>>
    tpu.wait_dma2 semaphore(%arg16 : memref<!tpu.dma_semaphore, #tpu.memory_space<semaphore_mem>>) src(%dma_wait3A_28 : memref<4x64xf32, #tpu.memory_space<hbm>>) dst(%arg12 : memref<4x64xf32, #tpu.memory_space<vmem>>)
    %parallel_loop3A_29 = arith.constant 0 : i32
    %parallel_loop3A_30 = arith.constant 32 : i32
    %parallel_loop3A_31 = arith.constant 1 : i32
    scf.for %parallel_loop3A_34 = %parallel_loop3A_29 to %parallel_loop3A_30 step %parallel_loop3A_31  : i32 {
      %parallel_loop3A_35 = arith.constant 16 : i32
      %parallel_loop3A_36 = arith.muli %parallel_loop3A_34, %parallel_loop3A_35 : i32
      %parallel_loop3A_37 = vector.broadcast %parallel_loop3A_36 : i32 to vector<16xi32>
      %parallel_loop3A_38 = arith.addi %parallel_loop3A_37, %iota3A : vector<16xi32>
      %parallel_loop3A_39 = arith.constant 16 : i32
      %parallel_loop3A_40 = vector.broadcast %parallel_loop3A_39 : i32 to vector<16xi32>
      %parallel_loop3A_41 = arith.constant 0 : i32
      %parallel_loop3A_42 = vector.broadcast %parallel_loop3A_41 : i32 to vector<16xi32>
      %parallel_loop3A_43 = arith.addi %parallel_loop3A_42, %parallel_loop3A_40 : vector<16xi32>
      %parallel_loop3A_44 = tpu.vector_load_idx %arg9[%parallel_loop3A_43] : memref<288xi32, #tpu.memory_space<vmem>>[vector<16xi32>], vector<16xi32>,
      %parallel_loop3A_45 = tpu.vector_load_idx %arg10[%parallel_loop3A_43] : memref<288xf32, #tpu.memory_space<vmem>>[vector<16xi32>], vector<16xf32>,
      %parallel_loop3A_46 = tpu.vector_load_idx %arg11[%parallel_loop3A_38, %parallel_loop3A_44] : memref<512x64xf32, #tpu.memory_space<vmem>>[vector<16xi32>, vector<16xi32>], vector<16xf32>,
      %parallel_loop3A_47 = arith.subf %parallel_loop3A_45, %parallel_loop3A_46 : vector<16xf32>
      %parallel_loop3A_48 = arith.constant 3.30518333E-7 : f32
      %parallel_loop3A_49 = vector.broadcast %parallel_loop3A_48 : f32 to vector<16xf32>
      %parallel_loop3A_50 = arith.cmpf ole, %parallel_loop3A_47, %parallel_loop3A_49 : vector<16xf32>
      %parallel_loop3A_51 = arith.constant 1 : i32
      %parallel_loop3A_52 = arith.constant 0 : i32
      %parallel_loop3A_53 = vector.broadcast %parallel_loop3A_51 : i32 to vector<16xi32>
      %parallel_loop3A_54 = vector.broadcast %parallel_loop3A_52 : i32 to vector<16xi32>
      %parallel_loop3A_55 = arith.select %parallel_loop3A_50, %parallel_loop3A_53, %parallel_loop3A_54 : vector<16xi1>, vector<16xi32>
      %parallel_loop3A_56 = arith.constant 2 : i32
      %parallel_loop3A_57 = vector.broadcast %parallel_loop3A_56 : i32 to vector<16xi32>
      %parallel_loop3A_58 = arith.muli %parallel_loop3A_57, %parallel_loop3A_42 : vector<16xi32>
      %parallel_loop3A_59 = arith.constant 1 : i32
      %parallel_loop3A_60 = vector.broadcast %parallel_loop3A_59 : i32 to vector<16xi32>
      %parallel_loop3A_61 = arith.addi %parallel_loop3A_58, %parallel_loop3A_60 : vector<16xi32>
      %parallel_loop3A_62 = arith.addi %parallel_loop3A_61, %parallel_loop3A_55 : vector<16xi32>
      %parallel_loop3A_63 = arith.addi %parallel_loop3A_62, %parallel_loop3A_40 : vector<16xi32>
      %parallel_loop3A_64 = tpu.vector_load_idx %arg9[%parallel_loop3A_63] : memref<288xi32, #tpu.memory_space<vmem>>[vector<16xi32>], vector<16xi32>,
      %parallel_loop3A_65 = tpu.vector_load_idx %arg10[%parallel_loop3A_63] : memref<288xf32, #tpu.memory_space<vmem>>[vector<16xi32>], vector<16xf32>,
      %parallel_loop3A_66 = tpu.vector_load_idx %arg11[%parallel_loop3A_38, %parallel_loop3A_64] : memref<512x64xf32, #tpu.memory_space<vmem>>[vector<16xi32>, vector<16xi32>], vector<16xf32>,
      %parallel_loop3A_67 = arith.subf %parallel_loop3A_65, %parallel_loop3A_66 : vector<16xf32>
      %parallel_loop3A_68 = arith.constant 3.30518333E-7 : f32
      %parallel_loop3A_69 = vector.broadcast %parallel_loop3A_68 : f32 to vector<16xf32>
      %parallel_loop3A_70 = arith.cmpf ole, %parallel_loop3A_67, %parallel_loop3A_69 : vector<16xf32>
      %parallel_loop3A_71 = arith.constant 1 : i32
      %parallel_loop3A_72 = arith.constant 0 : i32
      %parallel_loop3A_73 = vector.broadcast %parallel_loop3A_71 : i32 to vector<16xi32>
      %parallel_loop3A_74 = vector.broadcast %parallel_loop3A_72 : i32 to vector<16xi32>
      %parallel_loop3A_75 = arith.select %parallel_loop3A_70, %parallel_loop3A_73, %parallel_loop3A_74 : vector<16xi1>, vector<16xi32>
      %parallel_loop3A_76 = arith.constant 2 : i32
      %parallel_loop3A_77 = vector.broadcast %parallel_loop3A_76 : i32 to vector<16xi32>
      %parallel_loop3A_78 = arith.muli %parallel_loop3A_77, %parallel_loop3A_62 : vector<16xi32>
      %parallel_loop3A_79 = arith.constant 1 : i32
      %parallel_loop3A_80 = vector.broadcast %parallel_loop3A_79 : i32 to vector<16xi32>
      %parallel_loop3A_81 = arith.addi %parallel_loop3A_78, %parallel_loop3A_80 : vector<16xi32>
      %parallel_loop3A_82 = arith.addi %parallel_loop3A_81, %parallel_loop3A_75 : vector<16xi32>
      %parallel_loop3A_83 = arith.addi %parallel_loop3A_82, %parallel_loop3A_40 : vector<16xi32>
      %parallel_loop3A_84 = tpu.vector_load_idx %arg9[%parallel_loop3A_83] : memref<288xi32, #tpu.memory_space<vmem>>[vector<16xi32>], vector<16xi32>,
      %parallel_loop3A_85 = tpu.vector_load_idx %arg10[%parallel_loop3A_83] : memref<288xf32, #tpu.memory_space<vmem>>[vector<16xi32>], vector<16xf32>,
      %parallel_loop3A_86 = tpu.vector_load_idx %arg11[%parallel_loop3A_38, %parallel_loop3A_84] : memref<512x64xf32, #tpu.memory_space<vmem>>[vector<16xi32>, vector<16xi32>], vector<16xf32>,
      %parallel_loop3A_87 = arith.subf %parallel_loop3A_85, %parallel_loop3A_86 : vector<16xf32>
      %parallel_loop3A_88 = arith.constant 3.30518333E-7 : f32
      %parallel_loop3A_89 = vector.broadcast %parallel_loop3A_88 : f32 to vector<16xf32>
      %parallel_loop3A_90 = arith.cmpf ole, %parallel_loop3A_87, %parallel_loop3A_89 : vector<16xf32>
      %parallel_loop3A_91 = arith.constant 1 : i32
      %parallel_loop3A_92 = arith.constant 0 : i32
      %parallel_loop3A_93 = vector.broadcast %parallel_loop3A_91 : i32 to vector<16xi32>
      %parallel_loop3A_94 = vector.broadcast %parallel_loop3A_92 : i32 to vector<16xi32>
      %parallel_loop3A_95 = arith.select %parallel_loop3A_90, %parallel_loop3A_93, %parallel_loop3A_94 : vector<16xi1>, vector<16xi32>
      %parallel_loop3A_96 = arith.constant 2 : i32
      %parallel_loop3A_97 = vector.broadcast %parallel_loop3A_96 : i32 to vector<16xi32>
      %parallel_loop3A_98 = arith.muli %parallel_loop3A_97, %parallel_loop3A_82 : vector<16xi32>
      %parallel_loop3A_99 = arith.constant 1 : i32
      %parallel_loop3A_100 = vector.broadcast %parallel_loop3A_99 : i32 to vector<16xi32>
      %parallel_loop3A_101 = arith.addi %parallel_loop3A_98, %parallel_loop3A_100 : vector<16xi32>
      %parallel_loop3A_102 = arith.addi %parallel_loop3A_101, %parallel_loop3A_95 : vector<16xi32>
      %parallel_loop3A_103 = arith.addi %parallel_loop3A_102, %parallel_loop3A_40 : vector<16xi32>
      %parallel_loop3A_104 = tpu.vector_load_idx %arg9[%parallel_loop3A_103] : memref<288xi32, #tpu.memory_space<vmem>>[vector<16xi32>], vector<16xi32>,
      %parallel_loop3A_105 = tpu.vector_load_idx %arg10[%parallel_loop3A_103] : memref<288xf32, #tpu.memory_space<vmem>>[vector<16xi32>], vector<16xf32>,
      %parallel_loop3A_106 = tpu.vector_load_idx %arg11[%parallel_loop3A_38, %parallel_loop3A_104] : memref<512x64xf32, #tpu.memory_space<vmem>>[vector<16xi32>, vector<16xi32>], vector<16xf32>,
      %parallel_loop3A_107 = arith.subf %parallel_loop3A_105, %parallel_loop3A_106 : vector<16xf32>
      %parallel_loop3A_108 = arith.constant 3.30518333E-7 : f32
      %parallel_loop3A_109 = vector.broadcast %parallel_loop3A_108 : f32 to vector<16xf32>
      %parallel_loop3A_110 = arith.cmpf ole, %parallel_loop3A_107, %parallel_loop3A_109 : vector<16xf32>
      %parallel_loop3A_111 = arith.constant 1 : i32
      %parallel_loop3A_112 = arith.constant 0 : i32
      %parallel_loop3A_113 = vector.broadcast %parallel_loop3A_111 : i32 to vector<16xi32>
      %parallel_loop3A_114 = vector.broadcast %parallel_loop3A_112 : i32 to vector<16xi32>
      %parallel_loop3A_115 = arith.select %parallel_loop3A_110, %parallel_loop3A_113, %parallel_loop3A_114 : vector<16xi1>, vector<16xi32>
      %parallel_loop3A_116 = arith.constant 2 : i32
      %parallel_loop3A_117 = vector.broadcast %parallel_loop3A_116 : i32 to vector<16xi32>
      %parallel_loop3A_118 = arith.muli %parallel_loop3A_117, %parallel_loop3A_102 : vector<16xi32>
      %parallel_loop3A_119 = arith.constant 1 : i32
      %parallel_loop3A_120 = vector.broadcast %parallel_loop3A_119 : i32 to vector<16xi32>
      %parallel_loop3A_121 = arith.addi %parallel_loop3A_118, %parallel_loop3A_120 : vector<16xi32>
      %parallel_loop3A_122 = arith.addi %parallel_loop3A_121, %parallel_loop3A_115 : vector<16xi32>
      %parallel_loop3A_123 = arith.addi %parallel_loop3A_122, %parallel_loop3A_40 : vector<16xi32>
      %parallel_loop3A_124 = tpu.vector_load_idx %arg9[%parallel_loop3A_123] : memref<288xi32, #tpu.memory_space<vmem>>[vector<16xi32>], vector<16xi32>,
      %parallel_loop3A_125 = tpu.vector_load_idx %arg10[%parallel_loop3A_123] : memref<288xf32, #tpu.memory_space<vmem>>[vector<16xi32>], vector<16xf32>,
      %parallel_loop3A_126 = tpu.vector_load_idx %arg11[%parallel_loop3A_38, %parallel_loop3A_124] : memref<512x64xf32, #tpu.memory_space<vmem>>[vector<16xi32>, vector<16xi32>], vector<16xf32>,
      %parallel_loop3A_127 = arith.subf %parallel_loop3A_125, %parallel_loop3A_126 : vector<16xf32>
      %parallel_loop3A_128 = arith.constant 3.30518333E-7 : f32
      %parallel_loop3A_129 = vector.broadcast %parallel_loop3A_128 : f32 to vector<16xf32>
      %parallel_loop3A_130 = arith.cmpf ole, %parallel_loop3A_127, %parallel_loop3A_129 : vector<16xf32>
      %parallel_loop3A_131 = arith.constant 1 : i32
      %parallel_loop3A_132 = arith.constant 0 : i32
      %parallel_loop3A_133 = vector.broadcast %parallel_loop3A_131 : i32 to vector<16xi32>
      %parallel_loop3A_134 = vector.broadcast %parallel_loop3A_132 : i32 to vector<16xi32>
      %parallel_loop3A_135 = arith.select %parallel_loop3A_130, %parallel_loop3A_133, %parallel_loop3A_134 : vector<16xi1>, vector<16xi32>
      %parallel_loop3A_136 = arith.constant 2 : i32
      %parallel_loop3A_137 = vector.broadcast %parallel_loop3A_136 : i32 to vector<16xi32>
      %parallel_loop3A_138 = arith.muli %parallel_loop3A_137, %parallel_loop3A_122 : vector<16xi32>
      %parallel_loop3A_139 = arith.constant 1 : i32
      %parallel_loop3A_140 = vector.broadcast %parallel_loop3A_139 : i32 to vector<16xi32>
      %parallel_loop3A_141 = arith.addi %parallel_loop3A_138, %parallel_loop3A_140 : vector<16xi32>
      %parallel_loop3A_142 = arith.addi %parallel_loop3A_141, %parallel_loop3A_135 : vector<16xi32>
      %parallel_loop3A_143 = arith.addi %parallel_loop3A_142, %parallel_loop3A_40 : vector<16xi32>
      %parallel_loop3A_144 = tpu.vector_load_idx %arg9[%parallel_loop3A_143] : memref<288xi32, #tpu.memory_space<vmem>>[vector<16xi32>], vector<16xi32>,
      %parallel_loop3A_145 = tpu.vector_load_idx %arg10[%parallel_loop3A_143] : memref<288xf32, #tpu.memory_space<vmem>>[vector<16xi32>], vector<16xf32>,
      %parallel_loop3A_146 = tpu.vector_load_idx %arg11[%parallel_loop3A_38, %parallel_loop3A_144] : memref<512x64xf32, #tpu.memory_space<vmem>>[vector<16xi32>, vector<16xi32>], vector<16xf32>,
      %parallel_loop3A_147 = arith.subf %parallel_loop3A_145, %parallel_loop3A_146 : vector<16xf32>
      %parallel_loop3A_148 = arith.constant 3.30518333E-7 : f32
      %parallel_loop3A_149 = vector.broadcast %parallel_loop3A_148 : f32 to vector<16xf32>
      %parallel_loop3A_150 = arith.cmpf ole, %parallel_loop3A_147, %parallel_loop3A_149 : vector<16xf32>
      %parallel_loop3A_151 = arith.constant 1 : i32
      %parallel_loop3A_152 = arith.constant 0 : i32
      %parallel_loop3A_153 = vector.broadcast %parallel_loop3A_151 : i32 to vector<16xi32>
      %parallel_loop3A_154 = vector.broadcast %parallel_loop3A_152 : i32 to vector<16xi32>
      %parallel_loop3A_155 = arith.select %parallel_loop3A_150, %parallel_loop3A_153, %parallel_loop3A_154 : vector<16xi1>, vector<16xi32>
      %parallel_loop3A_156 = arith.constant 2 : i32
      %parallel_loop3A_157 = vector.broadcast %parallel_loop3A_156 : i32 to vector<16xi32>
      %parallel_loop3A_158 = arith.muli %parallel_loop3A_157, %parallel_loop3A_142 : vector<16xi32>
      %parallel_loop3A_159 = arith.constant 1 : i32
      %parallel_loop3A_160 = vector.broadcast %parallel_loop3A_159 : i32 to vector<16xi32>
      %parallel_loop3A_161 = arith.addi %parallel_loop3A_158, %parallel_loop3A_160 : vector<16xi32>
      %parallel_loop3A_162 = arith.addi %parallel_loop3A_161, %parallel_loop3A_155 : vector<16xi32>
      %parallel_loop3A_163 = arith.constant 63 : i32
      %parallel_loop3A_164 = vector.broadcast %parallel_loop3A_163 : i32 to vector<16xi32>
      %parallel_loop3A_165 = arith.subi %parallel_loop3A_162, %parallel_loop3A_164 : vector<16xi32>
      %parallel_loop3A_166 = arith.constant 0 : i32
      %parallel_loop3A_167 = vector.broadcast %parallel_loop3A_166 : i32 to vector<16xi32>
      %parallel_loop3A_168 = tpu.vector_load_idx %arg12[%parallel_loop3A_167, %parallel_loop3A_165] : memref<4x64xf32, #tpu.memory_space<vmem>>[vector<16xi32>, vector<16xi32>], vector<16xf32>,
      %parallel_loop3A_169 = arith.constant 16 : i32
      %parallel_loop3A_170 = arith.muli %parallel_loop3A_34, %parallel_loop3A_169 : i32
      %parallel_loop3A_171 = arith.constant 0 : i32
      %parallel_loop3A_172 = arith.index_cast %parallel_loop3A_171 : i32 to index
      %parallel_loop3A_173 = arith.index_cast %parallel_loop3A_170 : i32 to index
      %parallel_loop3A_174 = tpu.vector_load %arg13[%parallel_loop3A_172, %parallel_loop3A_173] {strides = array<i32>} : memref<4x512xf32, #tpu.memory_space<vmem>>, vector<16xf32>,
      tpu.vector_store %arg13[%parallel_loop3A_172, %parallel_loop3A_173], %parallel_loop3A_168 {strides = array<i32>} : memref<4x512xf32, #tpu.memory_space<vmem>>, vector<16xf32>,
      %parallel_loop3A_175 = arith.constant 79 : i32
      %parallel_loop3A_176 = vector.broadcast %parallel_loop3A_175 : i32 to vector<16xi32>
      %parallel_loop3A_177 = arith.constant 0 : i32
      %parallel_loop3A_178 = vector.broadcast %parallel_loop3A_177 : i32 to vector<16xi32>
      %parallel_loop3A_179 = arith.addi %parallel_loop3A_178, %parallel_loop3A_176 : vector<16xi32>
      %parallel_loop3A_180 = tpu.vector_load_idx %arg9[%parallel_loop3A_179] : memref<288xi32, #tpu.memory_space<vmem>>[vector<16xi32>], vector<16xi32>,
      %parallel_loop3A_181 = tpu.vector_load_idx %arg10[%parallel_loop3A_179] : memref<288xf32, #tpu.memory_space<vmem>>[vector<16xi32>], vector<16xf32>,
      %parallel_loop3A_182 = tpu.vector_load_idx %arg11[%parallel_loop3A_38, %parallel_loop3A_180] : memref<512x64xf32, #tpu.memory_space<vmem>>[vector<16xi32>, vector<16xi32>], vector<16xf32>,
      %parallel_loop3A_183 = arith.subf %parallel_loop3A_181, %parallel_loop3A_182 : vector<16xf32>
      %parallel_loop3A_184 = arith.constant 3.30518333E-7 : f32
      %parallel_loop3A_185 = vector.broadcast %parallel_loop3A_184 : f32 to vector<16xf32>
      %parallel_loop3A_186 = arith.cmpf ole, %parallel_loop3A_183, %parallel_loop3A_185 : vector<16xf32>
      %parallel_loop3A_187 = arith.constant 1 : i32
      %parallel_loop3A_188 = arith.constant 0 : i32
      %parallel_loop3A_189 = vector.broadcast %parallel_loop3A_187 : i32 to vector<16xi32>
      %parallel_loop3A_190 = vector.broadcast %parallel_loop3A_188 : i32 to vector<16xi32>
      %parallel_loop3A_191 = arith.select %parallel_loop3A_186, %parallel_loop3A_189, %parallel_loop3A_190 : vector<16xi1>, vector<16xi32>
      %parallel_loop3A_192 = arith.constant 2 : i32
      %parallel_loop3A_193 = vector.broadcast %parallel_loop3A_192 : i32 to vector<16xi32>
      %parallel_loop3A_194 = arith.muli %parallel_loop3A_193, %parallel_loop3A_178 : vector<16xi32>
      %parallel_loop3A_195 = arith.constant 1 : i32
      %parallel_loop3A_196 = vector.broadcast %parallel_loop3A_195 : i32 to vector<16xi32>
      %parallel_loop3A_197 = arith.addi %parallel_loop3A_194, %parallel_loop3A_196 : vector<16xi32>
      %parallel_loop3A_198 = arith.addi %parallel_loop3A_197, %parallel_loop3A_191 : vector<16xi32>
      %parallel_loop3A_199 = arith.addi %parallel_loop3A_198, %parallel_loop3A_176 : vector<16xi32>
      %parallel_loop3A_200 = tpu.vector_load_idx %arg9[%parallel_loop3A_199] : memref<288xi32, #tpu.memory_space<vmem>>[vector<16xi32>], vector<16xi32>,
      %parallel_loop3A_201 = tpu.vector_load_idx %arg10[%parallel_loop3A_199] : memref<288xf32, #tpu.memory_space<vmem>>[vector<16xi32>], vector<16xf32>,
      %parallel_loop3A_202 = tpu.vector_load_idx %arg11[%parallel_loop3A_38, %parallel_loop3A_200] : memref<512x64xf32, #tpu.memory_space<vmem>>[vector<16xi32>, vector<16xi32>], vector<16xf32>,
      %parallel_loop3A_203 = arith.subf %parallel_loop3A_201, %parallel_loop3A_202 : vector<16xf32>
      %parallel_loop3A_204 = arith.constant 3.30518333E-7 : f32
      %parallel_loop3A_205 = vector.broadcast %parallel_loop3A_204 : f32 to vector<16xf32>
      %parallel_loop3A_206 = arith.cmpf ole, %parallel_loop3A_203, %parallel_loop3A_205 : vector<16xf32>
      %parallel_loop3A_207 = arith.constant 1 : i32
      %parallel_loop3A_208 = arith.constant 0 : i32
      %parallel_loop3A_209 = vector.broadcast %parallel_loop3A_207 : i32 to vector<16xi32>
      %parallel_loop3A_210 = vector.broadcast %parallel_loop3A_208 : i32 to vector<16xi32>
      %parallel_loop3A_211 = arith.select %parallel_loop3A_206, %parallel_loop3A_209, %parallel_loop3A_210 : vector<16xi1>, vector<16xi32>
      %parallel_loop3A_212 = arith.constant 2 : i32
      %parallel_loop3A_213 = vector.broadcast %parallel_loop3A_212 : i32 to vector<16xi32>
      %parallel_loop3A_214 = arith.muli %parallel_loop3A_213, %parallel_loop3A_198 : vector<16xi32>
      %parallel_loop3A_215 = arith.constant 1 : i32
      %parallel_loop3A_216 = vector.broadcast %parallel_loop3A_215 : i32 to vector<16xi32>
      %parallel_loop3A_217 = arith.addi %parallel_loop3A_214, %parallel_loop3A_216 : vector<16xi32>
      %parallel_loop3A_218 = arith.addi %parallel_loop3A_217, %parallel_loop3A_211 : vector<16xi32>
      %parallel_loop3A_219 = arith.addi %parallel_loop3A_218, %parallel_loop3A_176 : vector<16xi32>
      %parallel_loop3A_220 = tpu.vector_load_idx %arg9[%parallel_loop3A_219] : memref<288xi32, #tpu.memory_space<vmem>>[vector<16xi32>], vector<16xi32>,
      %parallel_loop3A_221 = tpu.vector_load_idx %arg10[%parallel_loop3A_219] : memref<288xf32, #tpu.memory_space<vmem>>[vector<16xi32>], vector<16xf32>,
      %parallel_loop3A_222 = tpu.vector_load_idx %arg11[%parallel_loop3A_38, %parallel_loop3A_220] : memref<512x64xf32, #tpu.memory_space<vmem>>[vector<16xi32>, vector<16xi32>], vector<16xf32>,
      %parallel_loop3A_223 = arith.subf %parallel_loop3A_221, %parallel_loop3A_222 : vector<16xf32>
      %parallel_loop3A_224 = arith.constant 3.30518333E-7 : f32
      %parallel_loop3A_225 = vector.broadcast %parallel_loop3A_224 : f32 to vector<16xf32>
      %parallel_loop3A_226 = arith.cmpf ole, %parallel_loop3A_223, %parallel_loop3A_225 : vector<16xf32>
      %parallel_loop3A_227 = arith.constant 1 : i32
      %parallel_loop3A_228 = arith.constant 0 : i32
      %parallel_loop3A_229 = vector.broadcast %parallel_loop3A_227 : i32 to vector<16xi32>
      %parallel_loop3A_230 = vector.broadcast %parallel_loop3A_228 : i32 to vector<16xi32>
      %parallel_loop3A_231 = arith.select %parallel_loop3A_226, %parallel_loop3A_229, %parallel_loop3A_230 : vector<16xi1>, vector<16xi32>
      %parallel_loop3A_232 = arith.constant 2 : i32
      %parallel_loop3A_233 = vector.broadcast %parallel_loop3A_232 : i32 to vector<16xi32>
      %parallel_loop3A_234 = arith.muli %parallel_loop3A_233, %parallel_loop3A_218 : vector<16xi32>
      %parallel_loop3A_235 = arith.constant 1 : i32
      %parallel_loop3A_236 = vector.broadcast %parallel_loop3A_235 : i32 to vector<16xi32>
      %parallel_loop3A_237 = arith.addi %parallel_loop3A_234, %parallel_loop3A_236 : vector<16xi32>
      %parallel_loop3A_238 = arith.addi %parallel_loop3A_237, %parallel_loop3A_231 : vector<16xi32>
      %parallel_loop3A_239 = arith.addi %parallel_loop3A_238, %parallel_loop3A_176 : vector<16xi32>
      %parallel_loop3A_240 = tpu.vector_load_idx %arg9[%parallel_loop3A_239] : memref<288xi32, #tpu.memory_space<vmem>>[vector<16xi32>], vector<16xi32>,
      %parallel_loop3A_241 = tpu.vector_load_idx %arg10[%parallel_loop3A_239] : memref<288xf32, #tpu.memory_space<vmem>>[vector<16xi32>], vector<16xf32>,
      %parallel_loop3A_242 = tpu.vector_load_idx %arg11[%parallel_loop3A_38, %parallel_loop3A_240] : memref<512x64xf32, #tpu.memory_space<vmem>>[vector<16xi32>, vector<16xi32>], vector<16xf32>,
      %parallel_loop3A_243 = arith.subf %parallel_loop3A_241, %parallel_loop3A_242 : vector<16xf32>
      %parallel_loop3A_244 = arith.constant 3.30518333E-7 : f32
      %parallel_loop3A_245 = vector.broadcast %parallel_loop3A_244 : f32 to vector<16xf32>
      %parallel_loop3A_246 = arith.cmpf ole, %parallel_loop3A_243, %parallel_loop3A_245 : vector<16xf32>
      %parallel_loop3A_247 = arith.constant 1 : i32
      %parallel_loop3A_248 = arith.constant 0 : i32
      %parallel_loop3A_249 = vector.broadcast %parallel_loop3A_247 : i32 to vector<16xi32>
      %parallel_loop3A_250 = vector.broadcast %parallel_loop3A_248 : i32 to vector<16xi32>
      %parallel_loop3A_251 = arith.select %parallel_loop3A_246, %parallel_loop3A_249, %parallel_loop3A_250 : vector<16xi1>, vector<16xi32>
      %parallel_loop3A_252 = arith.constant 2 : i32
      %parallel_loop3A_253 = vector.broadcast %parallel_loop3A_252 : i32 to vector<16xi32>
      %parallel_loop3A_254 = arith.muli %parallel_loop3A_253, %parallel_loop3A_238 : vector<16xi32>
      %parallel_loop3A_255 = arith.constant 1 : i32
      %parallel_loop3A_256 = vector.broadcast %parallel_loop3A_255 : i32 to vector<16xi32>
      %parallel_loop3A_257 = arith.addi %parallel_loop3A_254, %parallel_loop3A_256 : vector<16xi32>
      %parallel_loop3A_258 = arith.addi %parallel_loop3A_257, %parallel_loop3A_251 : vector<16xi32>
      %parallel_loop3A_259 = arith.addi %parallel_loop3A_258, %parallel_loop3A_176 : vector<16xi32>
      %parallel_loop3A_260 = tpu.vector_load_idx %arg9[%parallel_loop3A_259] : memref<288xi32, #tpu.memory_space<vmem>>[vector<16xi32>], vector<16xi32>,
      %parallel_loop3A_261 = tpu.vector_load_idx %arg10[%parallel_loop3A_259] : memref<288xf32, #tpu.memory_space<vmem>>[vector<16xi32>], vector<16xf32>,
      %parallel_loop3A_262 = tpu.vector_load_idx %arg11[%parallel_loop3A_38, %parallel_loop3A_260] : memref<512x64xf32, #tpu.memory_space<vmem>>[vector<16xi32>, vector<16xi32>], vector<16xf32>,
      %parallel_loop3A_263 = arith.subf %parallel_loop3A_261, %parallel_loop3A_262 : vector<16xf32>
      %parallel_loop3A_264 = arith.constant 3.30518333E-7 : f32
      %parallel_loop3A_265 = vector.broadcast %parallel_loop3A_264 : f32 to vector<16xf32>
      %parallel_loop3A_266 = arith.cmpf ole, %parallel_loop3A_263, %parallel_loop3A_265 : vector<16xf32>
      %parallel_loop3A_267 = arith.constant 1 : i32
      %parallel_loop3A_268 = arith.constant 0 : i32
      %parallel_loop3A_269 = vector.broadcast %parallel_loop3A_267 : i32 to vector<16xi32>
      %parallel_loop3A_270 = vector.broadcast %parallel_loop3A_268 : i32 to vector<16xi32>
      %parallel_loop3A_271 = arith.select %parallel_loop3A_266, %parallel_loop3A_269, %parallel_loop3A_270 : vector<16xi1>, vector<16xi32>
      %parallel_loop3A_272 = arith.constant 2 : i32
      %parallel_loop3A_273 = vector.broadcast %parallel_loop3A_272 : i32 to vector<16xi32>
      %parallel_loop3A_274 = arith.muli %parallel_loop3A_273, %parallel_loop3A_258 : vector<16xi32>
      %parallel_loop3A_275 = arith.constant 1 : i32
      %parallel_loop3A_276 = vector.broadcast %parallel_loop3A_275 : i32 to vector<16xi32>
      %parallel_loop3A_277 = arith.addi %parallel_loop3A_274, %parallel_loop3A_276 : vector<16xi32>
      %parallel_loop3A_278 = arith.addi %parallel_loop3A_277, %parallel_loop3A_271 : vector<16xi32>
      %parallel_loop3A_279 = arith.addi %parallel_loop3A_278, %parallel_loop3A_176 : vector<16xi32>
      %parallel_loop3A_280 = tpu.vector_load_idx %arg9[%parallel_loop3A_279] : memref<288xi32, #tpu.memory_space<vmem>>[vector<16xi32>], vector<16xi32>,
      %parallel_loop3A_281 = tpu.vector_load_idx %arg10[%parallel_loop3A_279] : memref<288xf32, #tpu.memory_space<vmem>>[vector<16xi32>], vector<16xf32>,
      %parallel_loop3A_282 = tpu.vector_load_idx %arg11[%parallel_loop3A_38, %parallel_loop3A_280] : memref<512x64xf32, #tpu.memory_space<vmem>>[vector<16xi32>, vector<16xi32>], vector<16xf32>,
      %parallel_loop3A_283 = arith.subf %parallel_loop3A_281, %parallel_loop3A_282 : vector<16xf32>
      %parallel_loop3A_284 = arith.constant 3.30518333E-7 : f32
      %parallel_loop3A_285 = vector.broadcast %parallel_loop3A_284 : f32 to vector<16xf32>
      %parallel_loop3A_286 = arith.cmpf ole, %parallel_loop3A_283, %parallel_loop3A_285 : vector<16xf32>
      %parallel_loop3A_287 = arith.constant 1 : i32
      %parallel_loop3A_288 = arith.constant 0 : i32
      %parallel_loop3A_289 = vector.broadcast %parallel_loop3A_287 : i32 to vector<16xi32>
      %parallel_loop3A_290 = vector.broadcast %parallel_loop3A_288 : i32 to vector<16xi32>
      %parallel_loop3A_291 = arith.select %parallel_loop3A_286, %parallel_loop3A_289, %parallel_loop3A_290 : vector<16xi1>, vector<16xi32>
      %parallel_loop3A_292 = arith.constant 2 : i32
      %parallel_loop3A_293 = vector.broadcast %parallel_loop3A_292 : i32 to vector<16xi32>
      %parallel_loop3A_294 = arith.muli %parallel_loop3A_293, %parallel_loop3A_278 : vector<16xi32>
      %parallel_loop3A_295 = arith.constant 1 : i32
      %parallel_loop3A_296 = vector.broadcast %parallel_loop3A_295 : i32 to vector<16xi32>
      %parallel_loop3A_297 = arith.addi %parallel_loop3A_294, %parallel_loop3A_296 : vector<16xi32>
      %parallel_loop3A_298 = arith.addi %parallel_loop3A_297, %parallel_loop3A_291 : vector<16xi32>
      %parallel_loop3A_299 = arith.constant 63 : i32
      %parallel_loop3A_300 = vector.broadcast %parallel_loop3A_299 : i32 to vector<16xi32>
      %parallel_loop3A_301 = arith.subi %parallel_loop3A_298, %parallel_loop3A_300 : vector<16xi32>
      %parallel_loop3A_302 = arith.constant 1 : i32
      %parallel_loop3A_303 = vector.broadcast %parallel_loop3A_302 : i32 to vector<16xi32>
      %parallel_loop3A_304 = tpu.vector_load_idx %arg12[%parallel_loop3A_303, %parallel_loop3A_301] : memref<4x64xf32, #tpu.memory_space<vmem>>[vector<16xi32>, vector<16xi32>], vector<16xf32>,
      %parallel_loop3A_305 = arith.constant 16 : i32
      %parallel_loop3A_306 = arith.muli %parallel_loop3A_34, %parallel_loop3A_305 : i32
      %parallel_loop3A_307 = arith.constant 1 : i32
      %parallel_loop3A_308 = arith.index_cast %parallel_loop3A_307 : i32 to index
      %parallel_loop3A_309 = arith.index_cast %parallel_loop3A_306 : i32 to index
      %parallel_loop3A_310 = tpu.vector_load %arg13[%parallel_loop3A_308, %parallel_loop3A_309] {strides = array<i32>} : memref<4x512xf32, #tpu.memory_space<vmem>>, vector<16xf32>,
      tpu.vector_store %arg13[%parallel_loop3A_308, %parallel_loop3A_309], %parallel_loop3A_304 {strides = array<i32>} : memref<4x512xf32, #tpu.memory_space<vmem>>, vector<16xf32>,
      %parallel_loop3A_311 = arith.constant 142 : i32
      %parallel_loop3A_312 = vector.broadcast %parallel_loop3A_311 : i32 to vector<16xi32>
      %parallel_loop3A_313 = arith.constant 0 : i32
      %parallel_loop3A_314 = vector.broadcast %parallel_loop3A_313 : i32 to vector<16xi32>
      %parallel_loop3A_315 = arith.addi %parallel_loop3A_314, %parallel_loop3A_312 : vector<16xi32>
      %parallel_loop3A_316 = tpu.vector_load_idx %arg9[%parallel_loop3A_315] : memref<288xi32, #tpu.memory_space<vmem>>[vector<16xi32>], vector<16xi32>,
      %parallel_loop3A_317 = tpu.vector_load_idx %arg10[%parallel_loop3A_315] : memref<288xf32, #tpu.memory_space<vmem>>[vector<16xi32>], vector<16xf32>,
      %parallel_loop3A_318 = tpu.vector_load_idx %arg11[%parallel_loop3A_38, %parallel_loop3A_316] : memref<512x64xf32, #tpu.memory_space<vmem>>[vector<16xi32>, vector<16xi32>], vector<16xf32>,
      %parallel_loop3A_319 = arith.subf %parallel_loop3A_317, %parallel_loop3A_318 : vector<16xf32>
      %parallel_loop3A_320 = arith.constant 3.30518333E-7 : f32
      %parallel_loop3A_321 = vector.broadcast %parallel_loop3A_320 : f32 to vector<16xf32>
      %parallel_loop3A_322 = arith.cmpf ole, %parallel_loop3A_319, %parallel_loop3A_321 : vector<16xf32>
      %parallel_loop3A_323 = arith.constant 1 : i32
      %parallel_loop3A_324 = arith.constant 0 : i32
      %parallel_loop3A_325 = vector.broadcast %parallel_loop3A_323 : i32 to vector<16xi32>
      %parallel_loop3A_326 = vector.broadcast %parallel_loop3A_324 : i32 to vector<16xi32>
      %parallel_loop3A_327 = arith.select %parallel_loop3A_322, %parallel_loop3A_325, %parallel_loop3A_326 : vector<16xi1>, vector<16xi32>
      %parallel_loop3A_328 = arith.constant 2 : i32
      %parallel_loop3A_329 = vector.broadcast %parallel_loop3A_328 : i32 to vector<16xi32>
      %parallel_loop3A_330 = arith.muli %parallel_loop3A_329, %parallel_loop3A_314 : vector<16xi32>
      %parallel_loop3A_331 = arith.constant 1 : i32
      %parallel_loop3A_332 = vector.broadcast %parallel_loop3A_331 : i32 to vector<16xi32>
      %parallel_loop3A_333 = arith.addi %parallel_loop3A_330, %parallel_loop3A_332 : vector<16xi32>
      %parallel_loop3A_334 = arith.addi %parallel_loop3A_333, %parallel_loop3A_327 : vector<16xi32>
      %parallel_loop3A_335 = arith.addi %parallel_loop3A_334, %parallel_loop3A_312 : vector<16xi32>
      %parallel_loop3A_336 = tpu.vector_load_idx %arg9[%parallel_loop3A_335] : memref<288xi32, #tpu.memory_space<vmem>>[vector<16xi32>], vector<16xi32>,
      %parallel_loop3A_337 = tpu.vector_load_idx %arg10[%parallel_loop3A_335] : memref<288xf32, #tpu.memory_space<vmem>>[vector<16xi32>], vector<16xf32>,
      %parallel_loop3A_338 = tpu.vector_load_idx %arg11[%parallel_loop3A_38, %parallel_loop3A_336] : memref<512x64xf32, #tpu.memory_space<vmem>>[vector<16xi32>, vector<16xi32>], vector<16xf32>,
      %parallel_loop3A_339 = arith.subf %parallel_loop3A_337, %parallel_loop3A_338 : vector<16xf32>
      %parallel_loop3A_340 = arith.constant 3.30518333E-7 : f32
      %parallel_loop3A_341 = vector.broadcast %parallel_loop3A_340 : f32 to vector<16xf32>
      %parallel_loop3A_342 = arith.cmpf ole, %parallel_loop3A_339, %parallel_loop3A_341 : vector<16xf32>
      %parallel_loop3A_343 = arith.constant 1 : i32
      %parallel_loop3A_344 = arith.constant 0 : i32
      %parallel_loop3A_345 = vector.broadcast %parallel_loop3A_343 : i32 to vector<16xi32>
      %parallel_loop3A_346 = vector.broadcast %parallel_loop3A_344 : i32 to vector<16xi32>
      %parallel_loop3A_347 = arith.select %parallel_loop3A_342, %parallel_loop3A_345, %parallel_loop3A_346 : vector<16xi1>, vector<16xi32>
      %parallel_loop3A_348 = arith.constant 2 : i32
      %parallel_loop3A_349 = vector.broadcast %parallel_loop3A_348 : i32 to vector<16xi32>
      %parallel_loop3A_350 = arith.muli %parallel_loop3A_349, %parallel_loop3A_334 : vector<16xi32>
      %parallel_loop3A_351 = arith.constant 1 : i32
      %parallel_loop3A_352 = vector.broadcast %parallel_loop3A_351 : i32 to vector<16xi32>
      %parallel_loop3A_353 = arith.addi %parallel_loop3A_350, %parallel_loop3A_352 : vector<16xi32>
      %parallel_loop3A_354 = arith.addi %parallel_loop3A_353, %parallel_loop3A_347 : vector<16xi32>
      %parallel_loop3A_355 = arith.addi %parallel_loop3A_354, %parallel_loop3A_312 : vector<16xi32>
      %parallel_loop3A_356 = tpu.vector_load_idx %arg9[%parallel_loop3A_355] : memref<288xi32, #tpu.memory_space<vmem>>[vector<16xi32>], vector<16xi32>,
      %parallel_loop3A_357 = tpu.vector_load_idx %arg10[%parallel_loop3A_355] : memref<288xf32, #tpu.memory_space<vmem>>[vector<16xi32>], vector<16xf32>,
      %parallel_loop3A_358 = tpu.vector_load_idx %arg11[%parallel_loop3A_38, %parallel_loop3A_356] : memref<512x64xf32, #tpu.memory_space<vmem>>[vector<16xi32>, vector<16xi32>], vector<16xf32>,
      %parallel_loop3A_359 = arith.subf %parallel_loop3A_357, %parallel_loop3A_358 : vector<16xf32>
      %parallel_loop3A_360 = arith.constant 3.30518333E-7 : f32
      %parallel_loop3A_361 = vector.broadcast %parallel_loop3A_360 : f32 to vector<16xf32>
      %parallel_loop3A_362 = arith.cmpf ole, %parallel_loop3A_359, %parallel_loop3A_361 : vector<16xf32>
      %parallel_loop3A_363 = arith.constant 1 : i32
      %parallel_loop3A_364 = arith.constant 0 : i32
      %parallel_loop3A_365 = vector.broadcast %parallel_loop3A_363 : i32 to vector<16xi32>
      %parallel_loop3A_366 = vector.broadcast %parallel_loop3A_364 : i32 to vector<16xi32>
      %parallel_loop3A_367 = arith.select %parallel_loop3A_362, %parallel_loop3A_365, %parallel_loop3A_366 : vector<16xi1>, vector<16xi32>
      %parallel_loop3A_368 = arith.constant 2 : i32
      %parallel_loop3A_369 = vector.broadcast %parallel_loop3A_368 : i32 to vector<16xi32>
      %parallel_loop3A_370 = arith.muli %parallel_loop3A_369, %parallel_loop3A_354 : vector<16xi32>
      %parallel_loop3A_371 = arith.constant 1 : i32
      %parallel_loop3A_372 = vector.broadcast %parallel_loop3A_371 : i32 to vector<16xi32>
      %parallel_loop3A_373 = arith.addi %parallel_loop3A_370, %parallel_loop3A_372 : vector<16xi32>
      %parallel_loop3A_374 = arith.addi %parallel_loop3A_373, %parallel_loop3A_367 : vector<16xi32>
      %parallel_loop3A_375 = arith.addi %parallel_loop3A_374, %parallel_loop3A_312 : vector<16xi32>
      %parallel_loop3A_376 = tpu.vector_load_idx %arg9[%parallel_loop3A_375] : memref<288xi32, #tpu.memory_space<vmem>>[vector<16xi32>], vector<16xi32>,
      %parallel_loop3A_377 = tpu.vector_load_idx %arg10[%parallel_loop3A_375] : memref<288xf32, #tpu.memory_space<vmem>>[vector<16xi32>], vector<16xf32>,
      %parallel_loop3A_378 = tpu.vector_load_idx %arg11[%parallel_loop3A_38, %parallel_loop3A_376] : memref<512x64xf32, #tpu.memory_space<vmem>>[vector<16xi32>, vector<16xi32>], vector<16xf32>,
      %parallel_loop3A_379 = arith.subf %parallel_loop3A_377, %parallel_loop3A_378 : vector<16xf32>
      %parallel_loop3A_380 = arith.constant 3.30518333E-7 : f32
      %parallel_loop3A_381 = vector.broadcast %parallel_loop3A_380 : f32 to vector<16xf32>
      %parallel_loop3A_382 = arith.cmpf ole, %parallel_loop3A_379, %parallel_loop3A_381 : vector<16xf32>
      %parallel_loop3A_383 = arith.constant 1 : i32
      %parallel_loop3A_384 = arith.constant 0 : i32
      %parallel_loop3A_385 = vector.broadcast %parallel_loop3A_383 : i32 to vector<16xi32>
      %parallel_loop3A_386 = vector.broadcast %parallel_loop3A_384 : i32 to vector<16xi32>
      %parallel_loop3A_387 = arith.select %parallel_loop3A_382, %parallel_loop3A_385, %parallel_loop3A_386 : vector<16xi1>, vector<16xi32>
      %parallel_loop3A_388 = arith.constant 2 : i32
      %parallel_loop3A_389 = vector.broadcast %parallel_loop3A_388 : i32 to vector<16xi32>
      %parallel_loop3A_390 = arith.muli %parallel_loop3A_389, %parallel_loop3A_374 : vector<16xi32>
      %parallel_loop3A_391 = arith.constant 1 : i32
      %parallel_loop3A_392 = vector.broadcast %parallel_loop3A_391 : i32 to vector<16xi32>
      %parallel_loop3A_393 = arith.addi %parallel_loop3A_390, %parallel_loop3A_392 : vector<16xi32>
      %parallel_loop3A_394 = arith.addi %parallel_loop3A_393, %parallel_loop3A_387 : vector<16xi32>
      %parallel_loop3A_395 = arith.addi %parallel_loop3A_394, %parallel_loop3A_312 : vector<16xi32>
      %parallel_loop3A_396 = tpu.vector_load_idx %arg9[%parallel_loop3A_395] : memref<288xi32, #tpu.memory_space<vmem>>[vector<16xi32>], vector<16xi32>,
      %parallel_loop3A_397 = tpu.vector_load_idx %arg10[%parallel_loop3A_395] : memref<288xf32, #tpu.memory_space<vmem>>[vector<16xi32>], vector<16xf32>,
      %parallel_loop3A_398 = tpu.vector_load_idx %arg11[%parallel_loop3A_38, %parallel_loop3A_396] : memref<512x64xf32, #tpu.memory_space<vmem>>[vector<16xi32>, vector<16xi32>], vector<16xf32>,
      %parallel_loop3A_399 = arith.subf %parallel_loop3A_397, %parallel_loop3A_398 : vector<16xf32>
      %parallel_loop3A_400 = arith.constant 3.30518333E-7 : f32
      %parallel_loop3A_401 = vector.broadcast %parallel_loop3A_400 : f32 to vector<16xf32>
      %parallel_loop3A_402 = arith.cmpf ole, %parallel_loop3A_399, %parallel_loop3A_401 : vector<16xf32>
      %parallel_loop3A_403 = arith.constant 1 : i32
      %parallel_loop3A_404 = arith.constant 0 : i32
      %parallel_loop3A_405 = vector.broadcast %parallel_loop3A_403 : i32 to vector<16xi32>
      %parallel_loop3A_406 = vector.broadcast %parallel_loop3A_404 : i32 to vector<16xi32>
      %parallel_loop3A_407 = arith.select %parallel_loop3A_402, %parallel_loop3A_405, %parallel_loop3A_406 : vector<16xi1>, vector<16xi32>
      %parallel_loop3A_408 = arith.constant 2 : i32
      %parallel_loop3A_409 = vector.broadcast %parallel_loop3A_408 : i32 to vector<16xi32>
      %parallel_loop3A_410 = arith.muli %parallel_loop3A_409, %parallel_loop3A_394 : vector<16xi32>
      %parallel_loop3A_411 = arith.constant 1 : i32
      %parallel_loop3A_412 = vector.broadcast %parallel_loop3A_411 : i32 to vector<16xi32>
      %parallel_loop3A_413 = arith.addi %parallel_loop3A_410, %parallel_loop3A_412 : vector<16xi32>
      %parallel_loop3A_414 = arith.addi %parallel_loop3A_413, %parallel_loop3A_407 : vector<16xi32>
      %parallel_loop3A_415 = arith.addi %parallel_loop3A_414, %parallel_loop3A_312 : vector<16xi32>
      %parallel_loop3A_416 = tpu.vector_load_idx %arg9[%parallel_loop3A_415] : memref<288xi32, #tpu.memory_space<vmem>>[vector<16xi32>], vector<16xi32>,
      %parallel_loop3A_417 = tpu.vector_load_idx %arg10[%parallel_loop3A_415] : memref<288xf32, #tpu.memory_space<vmem>>[vector<16xi32>], vector<16xf32>,
      %parallel_loop3A_418 = tpu.vector_load_idx %arg11[%parallel_loop3A_38, %parallel_loop3A_416] : memref<512x64xf32, #tpu.memory_space<vmem>>[vector<16xi32>, vector<16xi32>], vector<16xf32>,
      %parallel_loop3A_419 = arith.subf %parallel_loop3A_417, %parallel_loop3A_418 : vector<16xf32>
      %parallel_loop3A_420 = arith.constant 3.30518333E-7 : f32
      %parallel_loop3A_421 = vector.broadcast %parallel_loop3A_420 : f32 to vector<16xf32>
      %parallel_loop3A_422 = arith.cmpf ole, %parallel_loop3A_419, %parallel_loop3A_421 : vector<16xf32>
      %parallel_loop3A_423 = arith.constant 1 : i32
      %parallel_loop3A_424 = arith.constant 0 : i32
      %parallel_loop3A_425 = vector.broadcast %parallel_loop3A_423 : i32 to vector<16xi32>
      %parallel_loop3A_426 = vector.broadcast %parallel_loop3A_424 : i32 to vector<16xi32>
      %parallel_loop3A_427 = arith.select %parallel_loop3A_422, %parallel_loop3A_425, %parallel_loop3A_426 : vector<16xi1>, vector<16xi32>
      %parallel_loop3A_428 = arith.constant 2 : i32
      %parallel_loop3A_429 = vector.broadcast %parallel_loop3A_428 : i32 to vector<16xi32>
      %parallel_loop3A_430 = arith.muli %parallel_loop3A_429, %parallel_loop3A_414 : vector<16xi32>
      %parallel_loop3A_431 = arith.constant 1 : i32
      %parallel_loop3A_432 = vector.broadcast %parallel_loop3A_431 : i32 to vector<16xi32>
      %parallel_loop3A_433 = arith.addi %parallel_loop3A_430, %parallel_loop3A_432 : vector<16xi32>
      %parallel_loop3A_434 = arith.addi %parallel_loop3A_433, %parallel_loop3A_427 : vector<16xi32>
      %parallel_loop3A_435 = arith.constant 63 : i32
      %parallel_loop3A_436 = vector.broadcast %parallel_loop3A_435 : i32 to vector<16xi32>
      %parallel_loop3A_437 = arith.subi %parallel_loop3A_434, %parallel_loop3A_436 : vector<16xi32>
      %parallel_loop3A_438 = arith.constant 2 : i32
      %parallel_loop3A_439 = vector.broadcast %parallel_loop3A_438 : i32 to vector<16xi32>
      %parallel_loop3A_440 = tpu.vector_load_idx %arg12[%parallel_loop3A_439, %parallel_loop3A_437] : memref<4x64xf32, #tpu.memory_space<vmem>>[vector<16xi32>, vector<16xi32>], vector<16xf32>,
      %parallel_loop3A_441 = arith.constant 16 : i32
      %parallel_loop3A_442 = arith.muli %parallel_loop3A_34, %parallel_loop3A_441 : i32
      %parallel_loop3A_443 = arith.constant 2 : i32
      %parallel_loop3A_444 = arith.index_cast %parallel_loop3A_443 : i32 to index
      %parallel_loop3A_445 = arith.index_cast %parallel_loop3A_442 : i32 to index
      %parallel_loop3A_446 = tpu.vector_load %arg13[%parallel_loop3A_444, %parallel_loop3A_445] {strides = array<i32>} : memref<4x512xf32, #tpu.memory_space<vmem>>, vector<16xf32>,
      tpu.vector_store %arg13[%parallel_loop3A_444, %parallel_loop3A_445], %parallel_loop3A_440 {strides = array<i32>} : memref<4x512xf32, #tpu.memory_space<vmem>>, vector<16xf32>,
      %parallel_loop3A_447 = arith.constant 205 : i32
      %parallel_loop3A_448 = vector.broadcast %parallel_loop3A_447 : i32 to vector<16xi32>
      %parallel_loop3A_449 = arith.constant 0 : i32
      %parallel_loop3A_450 = vector.broadcast %parallel_loop3A_449 : i32 to vector<16xi32>
      %parallel_loop3A_451 = arith.addi %parallel_loop3A_450, %parallel_loop3A_448 : vector<16xi32>
      %parallel_loop3A_452 = tpu.vector_load_idx %arg9[%parallel_loop3A_451] : memref<288xi32, #tpu.memory_space<vmem>>[vector<16xi32>], vector<16xi32>,
      %parallel_loop3A_453 = tpu.vector_load_idx %arg10[%parallel_loop3A_451] : memref<288xf32, #tpu.memory_space<vmem>>[vector<16xi32>], vector<16xf32>,
      %parallel_loop3A_454 = tpu.vector_load_idx %arg11[%parallel_loop3A_38, %parallel_loop3A_452] : memref<512x64xf32, #tpu.memory_space<vmem>>[vector<16xi32>, vector<16xi32>], vector<16xf32>,
      %parallel_loop3A_455 = arith.subf %parallel_loop3A_453, %parallel_loop3A_454 : vector<16xf32>
      %parallel_loop3A_456 = arith.constant 3.30518333E-7 : f32
      %parallel_loop3A_457 = vector.broadcast %parallel_loop3A_456 : f32 to vector<16xf32>
      %parallel_loop3A_458 = arith.cmpf ole, %parallel_loop3A_455, %parallel_loop3A_457 : vector<16xf32>
      %parallel_loop3A_459 = arith.constant 1 : i32
      %parallel_loop3A_460 = arith.constant 0 : i32
      %parallel_loop3A_461 = vector.broadcast %parallel_loop3A_459 : i32 to vector<16xi32>
      %parallel_loop3A_462 = vector.broadcast %parallel_loop3A_460 : i32 to vector<16xi32>
      %parallel_loop3A_463 = arith.select %parallel_loop3A_458, %parallel_loop3A_461, %parallel_loop3A_462 : vector<16xi1>, vector<16xi32>
      %parallel_loop3A_464 = arith.constant 2 : i32
      %parallel_loop3A_465 = vector.broadcast %parallel_loop3A_464 : i32 to vector<16xi32>
      %parallel_loop3A_466 = arith.muli %parallel_loop3A_465, %parallel_loop3A_450 : vector<16xi32>
      %parallel_loop3A_467 = arith.constant 1 : i32
      %parallel_loop3A_468 = vector.broadcast %parallel_loop3A_467 : i32 to vector<16xi32>
      %parallel_loop3A_469 = arith.addi %parallel_loop3A_466, %parallel_loop3A_468 : vector<16xi32>
      %parallel_loop3A_470 = arith.addi %parallel_loop3A_469, %parallel_loop3A_463 : vector<16xi32>
      %parallel_loop3A_471 = arith.addi %parallel_loop3A_470, %parallel_loop3A_448 : vector<16xi32>
      %parallel_loop3A_472 = tpu.vector_load_idx %arg9[%parallel_loop3A_471] : memref<288xi32, #tpu.memory_space<vmem>>[vector<16xi32>], vector<16xi32>,
      %parallel_loop3A_473 = tpu.vector_load_idx %arg10[%parallel_loop3A_471] : memref<288xf32, #tpu.memory_space<vmem>>[vector<16xi32>], vector<16xf32>,
      %parallel_loop3A_474 = tpu.vector_load_idx %arg11[%parallel_loop3A_38, %parallel_loop3A_472] : memref<512x64xf32, #tpu.memory_space<vmem>>[vector<16xi32>, vector<16xi32>], vector<16xf32>,
      %parallel_loop3A_475 = arith.subf %parallel_loop3A_473, %parallel_loop3A_474 : vector<16xf32>
      %parallel_loop3A_476 = arith.constant 3.30518333E-7 : f32
      %parallel_loop3A_477 = vector.broadcast %parallel_loop3A_476 : f32 to vector<16xf32>
      %parallel_loop3A_478 = arith.cmpf ole, %parallel_loop3A_475, %parallel_loop3A_477 : vector<16xf32>
      %parallel_loop3A_479 = arith.constant 1 : i32
      %parallel_loop3A_480 = arith.constant 0 : i32
      %parallel_loop3A_481 = vector.broadcast %parallel_loop3A_479 : i32 to vector<16xi32>
      %parallel_loop3A_482 = vector.broadcast %parallel_loop3A_480 : i32 to vector<16xi32>
      %parallel_loop3A_483 = arith.select %parallel_loop3A_478, %parallel_loop3A_481, %parallel_loop3A_482 : vector<16xi1>, vector<16xi32>
      %parallel_loop3A_484 = arith.constant 2 : i32
      %parallel_loop3A_485 = vector.broadcast %parallel_loop3A_484 : i32 to vector<16xi32>
      %parallel_loop3A_486 = arith.muli %parallel_loop3A_485, %parallel_loop3A_470 : vector<16xi32>
      %parallel_loop3A_487 = arith.constant 1 : i32
      %parallel_loop3A_488 = vector.broadcast %parallel_loop3A_487 : i32 to vector<16xi32>
      %parallel_loop3A_489 = arith.addi %parallel_loop3A_486, %parallel_loop3A_488 : vector<16xi32>
      %parallel_loop3A_490 = arith.addi %parallel_loop3A_489, %parallel_loop3A_483 : vector<16xi32>
      %parallel_loop3A_491 = arith.addi %parallel_loop3A_490, %parallel_loop3A_448 : vector<16xi32>
      %parallel_loop3A_492 = tpu.vector_load_idx %arg9[%parallel_loop3A_491] : memref<288xi32, #tpu.memory_space<vmem>>[vector<16xi32>], vector<16xi32>,
      %parallel_loop3A_493 = tpu.vector_load_idx %arg10[%parallel_loop3A_491] : memref<288xf32, #tpu.memory_space<vmem>>[vector<16xi32>], vector<16xf32>,
      %parallel_loop3A_494 = tpu.vector_load_idx %arg11[%parallel_loop3A_38, %parallel_loop3A_492] : memref<512x64xf32, #tpu.memory_space<vmem>>[vector<16xi32>, vector<16xi32>], vector<16xf32>,
      %parallel_loop3A_495 = arith.subf %parallel_loop3A_493, %parallel_loop3A_494 : vector<16xf32>
      %parallel_loop3A_496 = arith.constant 3.30518333E-7 : f32
      %parallel_loop3A_497 = vector.broadcast %parallel_loop3A_496 : f32 to vector<16xf32>
      %parallel_loop3A_498 = arith.cmpf ole, %parallel_loop3A_495, %parallel_loop3A_497 : vector<16xf32>
      %parallel_loop3A_499 = arith.constant 1 : i32
      %parallel_loop3A_500 = arith.constant 0 : i32
      %parallel_loop3A_501 = vector.broadcast %parallel_loop3A_499 : i32 to vector<16xi32>
      %parallel_loop3A_502 = vector.broadcast %parallel_loop3A_500 : i32 to vector<16xi32>
      %parallel_loop3A_503 = arith.select %parallel_loop3A_498, %parallel_loop3A_501, %parallel_loop3A_502 : vector<16xi1>, vector<16xi32>
      %parallel_loop3A_504 = arith.constant 2 : i32
      %parallel_loop3A_505 = vector.broadcast %parallel_loop3A_504 : i32 to vector<16xi32>
      %parallel_loop3A_506 = arith.muli %parallel_loop3A_505, %parallel_loop3A_490 : vector<16xi32>
      %parallel_loop3A_507 = arith.constant 1 : i32
      %parallel_loop3A_508 = vector.broadcast %parallel_loop3A_507 : i32 to vector<16xi32>
      %parallel_loop3A_509 = arith.addi %parallel_loop3A_506, %parallel_loop3A_508 : vector<16xi32>
      %parallel_loop3A_510 = arith.addi %parallel_loop3A_509, %parallel_loop3A_503 : vector<16xi32>
      %parallel_loop3A_511 = arith.addi %parallel_loop3A_510, %parallel_loop3A_448 : vector<16xi32>
      %parallel_loop3A_512 = tpu.vector_load_idx %arg9[%parallel_loop3A_511] : memref<288xi32, #tpu.memory_space<vmem>>[vector<16xi32>], vector<16xi32>,
      %parallel_loop3A_513 = tpu.vector_load_idx %arg10[%parallel_loop3A_511] : memref<288xf32, #tpu.memory_space<vmem>>[vector<16xi32>], vector<16xf32>,
      %parallel_loop3A_514 = tpu.vector_load_idx %arg11[%parallel_loop3A_38, %parallel_loop3A_512] : memref<512x64xf32, #tpu.memory_space<vmem>>[vector<16xi32>, vector<16xi32>], vector<16xf32>,
      %parallel_loop3A_515 = arith.subf %parallel_loop3A_513, %parallel_loop3A_514 : vector<16xf32>
      %parallel_loop3A_516 = arith.constant 3.30518333E-7 : f32
      %parallel_loop3A_517 = vector.broadcast %parallel_loop3A_516 : f32 to vector<16xf32>
      %parallel_loop3A_518 = arith.cmpf ole, %parallel_loop3A_515, %parallel_loop3A_517 : vector<16xf32>
      %parallel_loop3A_519 = arith.constant 1 : i32
      %parallel_loop3A_520 = arith.constant 0 : i32
      %parallel_loop3A_521 = vector.broadcast %parallel_loop3A_519 : i32 to vector<16xi32>
      %parallel_loop3A_522 = vector.broadcast %parallel_loop3A_520 : i32 to vector<16xi32>
      %parallel_loop3A_523 = arith.select %parallel_loop3A_518, %parallel_loop3A_521, %parallel_loop3A_522 : vector<16xi1>, vector<16xi32>
      %parallel_loop3A_524 = arith.constant 2 : i32
      %parallel_loop3A_525 = vector.broadcast %parallel_loop3A_524 : i32 to vector<16xi32>
      %parallel_loop3A_526 = arith.muli %parallel_loop3A_525, %parallel_loop3A_510 : vector<16xi32>
      %parallel_loop3A_527 = arith.constant 1 : i32
      %parallel_loop3A_528 = vector.broadcast %parallel_loop3A_527 : i32 to vector<16xi32>
      %parallel_loop3A_529 = arith.addi %parallel_loop3A_526, %parallel_loop3A_528 : vector<16xi32>
      %parallel_loop3A_530 = arith.addi %parallel_loop3A_529, %parallel_loop3A_523 : vector<16xi32>
      %parallel_loop3A_531 = arith.addi %parallel_loop3A_530, %parallel_loop3A_448 : vector<16xi32>
      %parallel_loop3A_532 = tpu.vector_load_idx %arg9[%parallel_loop3A_531] : memref<288xi32, #tpu.memory_space<vmem>>[vector<16xi32>], vector<16xi32>,
      %parallel_loop3A_533 = tpu.vector_load_idx %arg10[%parallel_loop3A_531] : memref<288xf32, #tpu.memory_space<vmem>>[vector<16xi32>], vector<16xf32>,
      %parallel_loop3A_534 = tpu.vector_load_idx %arg11[%parallel_loop3A_38, %parallel_loop3A_532] : memref<512x64xf32, #tpu.memory_space<vmem>>[vector<16xi32>, vector<16xi32>], vector<16xf32>,
      %parallel_loop3A_535 = arith.subf %parallel_loop3A_533, %parallel_loop3A_534 : vector<16xf32>
      %parallel_loop3A_536 = arith.constant 3.30518333E-7 : f32
      %parallel_loop3A_537 = vector.broadcast %parallel_loop3A_536 : f32 to vector<16xf32>
      %parallel_loop3A_538 = arith.cmpf ole, %parallel_loop3A_535, %parallel_loop3A_537 : vector<16xf32>
      %parallel_loop3A_539 = arith.constant 1 : i32
      %parallel_loop3A_540 = arith.constant 0 : i32
      %parallel_loop3A_541 = vector.broadcast %parallel_loop3A_539 : i32 to vector<16xi32>
      %parallel_loop3A_542 = vector.broadcast %parallel_loop3A_540 : i32 to vector<16xi32>
      %parallel_loop3A_543 = arith.select %parallel_loop3A_538, %parallel_loop3A_541, %parallel_loop3A_542 : vector<16xi1>, vector<16xi32>
      %parallel_loop3A_544 = arith.constant 2 : i32
      %parallel_loop3A_545 = vector.broadcast %parallel_loop3A_544 : i32 to vector<16xi32>
      %parallel_loop3A_546 = arith.muli %parallel_loop3A_545, %parallel_loop3A_530 : vector<16xi32>
      %parallel_loop3A_547 = arith.constant 1 : i32
      %parallel_loop3A_548 = vector.broadcast %parallel_loop3A_547 : i32 to vector<16xi32>
      %parallel_loop3A_549 = arith.addi %parallel_loop3A_546, %parallel_loop3A_548 : vector<16xi32>
      %parallel_loop3A_550 = arith.addi %parallel_loop3A_549, %parallel_loop3A_543 : vector<16xi32>
      %parallel_loop3A_551 = arith.addi %parallel_loop3A_550, %parallel_loop3A_448 : vector<16xi32>
      %parallel_loop3A_552 = tpu.vector_load_idx %arg9[%parallel_loop3A_551] : memref<288xi32, #tpu.memory_space<vmem>>[vector<16xi32>], vector<16xi32>,
      %parallel_loop3A_553 = tpu.vector_load_idx %arg10[%parallel_loop3A_551] : memref<288xf32, #tpu.memory_space<vmem>>[vector<16xi32>], vector<16xf32>,
      %parallel_loop3A_554 = tpu.vector_load_idx %arg11[%parallel_loop3A_38, %parallel_loop3A_552] : memref<512x64xf32, #tpu.memory_space<vmem>>[vector<16xi32>, vector<16xi32>], vector<16xf32>,
      %parallel_loop3A_555 = arith.subf %parallel_loop3A_553, %parallel_loop3A_554 : vector<16xf32>
      %parallel_loop3A_556 = arith.constant 3.30518333E-7 : f32
      %parallel_loop3A_557 = vector.broadcast %parallel_loop3A_556 : f32 to vector<16xf32>
      %parallel_loop3A_558 = arith.cmpf ole, %parallel_loop3A_555, %parallel_loop3A_557 : vector<16xf32>
      %parallel_loop3A_559 = arith.constant 1 : i32
      %parallel_loop3A_560 = arith.constant 0 : i32
      %parallel_loop3A_561 = vector.broadcast %parallel_loop3A_559 : i32 to vector<16xi32>
      %parallel_loop3A_562 = vector.broadcast %parallel_loop3A_560 : i32 to vector<16xi32>
      %parallel_loop3A_563 = arith.select %parallel_loop3A_558, %parallel_loop3A_561, %parallel_loop3A_562 : vector<16xi1>, vector<16xi32>
      %parallel_loop3A_564 = arith.constant 2 : i32
      %parallel_loop3A_565 = vector.broadcast %parallel_loop3A_564 : i32 to vector<16xi32>
      %parallel_loop3A_566 = arith.muli %parallel_loop3A_565, %parallel_loop3A_550 : vector<16xi32>
      %parallel_loop3A_567 = arith.constant 1 : i32
      %parallel_loop3A_568 = vector.broadcast %parallel_loop3A_567 : i32 to vector<16xi32>
      %parallel_loop3A_569 = arith.addi %parallel_loop3A_566, %parallel_loop3A_568 : vector<16xi32>
      %parallel_loop3A_570 = arith.addi %parallel_loop3A_569, %parallel_loop3A_563 : vector<16xi32>
      %parallel_loop3A_571 = arith.constant 63 : i32
      %parallel_loop3A_572 = vector.broadcast %parallel_loop3A_571 : i32 to vector<16xi32>
      %parallel_loop3A_573 = arith.subi %parallel_loop3A_570, %parallel_loop3A_572 : vector<16xi32>
      %parallel_loop3A_574 = arith.constant 3 : i32
      %parallel_loop3A_575 = vector.broadcast %parallel_loop3A_574 : i32 to vector<16xi32>
      %parallel_loop3A_576 = tpu.vector_load_idx %arg12[%parallel_loop3A_575, %parallel_loop3A_573] : memref<4x64xf32, #tpu.memory_space<vmem>>[vector<16xi32>, vector<16xi32>], vector<16xf32>,
      %parallel_loop3A_577 = arith.constant 16 : i32
      %parallel_loop3A_578 = arith.muli %parallel_loop3A_34, %parallel_loop3A_577 : i32
      %parallel_loop3A_579 = arith.constant 3 : i32
      %parallel_loop3A_580 = arith.index_cast %parallel_loop3A_579 : i32 to index
      %parallel_loop3A_581 = arith.index_cast %parallel_loop3A_578 : i32 to index
      %parallel_loop3A_582 = tpu.vector_load %arg13[%parallel_loop3A_580, %parallel_loop3A_581] {strides = array<i32>} : memref<4x512xf32, #tpu.memory_space<vmem>>, vector<16xf32>,
      tpu.vector_store %arg13[%parallel_loop3A_580, %parallel_loop3A_581], %parallel_loop3A_576 {strides = array<i32>} : memref<4x512xf32, #tpu.memory_space<vmem>>, vector<16xf32>,
    } {sc.loop_unroll_factor = 4 : i64, sc.parallel_access}
    %mul3A_32 = arith.constant 4 : i32
    %mul3A_33 = arith.muli %add3A, %mul3A_32 : i32
    "tpu.region"() ({
      %run_scoped3A = tpu.sem_alloc : memref<!tpu.dma_semaphore, #tpu.memory_space<semaphore_mem>>
      %dma_start3A_34 = arith.constant 0 : i32
      %dma_start3A_35 = tpu.memref_slice %arg6[%mul3A_33, %dma_start3A_34] : memref<128x512xf32, #tpu.memory_space<hbm>> -> memref<4x512xf32, #tpu.memory_space<hbm>>
      %dma_start3A_36 = arith.constant 0 : i32
      %dma_start3A_37 = tpu.memref_slice %arg6[%mul3A_33, %dma_start3A_36] : memref<128x512xf32, #tpu.memory_space<hbm>> -> memref<4x512xf32, #tpu.memory_space<hbm>>
      tpu.enqueue_dma source(%arg13 : memref<4x512xf32, #tpu.memory_space<vmem>>) target(%dma_start3A_37 : memref<4x512xf32, #tpu.memory_space<hbm>>) target_semaphore(%run_scoped3A : memref<!tpu.dma_semaphore, #tpu.memory_space<semaphore_mem>>)
      %dma_wait3A_38 = arith.constant 0 : i32
      %dma_wait3A_39 = tpu.memref_slice %arg6[%mul3A_33, %dma_wait3A_38] : memref<128x512xf32, #tpu.memory_space<hbm>> -> memref<4x512xf32, #tpu.memory_space<hbm>>
      %dma_wait3A_40 = arith.constant 0 : i32
      %dma_wait3A_41 = tpu.memref_slice %arg6[%mul3A_33, %dma_wait3A_40] : memref<128x512xf32, #tpu.memory_space<hbm>> -> memref<4x512xf32, #tpu.memory_space<hbm>>
      tpu.wait_dma2 semaphore(%run_scoped3A : memref<!tpu.dma_semaphore, #tpu.memory_space<semaphore_mem>>) src(%arg13 : memref<4x512xf32, #tpu.memory_space<vmem>>) dst(%dma_wait3A_41 : memref<4x512xf32, #tpu.memory_space<hbm>>)
      tpu.yield
    }) : () -> ()
    return
  }
}

</mosaic_0001>

<sc_bundles>
// kernel: kernel.3.cloned.1.call-start
scs
__scs_entry_jumppad:
0x0: {  	(pc) =	sbr.rel $0x88, $3  }
0x1: {  	(tag) =	ssettag $0x0;
	lr =	simm.s32 $0x1  }
0x2: {  	[smem:$0x3F9D] =	sst lr;
	_ =	strace $0xD0000000  }
0x3: {  	_ = 	snop  }
0x4: {  	_ = 	snop  }
0x5: {  	_ = 	snop  }
0x6: {  	_ = 	snop  }
0x7: {  	_ = 	snop  }
__scs_overlays_trampoline_lowered:
0x8: {  	[smem:$0x3FAC] =	sst s0  }
0x9: {  	[smem:$0x3FAD] =	sst s1  }
0xa: {  	[smem:$0x3FAE] =	sst s2  }
0xb: {  	[smem:$0x3FAF] =	sst s3  }
0xc: {  	[smem:$0x3FB0] =	sst s4  }
0xd: {  	[smem:$0x3FB1] =	sst s5  }
0xe: {  	[smem:$0x3FB2] =	sst s6  }
0xf: {  	[smem:$0x3FB3] =	sst s7  }
0x10: {  	[smem:$0x3FB4] =	sst s8  }
0x11: {  	[smem:$0x3FB5] =	sst s9;
	s0 =	simm.s32 @!p0 $0x0  }
0x12: {  	s1 =	sld [smem:$0x3F9B];
	s0 =	simm.s32 @p0 $0x1  }
0x13: {  	[smem:$0x3FB6] =	sst s0;
	s0 =	simm.s32 @!p1 $0x0  }
0x14: {  	s2 =	sld [smem:$0x3F9A];
	s0 =	simm.s32 @p1 $0x1  }
0x15: {  	[smem:$0x3FB7] =	sst s0;
	s0 =	simm.s32 @!p2 $0x0  }
0x16: {  	s3 =	sld [smem:$0x3FDB];
	s0 =	simm.s32 @p2 $0x1  }
0x17: {  	s4 =	simm.s32 $0x1BF5;
	[smem:$0x3FB9] =	sst s0  }
0x18: {  	s0 =	sld [smem:$0x3F9C];
	_ =	swait.ge [sflag:s4], $0x0  }
0x19: {  	s7 =	sld [smem:$0x3F9D]  }
0x1a: {  	s8 =	sadd.s32 $0xFFFFE003, lr  }
0x1b: {  	s9 =	sadd.s32 $0xFFFFFEF7, lr;
	s5 =	simm.s32 $0xFFFFFFFF;
	p2 =	slt.u32 s8, $0xFFFFF086  }
0x1c: {  	p1 =	slt.u32 s9, $0xF7A;
	s5 =	simm.s32 @!p2 $0x0  }
0x1d: {  	s5 =	simm.s32 @p1 $0x1;
	p0 =	seq.s32 s7, s2  }
0x1e: {  	s7 =	smul.u32 @!p0 $0xF7A, s2;
	p2 =	seq.s32 @!p0 s5, $0x0  }
0x1f: {  	s9 =	smul.u32 $0xF7A, s1;
	s8 =	simm.s32 @!p0 $0x1BF5;
	p2 =	por !p2, p0  }
0x20: {  	[sflag:s8] =	ssyncset.s32 @!p0 $0xFFFFF086;
	s6 =	sadd.s32 @!p0 s3, s7;
	s7 =	simm.s32 @!p0 $0x108  }
0x21: {  	s3 =	sadd.s32 s3, s9;
	s6 =	sadd.s32 @!p0 $0x88, s6;
	s7 =	simm.s32 @p2 $0x1082  }
0x22: {  	[simem:s7], [sflag:s8] =	dma.local @!p0 [hbm:s6], $0xF7A  }
0x23: {  	s9 =	sor.u32 $0xD0000000, s2;
	s6 =	simm.s32 $0x108;
	_ =	swait.ge @!p0 [sflag:s8], $0x0  }
0x24: {  	s3 =	sadd.s32 $0x88, s3;
	s6 =	simm.s32 @!p1 $0x1082;
	[sflag:s4] =	ssyncset.s32 $0xFFFFF086  }
0x25: {  	[simem:s6], [sflag:s4] =	dma.local [hbm:s3], $0xF7A  }
0x26: {  	[smem:$0x3F9D] =	sst s1;
	(tag) =	ssettag s2;
	_ =	strace s9  }
0x27: {  	s1 =	sld [smem:$0x3FAD]  }
0x28: {  	s2 =	sld [smem:$0x3FAE]  }
0x29: {  	s4 =	sld [smem:$0x3FB0]  }
0x2a: {  	p0 =	seq.s32 s5, $0x0;
	s5 =	sld [smem:$0x3FB1]  }
0x2b: {  	s6 =	sld [smem:$0x3FB2]  }
0x2c: {  	s7 =	sld [smem:$0x3FB3]  }
0x2d: {  	s3 =	simm.s32 $0x108;
	s8 =	sld [smem:$0x3FB4]  }
0x2e: {  	s3 =	simm.s32 @!p0 $0x1082;
	s9 =	sld [smem:$0x3FB5]  }
0x2f: {  	lr =	sadd.s32 s0, s3;
	s0 =	sld [smem:$0x3FAC]  }
0x30: {  	s3 =	sld [smem:$0x3FAF]  }
0x31: {  	[smem:$0x3FB8] =	sst s10  }
0x32: {  	s10 =	sld [smem:$0x3FB6];
	_ =	sdelay $0x3  }
0x33: {  	p0 =	seq.s32 s10, $0x1;
	s10 =	sld [smem:$0x3FB8];
	_ =	sdelay $0x3  }
0x34: {  	[smem:$0x3FB8] =	sst s10  }
0x35: {  	s10 =	sld [smem:$0x3FB7];
	_ =	sdelay $0x3  }
0x36: {  	p1 =	seq.s32 s10, $0x1;
	s10 =	sld [smem:$0x3FB8];
	_ =	sdelay $0x3  }
0x37: {  	[smem:$0x3FB8] =	sst s10  }
0x38: {  	s10 =	sld [smem:$0x3FB9]  }
0x39: {  	_ = 	snop;
	(pc) =	sbr.ind lr, $3  }
0x3a: {  	_ = 	snop  }
0x3b: {  	_ = 	snop  }
0x3c: {  	p2 =	seq.s32 s10, $0x1;
	s10 =	sld [smem:$0x3FB8]  }
0x3d: {  	_ =	shalt  }
0x3e: {  	_ =	shalt  }
0x3f: {  	_ =	shalt  }
0x40: {  	_ =	shalt  }
0x41: {  	_ =	shalt  }
0x42: {  	_ =	shalt  }
0x43: {  	_ =	shalt  }
0x44: {  	_ =	shalt  }
0x45: {  	_ =	shalt  }
0x46: {  	_ =	shalt  }
0x47: {  	_ =	shalt  }
0x48: {  	_ =	shalt  }
0x49: {  	_ =	shalt  }
0x4a: {  	_ =	shalt  }
0x4b: {  	_ =	shalt  }
0x4c: {  	_ =	shalt  }
0x4d: {  	_ =	shalt  }
0x4e: {  	_ =	shalt  }
0x4f: {  	_ =	shalt  }
0x50: {  	_ =	shalt  }
0x51: {  	_ =	shalt  }
0x52: {  	_ =	shalt  }
0x53: {  	_ =	shalt  }
0x54: {  	_ =	shalt  }
0x55: {  	_ =	shalt  }
0x56: {  	_ =	shalt  }
0x57: {  	_ =	shalt  }
0x58: {  	_ =	shalt  }
0x59: {  	_ =	shalt  }
0x5a: {  	_ =	shalt  }
0x5b: {  	_ =	shalt  }
0x5c: {  	_ =	shalt  }
0x5d: {  	_ =	shalt  }
0x5e: {  	_ =	shalt  }
0x5f: {  	_ =	shalt  }
0x60: {  	_ =	shalt  }
0x61: {  	_ =	shalt  }
0x62: {  	_ =	shalt  }
0x63: {  	_ =	shalt  }
0x64: {  	_ =	shalt  }
0x65: {  	_ =	shalt  }
0x66: {  	_ =	shalt  }
0x67: {  	_ =	shalt  }
0x68: {  	_ =	shalt  }
0x69: {  	_ =	shalt  }
0x6a: {  	_ =	shalt  }
0x6b: {  	_ =	shalt  }
0x6c: {  	_ =	shalt  }
0x6d: {  	_ =	shalt  }
0x6e: {  	_ =	shalt  }
0x6f: {  	_ =	shalt  }
0x70: {  	_ =	shalt  }
0x71: {  	_ =	shalt  }
0x72: {  	_ =	shalt  }
0x73: {  	_ =	shalt  }
0x74: {  	_ =	shalt  }
0x75: {  	_ =	shalt  }
0x76: {  	_ =	shalt  }
0x77: {  	_ =	shalt  }
0x78: {  	_ =	shalt  }
0x79: {  	_ =	shalt  }
0x7a: {  	_ =	shalt  }
0x7b: {  	_ =	shalt  }
0x7c: {  	_ =	shalt  }
0x7d: {  	_ =	shalt  }
0x7e: {  	_ =	shalt  }
0x7f: {  	_ =	shalt  }
0x80: {  	_ =	shalt  }
0x81: {  	_ =	shalt  }
0x82: {  	_ =	shalt  }
0x83: {  	_ =	shalt  }
0x84: {  	_ =	shalt  }
0x85: {  	_ =	shalt  }
0x86: {  	_ =	shalt  }
0x87: {  	_ =	shalt  }
.Lfunc_end0:
.L_simem_size_0:
called_computation_lowered:
.L_overlay_start_0:
0x88: {  	s2 =	sld [smem:$0x3FD9]  }
0x89: {  	s3 =	sld [smem:$0x3FFE];
	_ =	sdelay $0x1  }
0x8a: {  	s1 =	srdreg.scid  }
0x8b: {  	s0 =	sand.u32 $0x1, s1  }
0x8c: {  	s17 =	sshll.u32 s0, $0xA;
	s2 =	sadd.s32 s3, s2  }
0x8d: {  	s2 =	sadd.s32 s2, s17  }
0x8e: {  	[smem:$0x3FC4] =	sst s2  }
0x8f: {  	_ = 	snop  }
0x90: {  	s2 =	sld [smem:$0x3FD0];
	(tm) =	ssettm $0x1  }
0x91: {  	s18 =	sld [smem:$0x3FFB];
	_ =	sdelay $0x3  }
0x92: {  	_ =	strace s18  }
0x93: {  	s3 =	sld [smem:$0x3FFC];
	_ =	sdelay $0x3  }
0x94: {  	_ =	strace s3  }
0x95: {  	s3 =	sld [smem:$0x3FFD];
	_ =	sdelay $0x3  }
0x96: {  	_ =	strace s3  }
0x97: {  	_ =	strace $0x8FFFFFFF  }
0x98: {  	s19 =	sld [smem:$0x3FDB];
	_ =	sdelay $0x1  }
0x99: {  	s4 =	simm.s32 $_scs_section_size  }
0x9a: {  	s5 =	simm.s32 $_size__tile_overlayer_lowered;
	s6 =	simm.s32 $_tile_overlayer_lowered  }
0x9b: {  	s22 =	simm.s32 $0x1BFF;
	s21 =	sshll.u32 s6, $0x1;
	s3 =	sadd.s32 s4, s19  }
0x9c: {  	s7 =	simm.s32 $0x0;
	s20 =	sshll.u32 s5, $0x1;
	s5 =	sadd.s32 s21, s3  }
0x9d: {  	[timem:s7], [sflag:s22] =	dma.local [hbm:s5], s20  }
0x9e: {  	_ =	swait.ge [sflag:s22], s20  }
0x9f: {  	s4 =	ssub.s32 $0x0, s20;
	[sflag:s22] =	ssyncset.done $0x0  }
0xa0: {  	[sflag:s22] =	ssyncadd.s32 s4;
	_ =	sdelay $0x1  }
0xa1: {  	s23 =	simm.s32 $0x1B8B  }
0xa2: {  	_ =	swait.ge [sflag:s23], $0x1  }
0xa3: {  	[sflag:s23] =	ssyncset.done $0x0  }
0xa4: {  	s25 =	simm.s32 $0x1B8E;
	s24 =	sld [smem:$0x3FFE];
	[sflag:s23] =	ssyncadd.s32 $0xFFFFFFFF  }
0xa5: {  	s26 =	simm.s32 $execute0_lowered;
	[smem:$0x3FD2] =	sst s25  }
0xa6: {  	s5 =	sshll.u32 s26, $0x1;
	_ =	strace $0x80000046;
	[dreg:$0x1] =	wrdreg $0xFFFFFFFF  }
0xa7: {  	s28 =	simm.s32 $_size_execute0_lowered;
	s3 =	sadd.s32 s3, s5;
	[dreg:$0x0] =	wrdreg $0x0  }
0xa8: {  	s5 =	sshll.u32 s28, $0x1;
	[dreg:$0x2] =	wrdreg s3  }
0xa9: {  	[dreg:$0x3] =	wrdreg s5  }
0xaa: {  	[dreg:$0x4] =	wrdreg $0xC0  }
0xab: {  	_ =	task [dreg:s7], $0x5FFFF  }
0xac: {  	[dreg:$0x1] =	wrdreg $0xFFFFFFFF  }
0xad: {  	[dreg:$0x0] =	wrdreg $0x60  }
0xae: {  	[dreg:$0x2] =	wrdreg s24  }
0xaf: {  	[dreg:$0x3] =	wrdreg s2  }
0xb0: {  	[dreg:$0x4] =	wrdreg $0x9  }
0xb1: {  	_ =	task.clear_ibuf [dreg:s7], $0x5FFFF;
	_ =	strace $0x90000046  }
0xb2: {  	s29 =	simm.s32 $0x9;
	_ =	strace $0x80000048  }
0xb3: {  	_ =	swait.ge [sflag:s29], $0x1  }
0xb4: {  	[sflag:s29] =	ssyncadd.s32 $0xFFFFFFFF  }
0xb5: {  	_ =	strace $0x90000048  }
0xb6: {  	_ =	sfence  }
0xb7: {  	s30 =	sld [smem:$0x0];
	_ =	sdelay $0x2  }
0xb8: {  	s31 =	sshll.u32 s1, $0xD;
	s1 =	sshrl.u32 s1, $0x2  }
0xb9: {  	s3 =	sand.u32 $0x4000, s31;
	s1 =	sadd.s32 s1, s30  }
0xba: {  	s0 =	sor.u32 s3, s0;
	s1 =	sshll.u32 s1, $0x11  }
0xbb: {  	s0 =	sor.u32 s1, s0  }
0xbc: {  	s0 =	sadd.s32 $0x8F2B, s0  }
0xbd: {  	[sflag:s0] =	ssyncadd.remote.s32 $0x1  }
0xbe: {  	_ =	sfence.sel $0xFFFF  }
0xbf: {  	[dreg:$0x0] =	wrdreg $0xFFFFFFFF;
	(pc) =	sbr.abs _section_cstart, $3  }
0xc0: {  	[dreg:$0x1] =	wrdreg $0xFFFFFFFF  }
0xc1: {  	_ =	task.clear_ibuf [dreg:s7], $0x2FFFF;
	_ =	strace $0x9FFFFFFF  }
0xc2: {  	(tm) =	ssettm $0x7FFFFFFF  }
0xc3: {  	_ =	shalt  }
tec
execute0_lowered:
.L_overlay_start_1:
0x0: {  	(tag) =	ssettag $0x1  }
0x1: {  	s4 =	rddreg [dreg:$0x0]  }
0x2: {  	s1 =	srdreg.scid;
	s0 =	stileid.u32  }
0x3: {  	s7 =	rddreg [dreg:$0x1];
	s2 =	simm.s32 $0x0;
	s11 =	simm.s32 $0x10040  }
0x4: {  	s12 =	simm.s32 $0x1;
	s13 =	simm.s32 $0x2;
	s14 =	simm.s32 $0x3  }
0x5: {  	s15 =	simm.s32 $0x7E00;
	s16 =	simm.s32 $0x7F20;
	s17 =	simm.s32 $0x10140  }
0x6: {  	s18 =	simm.s32 $0x4;
	s3 =	sand.u32 $0x1, s1;
	s1 =	rddreg [dreg:$0x2]  }
0x7: {  	s19 =	simm.s32 $0x0;
	s5 =	sshll.u32 s0, $0x1;
	[smem:$0x7FF] =	sst s2  }
0x8: {  	s5 =	sor.u32 s3, s5;
	_ =	strace $0x80000047;
	s9 =	ssub.s32 $0x2, s3  }
0x9: {  	s3 =	sadd.s32 $0x20200, s4;
	s6 =	smul.u32 $0x7E0, s5;
	s8 =	sshll.u32 s5, $0x5  }
0xa: {  	s31 =	sshrl.u32 s9, $0x1;
	s10 =	sshll.u32 s5, $0x8;
	s8 =	sadd.s32 s8, s4  }
0xb: {  	s9 =	ssub.s32 s9, s31;
	s7 =	sadd.s32 s7, s10;
	s6 =	sadd.s32 s6, s4  }
0xc: {  	v36 =	vlaneseq.u32;
	s10 =	simm.s32 $0x8040;
	s4 =	sadd.s32 $0x10600, s6;
	s5 =	sadd.s32 $0xA00, s6  }
0xd: {  	v37 =	vmul.u32 $0x40, v36;
	s6 =	sadd.s32 $0x21200, s8;
	s8 =	smax.u32 s9, $0x1;
	s9 =	simm.s32 $0x3F00  }
.LBB2_1:
0xe: {  	s20 =	simm.s32 $0x10  }
0xf: {  	[tilespmem:s2], [sflag:$0x1] =	stream.linear.gather [hbm4b:s4+s2], $0x3F00, $0x38;
	v8 =	vor.u32 s20, v36;
	[tilespmem:$0x10940] =	vst v63  }
0x10: {  	s29 =	simm.s32 $0x0;
	vm0 =	vlt.s32 v8, $0xFB  }
0x11: {  	[tilespmem:s9], [sflag:$0x1] =	stream.linear.gather [hbm4b:s5+s2], $0x3F00, $0x38;
	v8 =	vnsel vm0, $0xFB, v8;
	[tilespmem:$0x10940] =	vst v63  }
0x12: {  	v0 =	vimm.s32 $0x0;
	v11 =	vshll.u32 v8, $0x6;
	v8 =	vmov s29  }
0x13: {  	[tilespmem:s10], [sflag:$0x2] =	stream.linear.gather [hbm4b:s3+s2], $0x8000, $0x38;
	v10 =	vor.u32 $0x1, v11;
	v15 =	vor.u32 $0x10, v11;
	v8 =	vshll.u32 v8, $0x6;
	[tilespmem:$0x10940] =	vst v63  }
0x14: {  	v19 =	vor.u32 $0x20, v11;
	v20 =	vor.u32 $0x30, v11;
	v13 =	vor.u32 $0xF, v11  }
0x15: {  	v12 =	vor.u32 $0x1F, v11;
	v9 =	vor.u32 $0x2F, v11;
	v17 =	vor.u32 $0xE, v11;
	[tilespmem:s11], [sflag:$0x3] =	stream.linear.gather [hbm4b:s6+s2], $0x100, $0x38;
	[tilespmem:$0x10940] =	vst v63  }
0x16: {  	v14 =	vor.u32 $0x1E, v11;
	v23 =	vor.u32 $0x2, v11;
	v18 =	vor.u32 $0xD, v11;
	_ =	swait.ge [sflag:s12], $0x3F00  }
0x17: {  	v25 =	vor.u32 $0x11, v11;
	v16 =	vor.u32 $0x2E, v11;
	v26 =	vor.u32 $0x5, v11;
	[sflag:s12] =	ssyncset.done $0x0  }
0x18: {  	v27 =	vor.u32 $0x21, v11;
	v28 =	vor.u32 $0x4, v11;
	v29 =	vor.u32 $0x31, v11;
	[sflag:s12] =	ssyncadd.s32 $0xFFFFC100  }
0x19: {  	v30 =	vor.u32 $0x3, v11;
	v31 =	vor.u32 $0x12, v11;
	v32 =	vor.u32 $0x13, v11;
	_ =	swait.ge [sflag:s12], $0x3F00  }
0x1a: {  	v33 =	vor.u32 $0x23, v11;
	v34 =	vor.u32 $0x22, v11;
	v35 =	vor.u32 $0x32, v11;
	[sflag:s12] =	ssyncset.done $0x0  }
0x1b: {  	v60 =	vor.u32 $0x33, v11;
	v6 =	vor.u32 $0x14, v11;
	v7 =	vor.u32 $0x24, v11;
	[sflag:s12] =	ssyncadd.s32 $0xFFFFC100  }
0x1c: {  	v38 =	vor.u32 $0x34, v11;
	v39 =	vor.u32 $0x6, v11;
	v40 =	vor.u32 $0x15, v11;
	v21 =	vld.idx.msk [tilespmem:v11+s2+$0x0], $0xffff  }
0x1d: {  	v41 =	vor.u32 $0x25, v11;
	v42 =	vor.u32 $0x35, v11;
	v43 =	vor.u32 $0x7, v11;
	v22 =	vld.idx.msk [tilespmem:v10+s2+$0x0], $0xffff  }
0x1e: {  	v44 =	vor.u32 $0x16, v11;
	v45 =	vor.u32 $0x26, v11;
	v46 =	vor.u32 $0x36, v11;
	v24 =	vld.idx.msk [tilespmem:v15+s2+$0x0], $0xffff  }
0x1f: {  	v47 =	vor.u32 $0x8, v11;
	v48 =	vor.u32 $0x17, v11;
	v49 =	vor.u32 $0x27, v11;
	v19 =	vld.idx.msk [tilespmem:v19+s2+$0x0], $0xffff  }
0x20: {  	v50 =	vor.u32 $0x37, v11;
	v51 =	vor.u32 $0x9, v11;
	v52 =	vor.u32 $0x18, v11;
	v20 =	vld.idx.msk [tilespmem:v20+s2+$0x0], $0xffff  }
0x21: {  	v53 =	vor.u32 $0x28, v11;
	v54 =	vor.u32 $0x38, v11;
	v55 =	vor.u32 $0xA, v11;
	v23 =	vld.idx.msk [tilespmem:v23+s2+$0x0], $0xffff  }
0x22: {  	v56 =	vor.u32 $0x19, v11;
	v8 =	vor.u32 v37, v8;
	v10 =	vor.u32 $0x3F, v11;
	v57 =	vld.idx.msk [tilespmem:v30+s2+$0x0], $0xffff  }
0x23: {  	v15 =	vor.u32 $0x3E, v11;
	v30 =	vld.idx.msk [tilespmem:v7+s2+$0x0], $0xffff;
	v7 =	vor.u32 $0x2B, v11;
	vm0 =	vgt.f32 v21, $-Inf  }
0x24: {  	v27 =	vld.idx.msk [tilespmem:v27+s2+$0x0], $0xffff;
	vm1 =	vgt.f32 v24, $-Inf;
	vm2 =	vlt.f32 v19, $-Inf;
	vm3 =	vgt.f32 v19, $-Inf  }
0x25: {  	v25 =	vld.idx.msk [tilespmem:v25+s2+$0x0], $0xffff;
	v21 =	vnsel vm0, $0xFF800000, v21;
	vm0 =	vlt.f32 v24, $-Inf;
	vm2 =	vmor vm3, vm2  }
0x26: {  	vm3 =	vgt.f32 v20, $-Inf;
	vm4 =	vgt.f32 v22, v21;
	vm0 =	vmor vm1, vm0  }
0x27: {  	vm1 =	vlt.f32 v20, $-Inf;
	v19 =	vnsel vm2, $0xFF800000, v19;
	v62 =	vsel vm2, $0x20, v0  }
0x28: {  	v29 =	vld.idx.msk [tilespmem:v29+s2+$0x0], $0xffff;
	v21 =	vsel vm4, v22, v21;
	vm1 =	vmor vm3, vm1;
	v24 =	vnsel vm0, $0xFF800000, v24  }
0x29: {  	v34 =	vld.idx.msk [tilespmem:v34+s2+$0x0], $0xffff;
	v59 =	vsel vm4, $0x1, v0;
	v61 =	vsel vm0, $0x10, v0;
	vm0 =	vgt.f32 v27, v19  }
0x2a: {  	v22 =	vld.idx.msk [tilespmem:v6+s2+$0x0], $0xffff;
	v6 =	vor.u32 $0x1B, v11;
	vm3 =	vgt.f32 v23, v21;
	vm9 =	vgt.f32 v25, v24  }
0x2b: {  	v58 =	vld.idx.msk [tilespmem:v31+s2+$0x0], $0xffff;
	v20 =	vnsel vm1, $0xFF800000, v20;
	v19 =	vsel vm0, v27, v19;
	v63 =	vsel vm1, $0x30, v0  }
0x2c: {  	v35 =	vld.idx.msk [tilespmem:v35+s2+$0x0], $0xffff;
	v27 =	vsel vm0, $0x21, v62;
	v62 =	vor.u32 $0x3A, v11;
	v21 =	vsel vm3, v23, v21  }
0x2d: {  	v28 =	vld.idx.msk [tilespmem:v28+s2+$0x0], $0xffff;
	v24 =	vsel vm9, v25, v24;
	vm2 =	vgt.f32 v29, v20;
	v31 =	vsel vm3, $0x2, v59  }
0x2e: {  	v33 =	vld.idx.msk [tilespmem:v33+s2+$0x0], $0xffff;
	v25 =	vsel vm9, $0x11, v61;
	vm10 =	vgt.f32 v34, v19;
	v59 =	vor.u32 $0xB, v11  }
0x2f: {  	v23 =	vld.idx.msk [tilespmem:v60+s2+$0x0], $0xffff;
	v60 =	vor.u32 $0x1A, v11;
	v61 =	vor.u32 $0x2A, v11;
	v20 =	vsel vm2, v29, v20  }
0x30: {  	v32 =	vld.idx.msk [tilespmem:v32+s2+$0x0], $0xffff;
	vm1 =	vgt.f32 v57, v21;
	vm3 =	vgt.f32 v58, v24;
	v19 =	vsel vm10, v34, v19  }
0x31: {  	v29 =	vsel vm2, $0x31, v63;
	v27 =	vsel vm10, $0x22, v27;
	v63 =	vor.u32 $0xC, v11  }
0x32: {  	v34 =	vld.idx.msk [tilespmem:v38+s2+$0x0], $0xffff;
	v38 =	vor.u32 $0x3B, v11;
	v21 =	vsel vm1, v57, v21;
	v24 =	vsel vm3, v58, v24  }
0x33: {  	vm0 =	vgt.f32 v35, v20;
	v31 =	vsel vm1, $0x3, v31;
	v25 =	vsel vm3, $0x12, v25  }
0x34: {  	vm3 =	vgt.f32 v33, v19;
	v57 =	vor.u32 $0x29, v11;
	v58 =	vor.u32 $0x39, v11  }
0x35: {  	v26 =	vld.idx.msk [tilespmem:v26+s2+$0x0], $0xffff;
	v20 =	vsel vm0, v35, v20;
	vm1 =	vgt.f32 v28, v21;
	vm2 =	vgt.f32 v32, v24  }
0x36: {  	v19 =	vsel vm3, v33, v19;
	v29 =	vsel vm0, $0x32, v29;
	v35 =	vld.idx.msk [tilespmem:v39+s2+$0x0], $0xffff;
	v27 =	vsel vm3, $0x23, v27  }
0x37: {  	v33 =	vld.idx.msk [tilespmem:v42+s2+$0x0], $0xffff;
	v39 =	vor.u32 $0x1C, v11;
	v42 =	vor.u32 $0x1D, v11;
	v21 =	vsel vm1, v28, v21  }
0x38: {  	v24 =	vsel vm2, v32, v24;
	v28 =	vld.idx.msk [tilespmem:v40+s2+$0x0], $0xffff;
	v31 =	vsel vm1, $0x4, v31;
	v25 =	vsel vm2, $0x13, v25  }
0x39: {  	v32 =	vld.idx.msk [tilespmem:v41+s2+$0x0], $0xffff;
	vm2 =	vgt.f32 v30, v19;
	v40 =	vor.u32 $0x2C, v11;
	v41 =	vor.u32 $0x3C, v11  }
0x3a: {  	vm0 =	vgt.f32 v23, v20;
	vm11 =	vgt.f32 v26, v21;
	vm1 =	vgt.f32 v22, v24  }
0x3b: {  	v19 =	vsel vm2, v30, v19;
	v27 =	vsel vm2, $0x24, v27;
	v20 =	vsel vm0, v23, v20  }
0x3c: {  	v30 =	vld.idx.msk [tilespmem:v46+s2+$0x0], $0xffff;
	v21 =	vsel vm11, v26, v21;
	v22 =	vsel vm1, v22, v24;
	v29 =	vsel vm0, $0x33, v29  }
0x3d: {  	v23 =	vld.idx.msk [tilespmem:v43+s2+$0x0], $0xffff;
	v31 =	vsel vm11, $0x5, v31;
	v25 =	vsel vm1, $0x14, v25;
	v43 =	vor.u32 $0x2D, v11  }
0x3e: {  	v26 =	vld.idx.msk [tilespmem:v44+s2+$0x0], $0xffff;
	v44 =	vor.u32 $0x3D, v11;
	vm3 =	vgt.f32 v34, v20;
	vm0 =	vgt.f32 v35, v21  }
0x3f: {  	v24 =	vld.idx.msk [tilespmem:v45+s2+$0x0], $0xffff;
	v20 =	vsel vm3, v34, v20;
	v29 =	vsel vm3, $0x34, v29;
	v21 =	vsel vm0, v35, v21  }
0x40: {  	v34 =	vld.idx.msk [tilespmem:v47+s2+$0x0], $0xffff;
	vm1 =	vgt.f32 v28, v22;
	vm12 =	vgt.f32 v32, v19;
	vm2 =	vgt.f32 v33, v20  }
0x41: {  	v31 =	vsel vm0, $0x6, v31;
	v35 =	vld.idx.msk [tilespmem:v48+s2+$0x0], $0xffff;
	v22 =	vsel vm1, v28, v22;
	v19 =	vsel vm12, v32, v19  }
0x42: {  	v20 =	vsel vm2, v33, v20;
	v25 =	vsel vm1, $0x15, v25;
	v28 =	vld.idx.msk [tilespmem:v49+s2+$0x0], $0xffff;
	v27 =	vsel vm12, $0x25, v27  }
0x43: {  	v32 =	vld.idx.msk [tilespmem:v50+s2+$0x0], $0xffff;
	v29 =	vsel vm2, $0x35, v29;
	vm0 =	vgt.f32 v23, v21;
	vm3 =	vgt.f32 v26, v22  }
0x44: {  	v33 =	vld.idx.msk [tilespmem:v51+s2+$0x0], $0xffff;
	vm1 =	vgt.f32 v24, v19;
	vm2 =	vgt.f32 v30, v20;
	v21 =	vsel vm0, v23, v21  }
0x45: {  	v22 =	vsel vm3, v26, v22;
	v19 =	vsel vm1, v24, v19;
	v20 =	vsel vm2, v30, v20;
	v23 =	vld.idx.msk [tilespmem:v52+s2+$0x0], $0xffff  }
0x46: {  	v31 =	vsel vm0, $0x7, v31;
	v25 =	vsel vm3, $0x16, v25;
	v26 =	vld.idx.msk [tilespmem:v53+s2+$0x0], $0xffff;
	vm13 =	vgt.f32 v34, v21  }
0x47: {  	v27 =	vsel vm1, $0x26, v27;
	v24 =	vld.idx.msk [tilespmem:v54+s2+$0x0], $0xffff;
	v29 =	vsel vm2, $0x36, v29;
	v21 =	vsel vm13, v34, v21  }
0x48: {  	vm0 =	vgt.f32 v35, v22;
	v34 =	vld.idx.msk [tilespmem:v56+s2+$0x0], $0xffff;
	v31 =	vsel vm13, $0x8, v31;
	v56 =	vor.u32 $0x20, v8  }
0x49: {  	v30 =	vld.idx.msk [tilespmem:v55+s2+$0x0], $0xffff;
	v22 =	vsel vm0, v35, v22;
	vm1 =	vgt.f32 v28, v19;
	vm3 =	vgt.f32 v32, v20  }
0x4a: {  	vm2 =	vgt.f32 v33, v21;
	v25 =	vsel vm0, $0x17, v25;
	v35 =	vld.idx.msk [tilespmem:v57+s2+$0x0], $0xffff;
	v57 =	vor.u32 $0x11, v8  }
0x4b: {  	v19 =	vsel vm1, v28, v19;
	v20 =	vsel vm3, v32, v20;
	v21 =	vsel vm2, v33, v21;
	v28 =	vld.idx.msk [tilespmem:v58+s2+$0x0], $0xffff  }
0x4c: {  	v27 =	vsel vm1, $0x27, v27;
	v29 =	vsel vm3, $0x37, v29;
	v32 =	vld.idx.msk [tilespmem:v59+s2+$0x0], $0xffff;
	v31 =	vsel vm2, $0x9, v31  }
0x4d: {  	v33 =	vld.idx.msk [tilespmem:v60+s2+$0x0], $0xffff;
	v58 =	vor.u32 $0x21, v8;
	v59 =	vor.u32 $0x31, v8;
	v60 =	vor.u32 $0x2, v8  }
0x4e: {  	v18 =	vld.idx.msk [tilespmem:v18+s2+$0x0], $0xffff;
	vm0 =	vgt.f32 v23, v22;
	vm14 =	vgt.f32 v26, v19;
	vm1 =	vgt.f32 v24, v20  }
0x4f: {  	v17 =	vld.idx.msk [tilespmem:v17+s2+$0x0], $0xffff;
	vm2 =	vgt.f32 v30, v21;
	v22 =	vsel vm0, v23, v22;
	v19 =	vsel vm14, v26, v19  }
0x50: {  	v20 =	vsel vm1, v24, v20;
	v21 =	vsel vm2, v30, v21;
	v25 =	vsel vm0, $0x18, v25;
	v23 =	vld.idx.msk [tilespmem:v61+s2+$0x0], $0xffff  }
0x51: {  	v27 =	vsel vm14, $0x28, v27;
	v26 =	vld.idx.msk [tilespmem:v62+s2+$0x0], $0xffff;
	v29 =	vsel vm1, $0x38, v29;
	v31 =	vsel vm2, $0xA, v31  }
0x52: {  	v24 =	vld.idx.msk [tilespmem:v63+s2+$0x0], $0xffff;
	v61 =	vor.u32 $0x12, v8;
	v62 =	vor.u32 $0x22, v8;
	vm3 =	vgt.f32 v34, v22  }
0x53: {  	v30 =	vld.idx.msk [tilespmem:v6+s2+$0x0], $0xffff;
	v63 =	vor.u32 $0x3, v8;
	v6 =	vor.u32 $0x32, v8;
	v22 =	vsel vm3, v34, v22  }
0x54: {  	vm0 =	vgt.f32 v35, v19;
	v25 =	vsel vm3, $0x19, v25;
	v34 =	vld.idx.msk [tilespmem:v7+s2+$0x0], $0xffff;
	v7 =	vor.u32 $0x13, v8  }
0x55: {  	v13 =	vld.idx.msk [tilespmem:v13+s2+$0x0], $0xffff;
	v19 =	vsel vm0, v35, v19;
	vm1 =	vgt.f32 v28, v20;
	vm15 =	vgt.f32 v32, v21  }
0x56: {  	vm2 =	vgt.f32 v33, v22;
	v27 =	vsel vm0, $0x29, v27;
	v35 =	vld.idx.msk [tilespmem:v38+s2+$0x0], $0xffff;
	v38 =	vor.u32 $0x23, v8  }
0x57: {  	v20 =	vsel vm1, v28, v20;
	v21 =	vsel vm15, v32, v21;
	v22 =	vsel vm2, v33, v22;
	v28 =	vld.idx.msk [tilespmem:v39+s2+$0x0], $0xffff  }
0x58: {  	v29 =	vsel vm1, $0x39, v29;
	v31 =	vsel vm15, $0xB, v31;
	v32 =	vld.idx.msk [tilespmem:v40+s2+$0x0], $0xffff;
	v25 =	vsel vm2, $0x1A, v25  }
0x59: {  	v33 =	vld.idx.msk [tilespmem:v41+s2+$0x0], $0xffff;
	v39 =	vor.u32 $0x33, v8;
	v40 =	vor.u32 $0x4, v8;
	v41 =	vor.u32 $0x14, v8  }
0x5a: {  	v14 =	vld.idx.msk [tilespmem:v14+s2+$0x0], $0xffff;
	vm0 =	vgt.f32 v23, v19;
	vm3 =	vgt.f32 v26, v20;
	vm1 =	vgt.f32 v24, v21  }
0x5b: {  	v16 =	vld.idx.msk [tilespmem:v16+s2+$0x0], $0xffff;
	v19 =	vsel vm0, v23, v19;
	v20 =	vsel vm3, v26, v20;
	v21 =	vsel vm1, v24, v21  }
0x5c: {  	v27 =	vsel vm0, $0x2A, v27;
	v29 =	vsel vm3, $0x3A, v29;
	vm0 =	vgt.f32 v30, v22;
	v23 =	vld.idx.msk [tilespmem:v42+s2+$0x0], $0xffff  }
0x5d: {  	v31 =	vsel vm1, $0xC, v31;
	v26 =	vld.idx.msk [tilespmem:v43+s2+$0x0], $0xffff;
	v42 =	vor.u32 $0x5, v8;
	v43 =	vor.u32 $0x24, v8  }
0x5e: {  	v24 =	vld.idx.msk [tilespmem:v44+s2+$0x0], $0xffff;
	v44 =	vor.u32 $0x34, v8;
	vm2 =	vgt.f32 v34, v19;
	v25 =	vsel vm0, $0x1B, v25  }
0x5f: {  	v12 =	vld.idx.msk [tilespmem:v12+s2+$0x0], $0xffff;
	v22 =	vsel vm0, v30, v22;
	vm0 =	vgt.f32 v18, v21;
	vm3 =	vgt.f32 v35, v20  }
0x60: {  	v15 =	vld.idx.msk [tilespmem:v15+s2+$0x0], $0xffff;
	v27 =	vsel vm2, $0x2B, v27;
	v19 =	vsel vm2, v34, v19;
	v45 =	vsel vm0, $0xD, v31  }
0x61: {  	v18 =	vsel vm0, v18, v21;
	v21 =	vld.idx.msk [tilespmem:v59+s2+$0x0], $0xffff;
	v59 =	vor.u32 $0x17, v8;
	v29 =	vsel vm3, $0x3B, v29  }
0x62: {  	v20 =	vsel vm3, v35, v20;
	vm1 =	vgt.f32 v28, v22;
	vm2 =	vgt.f32 v32, v19;
	v30 =	vld.idx.msk [tilespmem:v40+s2+$0x0], $0xffff  }
0x63: {  	vm0 =	vgt.f32 v17, v18;
	v31 =	vld.idx.msk [tilespmem:v41+s2+$0x0], $0xffff;
	v40 =	vor.u32 $0x29, v8;
	v41 =	vor.u32 $0x39, v8  }
0x64: {  	vm3 =	vgt.f32 v33, v20;
	v25 =	vsel vm1, $0x1C, v25;
	v17 =	vsel vm0, v17, v18;
	v18 =	vld.idx.msk [tilespmem:v57+s2+$0x0], $0xffff  }
0x65: {  	v27 =	vsel vm2, $0x2C, v27;
	v46 =	vsel vm1, v28, v22;
	v19 =	vsel vm2, v32, v19;
	v22 =	vld.idx.msk [tilespmem:v60+s2+$0x0], $0xffff  }
0x66: {  	v48 =	vsel vm0, $0xE, v45;
	v45 =	vor.u32 $0x15, v8;
	v28 =	vld.idx.msk [tilespmem:v38+s2+$0x0], $0xffff;
	v57 =	vor.u32 $0x36, v8  }
0x67: {  	v60 =	vor.u32 $0x27, v8;
	v38 =	vor.u32 $0x9, v8;
	v47 =	vsel vm3, $0x3C, v29;
	v29 =	vld.idx.msk [tilespmem:v39+s2+$0x0], $0xffff  }
0x68: {  	v20 =	vsel vm3, v33, v20;
	vm1 =	vgt.f32 v23, v46;
	vm2 =	vgt.f32 v26, v19;
	v33 =	vld.idx.msk [tilespmem:v43+s2+$0x0], $0xffff  }
0x69: {  	vm0 =	vgt.f32 v13, v17;
	v32 =	vld.idx.msk [tilespmem:v42+s2+$0x0], $0xffff;
	v39 =	vor.u32 $0x19, v8;
	v42 =	vor.u32 $0xA, v8  }
0x6a: {  	v34 =	vld.idx.msk [tilespmem:v44+s2+$0x0], $0xffff;
	v43 =	vor.u32 $0x1A, v8;
	v44 =	vor.u32 $0x2A, v8;
	vm3 =	vgt.f32 v24, v20  }
0x6b: {  	v9 =	vld.idx.msk [tilespmem:v9+s2+$0x0], $0xffff;
	v25 =	vsel vm1, $0x1D, v25;
	v27 =	vsel vm2, $0x2D, v27;
	v49 =	vsel vm1, v23, v46  }
0x6c: {  	v10 =	vld.idx.msk [tilespmem:v10+s2+$0x0], $0xffff;
	v19 =	vsel vm2, v26, v19;
	v51 =	vsel vm0, $0xF, v48;
	v13 =	vsel vm0, v13, v17  }
0x6d: {  	v23 =	vld.idx.msk [tilespmem:v61+s2+$0x0], $0xffff;
	v61 =	vor.u32 $0x37, v8;
	v50 =	vsel vm3, $0x3D, v47;
	v20 =	vsel vm3, v24, v20  }
0x6e: {  	vm1 =	vgt.f32 v14, v49;
	vm2 =	vgt.f32 v16, v19;
	vm3 =	vgt.f32 v15, v20  }
0x6f: {  	v52 =	vsel vm1, $0x1E, v25;
	v53 =	vsel vm2, $0x2E, v27;
	v14 =	vsel vm1, v14, v49  }
0x70: {  	v16 =	vsel vm2, v16, v19;
	v49 =	vor.u32 $0x25, v8;
	v17 =	vsel vm3, $0x3E, v50  }
0x71: {  	v47 =	vld.idx.msk [tilespmem:v6+s2+$0x0], $0xffff;
	vm0 =	vgt.f32 v12, v14;
	v15 =	vsel vm3, v15, v20;
	vm1 =	vgt.f32 v9, v16  }
0x72: {  	v19 =	vld.idx.msk [tilespmem:v58+s2+$0x0], $0xffff;
	v54 =	vsel vm0, $0x1F, v52;
	vm2 =	vgt.f32 v10, v15;
	v12 =	vsel vm0, v12, v14  }
0x73: {  	v25 =	vld.idx.msk [tilespmem:v63+s2+$0x0], $0xffff;
	v14 =	vsel vm1, v9, v16;
	v55 =	vsel vm1, $0x2F, v53;
	v10 =	vsel vm2, v10, v15  }
0x74: {  	v20 =	vld.idx.msk [tilespmem:v56+s2+$0x0], $0xffff;
	v15 =	vor.u32 $0x10, v8;
	vm0 =	vgt.f32 v12, v13;
	v17 =	vsel vm2, $0x3F, v17  }
0x75: {  	v27 =	vld.idx.msk [tilespmem:v7+s2+$0x0], $0xffff;
	vm1 =	vgt.f32 v10, v14;
	v9 =	vsel vm0, v12, v13;
	v13 =	vor.u32 $0x30, v8  }
0x76: {  	v6 =	vor.u32 $0x28, v8;
	v35 =	vld.idx.msk [tilespmem:v45+s2+$0x0], $0xffff;
	v12 =	vsel vm1, v17, v55;
	v17 =	vor.u32 $0x1, v8  }
0x77: {  	v58 =	vor.u32 $0x7, v8;
	v63 =	vor.u32 $0x18, v8;
	v7 =	vor.u32 $0x38, v8;
	v16 =	vld.idx.msk [tilespmem:v8+s2+$0x0], $0xffff  }
0x78: {  	v56 =	vor.u32 $0x26, v8;
	v45 =	vor.u32 $0x3A, v8;
	v52 =	vor.u32 $0x6, v8;
	v26 =	vld.idx.msk [tilespmem:v49+s2+$0x0], $0xffff  }
0x79: {  	v14 =	vsel vm1, v10, v14;
	vm2 =	vlt.f32 v20, $-Inf;
	vm3 =	vgt.f32 v20, $-Inf;
	v15 =	vld.idx.msk [tilespmem:v15+s2+$0x0], $0xffff  }
0x7a: {  	v10 =	vsel vm0, v54, v51;
	v51 =	vor.u32 $0x35, v8;
	vm2 =	vmor vm3, vm2;
	v13 =	vld.idx.msk [tilespmem:v13+s2+$0x0], $0xffff  }
0x7b: {  	v54 =	vor.u32 $0x16, v8;
	v49 =	vor.u32 $0x3B, v8;
	v20 =	vnsel vm2, $0xFF800000, v20;
	v17 =	vld.idx.msk [tilespmem:v17+s2+$0x0], $0xffff  }
0x7c: {  	vm0 =	vgt.f32 v16, $-Inf;
	v48 =	vsel vm2, $0x20, v0;
	vm5 =	vgt.f32 v19, v20  }
0x7d: {  	v16 =	vnsel vm0, $0xFF800000, v16;
	v19 =	vsel vm5, v19, v20;
	v20 =	vsel vm5, $0x21, v48  }
0x7e: {  	v48 =	vor.u32 $0x2B, v8;
	vm0 =	vlt.f32 v15, $-Inf;
	vm1 =	vgt.f32 v15, $-Inf  }
0x7f: {  	vm1 =	vmor vm1, vm0;
	vm0 =	vlt.f32 v13, $-Inf;
	vm3 =	vgt.f32 v13, $-Inf  }
0x80: {  	v15 =	vnsel vm1, $0xFF800000, v15;
	vm3 =	vmor vm3, vm0;
	vm0 =	vgt.f32 v17, v16  }
0x81: {  	v46 =	vsel vm1, $0x10, v0;
	v13 =	vnsel vm3, $0xFF800000, v13;
	v16 =	vsel vm0, v17, v16  }
0x82: {  	vm8 =	vgt.f32 v18, v15;
	v50 =	vsel vm3, $0x30, v0;
	v55 =	vsel vm0, $0x1, v0  }
0x83: {  	v17 =	vld.idx.msk [tilespmem:v62+s2+$0x0], $0xffff;
	v62 =	vor.u32 $0x8, v8;
	v15 =	vsel vm8, v18, v15;
	vm2 =	vgt.f32 v21, v13  }
0x84: {  	vm1 =	vgt.f32 v22, v16;
	v18 =	vsel vm8, $0x11, v46;
	v46 =	vor.u32 $0xB, v8  }
0x85: {  	v13 =	vsel vm2, v21, v13;
	vm3 =	vgt.f32 v23, v15;
	v16 =	vsel vm1, v22, v16  }
0x86: {  	v53 =	vsel vm2, $0x31, v50;
	v24 =	vsel vm1, $0x2, v55;
	v22 =	vld.idx.msk [tilespmem:v51+s2+$0x0], $0xffff;
	v50 =	vor.u32 $0xC, v8  }
0x87: {  	v21 =	vld.idx.msk [tilespmem:v54+s2+$0x0], $0xffff;
	v51 =	vor.u32 $0x1C, v8;
	v54 =	vor.u32 $0xD, v8;
	v55 =	vor.u32 $0x1D, v8  }
0x88: {  	v15 =	vsel vm3, v23, v15;
	vm2 =	vgt.f32 v47, v13;
	vm0 =	vgt.f32 v25, v16  }
0x89: {  	v18 =	vsel vm3, $0x12, v18;
	v23 =	vld.idx.msk [tilespmem:v52+s2+$0x0], $0xffff;
	v52 =	vor.u32 $0x2C, v8;
	v13 =	vsel vm2, v47, v13  }
0x8a: {  	vm3 =	vgt.f32 v27, v15;
	v16 =	vsel vm0, v25, v16;
	v24 =	vsel vm0, $0x3, v24  }
0x8b: {  	v25 =	vld.idx.msk [tilespmem:v56+s2+$0x0], $0xffff;
	v47 =	vor.u32 $0x1B, v8;
	v56 =	vor.u32 $0x2D, v8;
	vm9 =	vgt.f32 v17, v19  }
0x8c: {  	v15 =	vsel vm3, v27, v15;
	vm1 =	vgt.f32 v30, v16;
	v18 =	vsel vm3, $0x13, v18  }
0x8d: {  	v27 =	vld.idx.msk [tilespmem:v57+s2+$0x0], $0xffff;
	v57 =	vor.u32 $0x3D, v8;
	v17 =	vsel vm9, v17, v19;
	v20 =	vsel vm9, $0x22, v20  }
0x8e: {  	v19 =	vsel vm2, $0x32, v53;
	vm2 =	vgt.f32 v29, v13;
	v16 =	vsel vm1, v30, v16  }
0x8f: {  	vm3 =	vgt.f32 v31, v15;
	v24 =	vsel vm1, $0x4, v24;
	v53 =	vor.u32 $0x3C, v8  }
0x90: {  	v30 =	vld.idx.msk [tilespmem:v60+s2+$0x0], $0xffff;
	v60 =	vor.u32 $0x1E, v8;
	vm10 =	vgt.f32 v28, v17;
	v13 =	vsel vm2, v29, v13  }
0x91: {  	v15 =	vsel vm3, v31, v15;
	v19 =	vsel vm2, $0x33, v19;
	vm0 =	vgt.f32 v32, v16;
	v29 =	vld.idx.msk [tilespmem:v59+s2+$0x0], $0xffff  }
0x92: {  	v18 =	vsel vm3, $0x14, v18;
	v31 =	vld.idx.msk [tilespmem:v61+s2+$0x0], $0xffff;
	v59 =	vor.u32 $0xE, v8;
	v61 =	vor.u32 $0x2E, v8  }
0x93: {  	v17 =	vsel vm10, v28, v17;
	v20 =	vsel vm10, $0x23, v20;
	vm2 =	vgt.f32 v34, v13  }
0x94: {  	v16 =	vsel vm0, v32, v16;
	vm3 =	vgt.f32 v35, v15;
	v24 =	vsel vm0, $0x5, v24  }
0x95: {  	v32 =	vld.idx.msk [tilespmem:v6+s2+$0x0], $0xffff;
	v6 =	vor.u32 $0x1F, v8;
	vm11 =	vgt.f32 v33, v17;
	v13 =	vsel vm2, v34, v13  }
0x96: {  	v15 =	vsel vm3, v35, v15;
	v19 =	vsel vm2, $0x34, v19;
	vm2 =	vgt.f32 v23, v16;
	v34 =	vld.idx.msk [tilespmem:v63+s2+$0x0], $0xffff  }
0x97: {  	v18 =	vsel vm3, $0x15, v18;
	v35 =	vld.idx.msk [tilespmem:v7+s2+$0x0], $0xffff;
	v63 =	vor.u32 $0xF, v8;
	v7 =	vor.u32 $0x2F, v8  }
0x98: {  	v17 =	vsel vm11, v33, v17;
	v20 =	vsel vm11, $0x24, v20;
	vm1 =	vgt.f32 v22, v13  }
0x99: {  	v28 =	vld.idx.msk [tilespmem:v58+s2+$0x0], $0xffff;
	vm3 =	vgt.f32 v21, v15;
	v16 =	vsel vm2, v23, v16;
	v24 =	vsel vm2, $0x6, v24  }
0x9a: {  	v33 =	vld.idx.msk [tilespmem:v62+s2+$0x0], $0xffff;
	v62 =	vor.u32 $0x3E, v8;
	vm12 =	vgt.f32 v26, v17;
	v13 =	vsel vm1, v22, v13  }
0x9b: {  	v15 =	vsel vm3, v21, v15;
	v19 =	vsel vm1, $0x35, v19;
	v18 =	vsel vm3, $0x16, v18  }
0x9c: {  	v17 =	vsel vm12, v26, v17;
	v20 =	vsel vm12, $0x25, v20;
	vm14 =	vgt.f32 v27, v13  }
0x9d: {  	vm3 =	vgt.f32 v29, v15;
	v26 =	vld.idx.msk [tilespmem:v38+s2+$0x0], $0xffff;
	v38 =	vor.u32 $0x3F, v8;
	vm13 =	vgt.f32 v25, v17  }
0x9e: {  	s30 =	simm.s32 $0x30;
	vm0 =	vgt.f32 v28, v16;
	v13 =	vsel vm14, v27, v13;
	v15 =	vsel vm3, v29, v15  }
0x9f: {  	v19 =	vsel vm14, $0x36, v19;
	v18 =	vsel vm3, $0x17, v18;
	v27 =	vld.idx.msk [tilespmem:v43+s2+$0x0], $0xffff;
	v43 =	vor.u32 s30, v36  }
0xa0: {  	v22 =	vld.idx.msk [tilespmem:v39+s2+$0x0], $0xffff;
	v17 =	vsel vm13, v25, v17;
	v16 =	vsel vm0, v28, v16;
	v20 =	vsel vm13, $0x26, v20  }
0xa1: {  	vm2 =	vgt.f32 v31, v13;
	vm3 =	vgt.f32 v34, v15;
	v24 =	vsel vm0, $0x7, v24  }
0xa2: {  	vm15 =	vgt.f32 v30, v17;
	v13 =	vsel vm2, v31, v13;
	vm1 =	vgt.f32 v33, v16  }
0xa3: {  	v23 =	vld.idx.msk [tilespmem:v40+s2+$0x0], $0xffff;
	v15 =	vsel vm3, v34, v15;
	v19 =	vsel vm2, $0x37, v19;
	v18 =	vsel vm3, $0x18, v18  }
0xa4: {  	v21 =	vld.idx.msk [tilespmem:v41+s2+$0x0], $0xffff;
	v17 =	vsel vm15, v30, v17;
	v16 =	vsel vm1, v33, v16;
	v20 =	vsel vm15, $0x27, v20  }
0xa5: {  	v25 =	vld.idx.msk [tilespmem:v42+s2+$0x0], $0xffff;
	vm0 =	vgt.f32 v35, v13;
	vm3 =	vgt.f32 v22, v15;
	v24 =	vsel vm1, $0x8, v24  }
0xa6: {  	v29 =	vld.idx.msk [tilespmem:v45+s2+$0x0], $0xffff;
	vm8 =	vgt.f32 v32, v17;
	v13 =	vsel vm0, v35, v13;
	vm2 =	vgt.f32 v26, v16  }
0xa7: {  	v28 =	vld.idx.msk [tilespmem:v44+s2+$0x0], $0xffff;
	v15 =	vsel vm3, v22, v15;
	v19 =	vsel vm0, $0x38, v19;
	v18 =	vsel vm3, $0x19, v18  }
0xa8: {  	v31 =	vld.idx.msk [tilespmem:v47+s2+$0x0], $0xffff;
	v17 =	vsel vm8, v32, v17;
	v16 =	vsel vm2, v26, v16;
	v20 =	vsel vm8, $0x28, v20  }
0xa9: {  	v30 =	vld.idx.msk [tilespmem:v46+s2+$0x0], $0xffff;
	vm0 =	vgt.f32 v21, v13;
	vm3 =	vgt.f32 v27, v15;
	v24 =	vsel vm2, $0x9, v24  }
0xaa: {  	v58 =	vld.idx.msk [tilespmem:v50+s2+$0x0], $0xffff;
	vm9 =	vgt.f32 v23, v17;
	vm1 =	vgt.f32 v25, v16;
	v13 =	vsel vm0, v21, v13  }
0xab: {  	v34 =	vld.idx.msk [tilespmem:v49+s2+$0x0], $0xffff;
	v15 =	vsel vm3, v27, v15;
	v19 =	vsel vm0, $0x39, v19;
	v18 =	vsel vm3, $0x1A, v18  }
0xac: {  	v35 =	vld.idx.msk [tilespmem:v51+s2+$0x0], $0xffff;
	v17 =	vsel vm9, v23, v17;
	v16 =	vsel vm1, v25, v16;
	v20 =	vsel vm9, $0x29, v20  }
0xad: {  	v33 =	vld.idx.msk [tilespmem:v48+s2+$0x0], $0xffff;
	vm10 =	vgt.f32 v29, v13;
	vm3 =	vgt.f32 v31, v15;
	v24 =	vsel vm1, $0xA, v24  }
0xae: {  	v22 =	vld.idx.msk [tilespmem:v53+s2+$0x0], $0xffff;
	vm2 =	vgt.f32 v28, v17;
	v13 =	vsel vm10, v29, v13;
	vm0 =	vgt.f32 v30, v16  }
0xaf: {  	v26 =	vld.idx.msk [tilespmem:v52+s2+$0x0], $0xffff;
	v15 =	vsel vm3, v31, v15;
	v19 =	vsel vm10, $0x3A, v19;
	v18 =	vsel vm3, $0x1B, v18  }
0xb0: {  	v21 =	vld.idx.msk [tilespmem:v55+s2+$0x0], $0xffff;
	v17 =	vsel vm2, v28, v17;
	v20 =	vsel vm2, $0x2A, v20;
	vm1 =	vgt.f32 v34, v13  }
0xb1: {  	v23 =	vld.idx.msk [tilespmem:v54+s2+$0x0], $0xffff;
	v16 =	vsel vm0, v30, v16;
	vm11 =	vgt.f32 v35, v15;
	v24 =	vsel vm0, $0xB, v24  }
0xb2: {  	vm2 =	vgt.f32 v33, v17;
	v13 =	vsel vm1, v34, v13;
	v19 =	vsel vm1, $0x3B, v19  }
0xb3: {  	v27 =	vld.idx.msk [tilespmem:v57+s2+$0x0], $0xffff;
	vm1 =	vgt.f32 v58, v16;
	v15 =	vsel vm11, v35, v15;
	v18 =	vsel vm11, $0x1C, v18  }
0xb4: {  	v32 =	vld.idx.msk [tilespmem:v60+s2+$0x0], $0xffff;
	v17 =	vsel vm2, v33, v17;
	v20 =	vsel vm2, $0x2B, v20;
	vm2 =	vgt.f32 v22, v13  }
0xb5: {  	v25 =	vld.idx.msk [tilespmem:v56+s2+$0x0], $0xffff;
	v16 =	vsel vm1, v58, v16;
	vm0 =	vgt.f32 v21, v15;
	v24 =	vsel vm1, $0xC, v24  }
0xb6: {  	v39 =	vld.idx.msk [tilespmem:v61+s2+$0x0], $0xffff;
	vm3 =	vgt.f32 v26, v17;
	v13 =	vsel vm2, v22, v13;
	vm12 =	vgt.f32 v23, v16  }
0xb7: {  	v41 =	vld.idx.msk [tilespmem:v62+s2+$0x0], $0xffff;
	v15 =	vsel vm0, v21, v15;
	v19 =	vsel vm2, $0x3C, v19;
	v18 =	vsel vm0, $0x1D, v18  }
0xb8: {  	v42 =	vld.idx.msk [tilespmem:v6+s2+$0x0], $0xffff;
	v17 =	vsel vm3, v26, v17;
	v20 =	vsel vm3, $0x2C, v20;
	vm3 =	vgt.f32 v27, v13  }
0xb9: {  	v40 =	vld.idx.msk [tilespmem:v59+s2+$0x0], $0xffff;
	v16 =	vsel vm12, v23, v16;
	vm2 =	vgt.f32 v32, v15;
	v24 =	vsel vm12, $0xD, v24  }
0xba: {  	vm1 =	vgt.f32 v25, v17;
	v13 =	vsel vm3, v27, v13;
	v15 =	vsel vm2, v32, v15  }
0xbb: {  	v19 =	vsel vm3, $0x3D, v19;
	v18 =	vsel vm2, $0x1E, v18;
	v17 =	vsel vm1, v25, v17  }
0xbc: {  	v44 =	vld.idx.msk [tilespmem:v7+s2+$0x0], $0xffff;
	v20 =	vsel vm1, $0x2D, v20;
	vm1 =	vlt.s32 v43, $0xFB;
	vm13 =	vgt.f32 v41, v13  }
0xbd: {  	v45 =	vld.idx.msk [tilespmem:v63+s2+$0x0], $0xffff;
	vm3 =	vgt.f32 v42, v15;
	vm0 =	vgt.f32 v39, v17;
	v23 =	vnsel vm1, $0xFB, v43  }
0xbe: {  	v26 =	vld.idx.msk [tilespmem:v38+s2+$0x0], $0xffff;
	vm1 =	vgt.f32 v40, v16;
	v46 =	vsel vm13, v41, v13;
	v15 =	vsel vm3, v42, v15  }
0xbf: {  	v19 =	vsel vm13, $0x3E, v19;
	v51 =	vsel vm3, $0x1F, v18;
	v13 =	vshll.u32 v23, $0x6  }
0xc0: {  	v16 =	vsel vm1, v40, v16;
	v17 =	vsel vm0, v39, v17;
	v23 =	vor.u32 $0x10, v13  }
0xc1: {  	v20 =	vsel vm0, $0x2E, v20;
	v24 =	vsel vm1, $0xE, v24;
	v47 =	vor.u32 $0x20, v13  }
0xc2: {  	vm2 =	vgt.f32 v44, v17;
	vm0 =	vgt.f32 v45, v16;
	v48 =	vor.u32 $0x1, v13  }
0xc3: {  	vm1 =	vgt.f32 v26, v46;
	v49 =	vor.u32 $0x30, v13;
	v54 =	vor.u32 $0x2, v13  }
0xc4: {  	v55 =	vor.u32 $0x11, v13;
	v56 =	vor.u32 $0x21, v13;
	v57 =	vor.u32 $0x31, v13;
	v50 =	vld.idx.msk [tilespmem:v13+s2+$0x0], $0xffff  }
0xc5: {  	v58 =	vor.u32 $0x3, v13;
	v59 =	vor.u32 $0x12, v13;
	v61 =	vor.u32 $0x4, v13;
	v23 =	vld.idx.msk [tilespmem:v23+s2+$0x0], $0xffff  }
0xc6: {  	v62 =	vor.u32 $0x22, v13;
	v25 =	vsel vm2, v44, v17;
	v16 =	vsel vm0, v45, v16;
	v52 =	vld.idx.msk [tilespmem:v47+s2+$0x0], $0xffff  }
0xc7: {  	v22 =	vsel vm1, v26, v46;
	v19 =	vsel vm1, $0x3F, v19;
	vm14 =	vgt.f32 v15, v16;
	v53 =	vld.idx.msk [tilespmem:v48+s2+$0x0], $0xffff  }
0xc8: {  	vm3 =	vgt.f32 v22, v25;
	v17 =	vsel vm14, v15, v16;
	v16 =	vsel vm2, $0x2F, v20;
	v21 =	vld.idx.msk [tilespmem:v49+s2+$0x0], $0xffff  }
0xc9: {  	v63 =	vor.u32 $0x13, v13;
	v6 =	vor.u32 $0x32, v13;
	v16 =	vsel vm3, v19, v16;
	v19 =	vld.idx.msk [tilespmem:v54+s2+$0x0], $0xffff  }
0xca: {  	v40 =	vor.u32 $0x23, v13;
	v41 =	vor.u32 $0x33, v13;
	v15 =	vsel vm0, $0xF, v24;
	v24 =	vld.idx.msk [tilespmem:v55+s2+$0x0], $0xffff  }
0xcb: {  	v42 =	vor.u32 $0x5, v13;
	v43 =	vor.u32 $0x14, v13;
	v18 =	vsel vm3, v22, v25;
	v25 =	vld.idx.msk [tilespmem:v56+s2+$0x0], $0xffff  }
0xcc: {  	v44 =	vor.u32 $0x24, v13;
	v45 =	vor.u32 $0x34, v13;
	v46 =	vor.u32 $0x6, v13;
	v27 =	vld.idx.msk [tilespmem:v57+s2+$0x0], $0xffff  }
0xcd: {  	v15 =	vsel vm14, v51, v15;
	v51 =	vor.u32 $0x16, v13;
	v28 =	vld.idx.msk [tilespmem:v58+s2+$0x0], $0xffff;
	v47 =	vor.u32 $0x15, v13  }
0xce: {  	v29 =	vld.idx.msk [tilespmem:v59+s2+$0x0], $0xffff;
	v48 =	vor.u32 $0x25, v13;
	v49 =	vor.u32 $0x35, v13;
	v54 =	vor.u32 $0x8, v13  }
0xcf: {  	v31 =	vld.idx.msk [tilespmem:v62+s2+$0x0], $0xffff;
	v55 =	vor.u32 $0x17, v13;
	v56 =	vor.u32 $0x27, v13;
	v57 =	vor.u32 $0x37, v13  }
0xd0: {  	v33 =	vld.idx.msk [tilespmem:v6+s2+$0x0], $0xffff;
	v58 =	vor.u32 $0x9, v13;
	v59 =	vor.u32 $0x18, v13;
	v62 =	vor.u32 $0xA, v13  }
0xd1: {  	v32 =	vld.idx.msk [tilespmem:v63+s2+$0x0], $0xffff;
	v63 =	vor.u32 $0x19, v13;
	v6 =	vor.u32 $0x29, v13;
	vm0 =	vgt.f32 v50, $-Inf  }
0xd2: {  	v26 =	vnsel vm0, $0xFF800000, v50;
	vm0 =	vlt.f32 v23, $-Inf;
	vm1 =	vgt.f32 v23, $-Inf  }
0xd3: {  	vm2 =	vlt.f32 v52, $-Inf;
	vm3 =	vgt.f32 v52, $-Inf;
	vm1 =	vmor vm1, vm0  }
0xd4: {  	vm0 =	vlt.f32 v21, $-Inf;
	vm2 =	vmor vm3, vm2;
	vm3 =	vgt.f32 v21, $-Inf  }
0xd5: {  	v50 =	vor.u32 $0x7, v13;
	vm15 =	vgt.f32 v53, v26;
	vm3 =	vmor vm3, vm0  }
0xd6: {  	s31 =	simm.s32 $0x20;
	v60 =	vsel vm15, $0x1, v0;
	v22 =	vsel vm15, v53, v26;
	vm0 =	vgt.f32 v14, v9  }
0xd7: {  	v9 =	vmov s31;
	v14 =	vor.u32 $0xF, v13;
	v7 =	vsel vm1, $0x10, v0  }
0xd8: {  	v38 =	vsel vm2, $0x20, v0;
	v23 =	vnsel vm1, $0xFF800000, v23;
	v20 =	vnsel vm2, $0xFF800000, v52  }
0xd9: {  	v26 =	vld.idx.msk [tilespmem:v61+s2+$0x0], $0xffff;
	v52 =	vor.u32 $0x26, v13;
	v53 =	vor.u32 $0x36, v13;
	v61 =	vor.u32 $0x38, v13  }
0xda: {  	vm1 =	vgt.f32 v19, v22;
	v39 =	vsel vm3, $0x30, v0;
	v21 =	vnsel vm3, $0xFF800000, v21  }
0xdb: {  	vm2 =	vgt.f32 v24, v23;
	vm3 =	vgt.f32 v25, v20;
	v9 =	vshll.u32 v9, $0x6  }
0xdc: {  	v19 =	vsel vm1, v19, v22;
	v23 =	vsel vm2, v24, v23;
	v20 =	vsel vm3, v25, v20  }
0xdd: {  	v30 =	vsel vm1, $0x2, v60;
	vm1 =	vgt.f32 v27, v21;
	v34 =	vsel vm2, $0x11, v7  }
0xde: {  	v35 =	vsel vm3, $0x21, v38;
	v24 =	vld.idx.msk [tilespmem:v40+s2+$0x0], $0xffff;
	v60 =	vor.u32 $0x28, v13;
	v7 =	vor.u32 $0x39, v13  }
0xdf: {  	v25 =	vld.idx.msk [tilespmem:v41+s2+$0x0], $0xffff;
	v38 =	vor.u32 $0xB, v13;
	v40 =	vor.u32 $0x2A, v13;
	v41 =	vor.u32 $0x3A, v13  }
0xe0: {  	v9 =	vor.u32 v37, v9;
	v21 =	vsel vm1, v27, v21;
	vm2 =	vgt.f32 v28, v19  }
0xe1: {  	vm3 =	vgt.f32 v29, v23;
	v22 =	vsel vm1, $0x31, v39;
	vm1 =	vgt.f32 v31, v20  }
0xe2: {  	v27 =	vld.idx.msk [tilespmem:v42+s2+$0x0], $0xffff;
	v39 =	vor.u32 $0x1A, v13;
	v42 =	vor.u32 $0xC, v13;
	v19 =	vsel vm2, v28, v19  }
0xe3: {  	v23 =	vsel vm3, v29, v23;
	v20 =	vsel vm1, v31, v20;
	v30 =	vsel vm2, $0x3, v30;
	v28 =	vld.idx.msk [tilespmem:v43+s2+$0x0], $0xffff  }
0xe4: {  	vm2 =	vgt.f32 v33, v21;
	v34 =	vsel vm3, $0x12, v34;
	v35 =	vsel vm1, $0x22, v35;
	v29 =	vld.idx.msk [tilespmem:v44+s2+$0x0], $0xffff  }
0xe5: {  	v31 =	vld.idx.msk [tilespmem:v45+s2+$0x0], $0xffff;
	v43 =	vor.u32 $0x1B, v13;
	v44 =	vor.u32 $0x2B, v13;
	v45 =	vor.u32 $0x3B, v13  }
0xe6: {  	vm3 =	vgt.f32 v26, v19;
	v21 =	vsel vm2, v33, v21;
	vm1 =	vgt.f32 v32, v23  }
0xe7: {  	v22 =	vsel vm2, $0x32, v22;
	v33 =	vld.idx.msk [tilespmem:v46+s2+$0x0], $0xffff;
	v46 =	vor.u32 $0xD, v13;
	v19 =	vsel vm3, v26, v19  }
0xe8: {  	v23 =	vsel vm1, v32, v23;
	v30 =	vsel vm3, $0x4, v30;
	v34 =	vsel vm1, $0x13, v34  }
0xe9: {  	v26 =	vld.idx.msk [tilespmem:v47+s2+$0x0], $0xffff;
	v47 =	vor.u32 $0x1C, v13;
	vm2 =	vgt.f32 v24, v20;
	vm3 =	vgt.f32 v25, v21  }
0xea: {  	v32 =	vld.idx.msk [tilespmem:v48+s2+$0x0], $0xffff;
	v48 =	vor.u32 $0x2C, v13;
	v20 =	vsel vm2, v24, v20;
	v21 =	vsel vm3, v25, v21  }
0xeb: {  	vm1 =	vgt.f32 v27, v19;
	v35 =	vsel vm2, $0x23, v35;
	v22 =	vsel vm3, $0x33, v22;
	v24 =	vld.idx.msk [tilespmem:v49+s2+$0x0], $0xffff  }
0xec: {  	v25 =	vld.idx.msk [tilespmem:v50+s2+$0x0], $0xffff;
	v49 =	vor.u32 $0x3C, v13;
	v50 =	vor.u32 $0xE, v13;
	v19 =	vsel vm1, v27, v19  }
0xed: {  	vm2 =	vgt.f32 v28, v23;
	vm3 =	vgt.f32 v29, v20;
	v30 =	vsel vm1, $0x5, v30  }
0xee: {  	vm1 =	vgt.f32 v31, v21;
	v27 =	vld.idx.msk [tilespmem:v51+s2+$0x0], $0xffff;
	v51 =	vor.u32 $0x1D, v13;
	v23 =	vsel vm2, v28, v23  }
0xef: {  	v20 =	vsel vm3, v29, v20;
	v21 =	vsel vm1, v31, v21;
	v34 =	vsel vm2, $0x14, v34;
	v28 =	vld.idx.msk [tilespmem:v52+s2+$0x0], $0xffff  }
0xf0: {  	v35 =	vsel vm3, $0x24, v35;
	vm2 =	vgt.f32 v33, v19;
	v22 =	vsel vm1, $0x34, v22;
	v29 =	vld.idx.msk [tilespmem:v53+s2+$0x0], $0xffff  }
0xf1: {  	v31 =	vld.idx.msk [tilespmem:v54+s2+$0x0], $0xffff;
	v52 =	vor.u32 $0x2D, v13;
	v53 =	vor.u32 $0x3D, v13;
	v54 =	vor.u32 $0x1E, v13  }
0xf2: {  	vm3 =	vgt.f32 v26, v23;
	v19 =	vsel vm2, v33, v19;
	vm1 =	vgt.f32 v32, v20  }
0xf3: {  	v30 =	vsel vm2, $0x6, v30;
	v33 =	vld.idx.msk [tilespmem:v55+s2+$0x0], $0xffff;
	v55 =	vor.u32 $0x2E, v13;
	v23 =	vsel vm3, v26, v23  }
0xf4: {  	v20 =	vsel vm1, v32, v20;
	v34 =	vsel vm3, $0x15, v34;
	v35 =	vsel vm1, $0x25, v35  }
0xf5: {  	v26 =	vld.idx.msk [tilespmem:v56+s2+$0x0], $0xffff;
	v56 =	vor.u32 $0x3E, v13;
	vm2 =	vgt.f32 v24, v21;
	vm3 =	vgt.f32 v25, v19  }
0xf6: {  	v32 =	vld.idx.msk [tilespmem:v57+s2+$0x0], $0xffff;
	v57 =	vor.u32 $0x1F, v13;
	v21 =	vsel vm2, v24, v21;
	v19 =	vsel vm3, v25, v19  }
0xf7: {  	vm1 =	vgt.f32 v27, v23;
	v22 =	vsel vm2, $0x35, v22;
	v30 =	vsel vm3, $0x7, v30;
	v24 =	vld.idx.msk [tilespmem:v58+s2+$0x0], $0xffff  }
0xf8: {  	v25 =	vld.idx.msk [tilespmem:v59+s2+$0x0], $0xffff;
	v58 =	vor.u32 $0x2F, v13;
	v59 =	vor.u32 $0x3F, v13;
	v23 =	vsel vm1, v27, v23  }
0xf9: {  	vm2 =	vgt.f32 v28, v20;
	vm3 =	vgt.f32 v29, v21;
	v34 =	vsel vm1, $0x16, v34  }
0xfa: {  	vm1 =	vgt.f32 v31, v19;
	v27 =	vld.idx.msk [tilespmem:v60+s2+$0x0], $0xffff;
	v20 =	vsel vm2, v28, v20;
	v21 =	vsel vm3, v29, v21  }
0xfb: {  	v19 =	vsel vm1, v31, v19;
	v35 =	vsel vm2, $0x26, v35;
	v22 =	vsel vm3, $0x36, v22;
	v28 =	vld.idx.msk [tilespmem:v61+s2+$0x0], $0xffff  }
0xfc: {  	vm2 =	vgt.f32 v33, v23;
	v30 =	vsel vm1, $0x8, v30;
	v29 =	vld.idx.msk [tilespmem:v62+s2+$0x0], $0xffff;
	vm3 =	vgt.f32 v26, v20  }
0xfd: {  	v31 =	vld.idx.msk [tilespmem:v63+s2+$0x0], $0xffff;
	v23 =	vsel vm2, v33, v23;
	vm1 =	vgt.f32 v32, v21;
	v34 =	vsel vm2, $0x17, v34  }
0xfe: {  	v60 =	vld.idx.msk [tilespmem:v56+s2+$0x0], $0xffff;
	v56 =	vor.u32 $0x13, v9;
	v20 =	vsel vm3, v26, v20;
	v21 =	vsel vm1, v32, v21  }
0xff: {  	v33 =	vld.idx.msk [tilespmem:v6+s2+$0x0], $0xffff;
	v35 =	vsel vm3, $0x27, v35;
	vm2 =	vgt.f32 v24, v19;
	vm3 =	vgt.f32 v25, v23  }
0x100: {  	v22 =	vsel vm1, $0x37, v22;
	v26 =	vld.idx.msk [tilespmem:v7+s2+$0x0], $0xffff;
	v19 =	vsel vm2, v24, v19;
	v23 =	vsel vm3, v25, v23  }
0x101: {  	v32 =	vld.idx.msk [tilespmem:v38+s2+$0x0], $0xffff;
	vm1 =	vgt.f32 v27, v20;
	v30 =	vsel vm2, $0x9, v30;
	v34 =	vsel vm3, $0x18, v34  }
0x102: {  	v24 =	vld.idx.msk [tilespmem:v39+s2+$0x0], $0xffff;
	v20 =	vsel vm1, v27, v20;
	vm2 =	vgt.f32 v28, v21;
	vm3 =	vgt.f32 v29, v19  }
0x103: {  	v25 =	vld.idx.msk [tilespmem:v40+s2+$0x0], $0xffff;
	v35 =	vsel vm1, $0x28, v35;
	vm1 =	vgt.f32 v31, v23;
	v21 =	vsel vm2, v28, v21  }
0x104: {  	v27 =	vld.idx.msk [tilespmem:v41+s2+$0x0], $0xffff;
	v19 =	vsel vm3, v29, v19;
	v23 =	vsel vm1, v31, v23;
	v22 =	vsel vm2, $0x38, v22  }
0x105: {  	vm2 =	vgt.f32 v33, v20;
	v30 =	vsel vm3, $0xA, v30;
	v28 =	vld.idx.msk [tilespmem:v42+s2+$0x0], $0xffff;
	v34 =	vsel vm1, $0x19, v34  }
0x106: {  	v29 =	vld.idx.msk [tilespmem:v43+s2+$0x0], $0xffff;
	vm3 =	vgt.f32 v26, v21;
	v20 =	vsel vm2, v33, v20;
	vm1 =	vgt.f32 v32, v19  }
0x107: {  	v35 =	vsel vm2, $0x29, v35;
	v33 =	vld.idx.msk [tilespmem:v45+s2+$0x0], $0xffff;
	v45 =	vor.u32 $0x21, v9;
	v21 =	vsel vm3, v26, v21  }
0x108: {  	v31 =	vld.idx.msk [tilespmem:v44+s2+$0x0], $0xffff;
	v19 =	vsel vm1, v32, v19;
	v22 =	vsel vm3, $0x39, v22;
	v30 =	vsel vm1, $0xB, v30  }
0x109: {  	v32 =	vld.idx.msk [tilespmem:v47+s2+$0x0], $0xffff;
	v47 =	vor.u32 $0x31, v9;
	vm2 =	vgt.f32 v24, v23;
	vm3 =	vgt.f32 v25, v20  }
0x10a: {  	v23 =	vsel vm2, v24, v23;
	v20 =	vsel vm3, v25, v20;
	vm1 =	vgt.f32 v27, v21  }
0x10b: {  	v26 =	vld.idx.msk [tilespmem:v46+s2+$0x0], $0xffff;
	v34 =	vsel vm2, $0x1A, v34;
	v35 =	vsel vm3, $0x2A, v35;
	v21 =	vsel vm1, v27, v21  }
0x10c: {  	v24 =	vld.idx.msk [tilespmem:v48+s2+$0x0], $0xffff;
	vm2 =	vgt.f32 v28, v19;
	vm3 =	vgt.f32 v29, v23;
	v22 =	vsel vm1, $0x3A, v22  }
0x10d: {  	vm1 =	vgt.f32 v31, v20;
	v27 =	vld.idx.msk [tilespmem:v50+s2+$0x0], $0xffff;
	v50 =	vor.u32 $0x12, v9;
	v19 =	vsel vm2, v28, v19  }
0x10e: {  	v25 =	vld.idx.msk [tilespmem:v49+s2+$0x0], $0xffff;
	v23 =	vsel vm3, v29, v23;
	v20 =	vsel vm1, v31, v20;
	v30 =	vsel vm2, $0xC, v30  }
0x10f: {  	vm2 =	vgt.f32 v33, v21;
	v34 =	vsel vm3, $0x1B, v34;
	v28 =	vld.idx.msk [tilespmem:v51+s2+$0x0], $0xffff;
	v35 =	vsel vm1, $0x2B, v35  }
0x110: {  	v31 =	vld.idx.msk [tilespmem:v53+s2+$0x0], $0xffff;
	v51 =	vor.u32 $0x22, v9;
	v53 =	vor.u32 $0x2, v9;
	vm3 =	vgt.f32 v26, v19  }
0x111: {  	v29 =	vld.idx.msk [tilespmem:v52+s2+$0x0], $0xffff;
	v21 =	vsel vm2, v33, v21;
	vm1 =	vgt.f32 v32, v23;
	v22 =	vsel vm2, $0x3B, v22  }
0x112: {  	v33 =	vld.idx.msk [tilespmem:v54+s2+$0x0], $0xffff;
	v54 =	vor.u32 $0x3, v9;
	v19 =	vsel vm3, v26, v19;
	v23 =	vsel vm1, v32, v23  }
0x113: {  	v14 =	vld.idx.msk [tilespmem:v14+s2+$0x0], $0xffff;
	v30 =	vsel vm3, $0xD, v30;
	v34 =	vsel vm1, $0x1C, v34;
	vm2 =	vgt.f32 v24, v20  }
0x114: {  	v26 =	vld.idx.msk [tilespmem:v55+s2+$0x0], $0xffff;
	v55 =	vor.u32 $0x32, v9;
	vm3 =	vgt.f32 v25, v21;
	v20 =	vsel vm2, v24, v20  }
0x115: {  	v21 =	vsel vm3, v25, v21;
	vm1 =	vgt.f32 v27, v19;
	v35 =	vsel vm2, $0x2C, v35;
	v24 =	vld.idx.msk [tilespmem:v57+s2+$0x0], $0xffff  }
0x116: {  	v22 =	vsel vm3, $0x3C, v22;
	v25 =	vld.idx.msk [tilespmem:v58+s2+$0x0], $0xffff;
	v57 =	vor.u32 $0x23, v9;
	v58 =	vor.u32 $0x33, v9  }
0x117: {  	v19 =	vsel vm1, v27, v19;
	vm2 =	vgt.f32 v28, v23;
	vm3 =	vgt.f32 v29, v20  }
0x118: {  	v61 =	vsel vm1, $0xE, v30;
	vm1 =	vgt.f32 v31, v21;
	v23 =	vsel vm2, v28, v23  }
0x119: {  	v20 =	vsel vm3, v29, v20;
	v62 =	vsel vm2, $0x1D, v34;
	v63 =	vsel vm3, $0x2D, v35  }
0x11a: {  	v22 =	vsel vm1, $0x3D, v22;
	vm2 =	vgt.f32 v14, v19;
	v21 =	vsel vm1, v31, v21  }
0x11b: {  	v34 =	vor.u32 $0x20, v9;
	v35 =	vor.u32 $0x30, v9;
	vm1 =	vgt.f32 v33, v23  }
0x11c: {  	vm3 =	vgt.f32 v26, v20;
	v29 =	vsel vm2, $0xF, v61;
	v14 =	vsel vm2, v14, v19  }
0x11d: {  	v27 =	vld.idx.msk [tilespmem:v59+s2+$0x0], $0xffff;
	vm2 =	vgt.f32 v60, v21;
	v61 =	vor.u32 $0x4, v9;
	v6 =	vsel vm1, $0x1E, v62  }
0x11e: {  	v7 =	vsel vm3, $0x2E, v63;
	v23 =	vsel vm1, v33, v23;
	v22 =	vsel vm2, $0x3E, v22  }
0x11f: {  	v33 =	vor.u32 $0x10, v9;
	v20 =	vsel vm3, v26, v20;
	v21 =	vsel vm2, v60, v21;
	v26 =	vld.idx.msk [tilespmem:v51+s2+$0x0], $0xffff  }
0x120: {  	v62 =	vor.u32 $0x14, v9;
	v51 =	vor.u32 $0x37, v9;
	vm1 =	vgt.f32 v24, v23;
	v30 =	vld.idx.msk [tilespmem:v57+s2+$0x0], $0xffff  }
0x121: {  	vm2 =	vgt.f32 v25, v20;
	v31 =	vld.idx.msk [tilespmem:v58+s2+$0x0], $0xffff;
	v57 =	vor.u32 $0x19, v9;
	v58 =	vor.u32 $0x29, v9  }
0x122: {  	v19 =	vsel vm1, $0x1F, v6;
	vm3 =	vgt.f32 v27, v21;
	v23 =	vsel vm1, v24, v23  }
0x123: {  	v20 =	vsel vm2, v25, v20;
	v39 =	vsel vm2, $0x2F, v7;
	v25 =	vld.idx.msk [tilespmem:v50+s2+$0x0], $0xffff;
	v6 =	vor.u32 $0x5, v9  }
0x124: {  	v24 =	vld.idx.msk [tilespmem:v55+s2+$0x0], $0xffff;
	v50 =	vor.u32 $0x27, v9;
	v55 =	vor.u32 $0x38, v9;
	v21 =	vsel vm3, v27, v21  }
0x125: {  	v38 =	vld.idx.msk [tilespmem:v9+s2+$0x0], $0xffff;
	vm1 =	vgt.f32 v23, v14;
	v22 =	vsel vm3, $0x3F, v22;
	vm3 =	vgt.f32 v18, v17  }
0x126: {  	v41 =	vld.idx.msk [tilespmem:v34+s2+$0x0], $0xffff;
	vm2 =	vgt.f32 v21, v20;
	v14 =	vsel vm1, v23, v14;
	v19 =	vsel vm1, v19, v29  }
0x127: {  	v3 =	vsel vm3, v16, v15;
	v15 =	vor.u32 $0x1, v9;
	v16 =	vor.u32 $0x11, v9;
	v29 =	vld.idx.msk [tilespmem:v56+s2+$0x0], $0xffff  }
0x128: {  	v56 =	vor.u32 $0x9, v9;
	v17 =	vsel vm2, v21, v20;
	v42 =	vsel vm2, v22, v39;
	v21 =	vld.idx.msk [tilespmem:v45+s2+$0x0], $0xffff  }
0x129: {  	v20 =	vld.idx.msk [tilespmem:v47+s2+$0x0], $0xffff;
	v39 =	vor.u32 $0x24, v9;
	v45 =	vor.u32 $0x16, v9;
	v47 =	vor.u32 $0x36, v9  }
0x12a: {  	v40 =	vld.idx.msk [tilespmem:v33+s2+$0x0], $0xffff;
	vm1 =	vgt.f32 v17, v14;
	v14 =	vsel vm0, v12, v10;
	vm0 =	vgt.f32 v38, $-Inf  }
0x12b: {  	v22 =	vld.idx.msk [tilespmem:v53+s2+$0x0], $0xffff;
	v53 =	vor.u32 $0x18, v9;
	v12 =	vsel vm1, v42, v19;
	v43 =	vnsel vm0, $0xFF800000, v38  }
0x12c: {  	v44 =	vand.u32 $0xFFFFFFF8, v14;
	v46 =	vand.u32 $0x7, v14;
	v42 =	vor.u32 $0x25, v9;
	v19 =	vld.idx.msk [tilespmem:v61+s2+$0x0], $0xffff  }
0x12d: {  	v32 =	vld.idx.msk [tilespmem:v6+s2+$0x0], $0xffff;
	v61 =	vor.u32 $0x1A, v9;
	v6 =	vor.u32 $0xB, v9;
	vm2 =	vgt.f32 v41, $-Inf  }
0x12e: {  	v17 =	vld.idx.msk [tilespmem:v35+s2+$0x0], $0xffff;
	v11 =	vadd.s32 v11, v44;
	v48 =	vand.u32 $0xFFFFFFF8, v12;
	v49 =	vand.u32 $0x7, v12  }
0x12f: {  	v44 =	vor.u32 $0x6, v9;
	v23 =	vadd.s32 v13, v48;
	v13 =	vor.u32 v46, v11  }
0x130: {  	v15 =	vld.idx.msk [tilespmem:v15+s2+$0x0], $0xffff;
	v46 =	vor.u32 $0x26, v9;
	v48 =	vor.u32 $0x7, v9;
	vm0 =	vlt.f32 v40, $-Inf  }
0x131: {  	v16 =	vld.idx.msk [tilespmem:v16+s2+$0x0], $0xffff;
	vm1 =	vgt.f32 v40, $-Inf;
	v11 =	vor.u32 v49, v23;
	v49 =	vor.u32 $0x17, v9  }
0x132: {  	v23 =	vld.idx.msk [tilespmem:v54+s2+$0x0], $0xffff;
	v54 =	vor.u32 $0x28, v9;
	vm0 =	vmor vm1, vm0;
	vm1 =	vlt.f32 v41, $-Inf  }
0x133: {  	vm3 =	vgt.f32 v17, $-Inf;
	vm1 =	vmor vm2, vm1;
	vm2 =	vlt.f32 v17, $-Inf  }
0x134: {  	v27 =	vnsel vm0, $0xFF800000, v40;
	v52 =	vsel vm0, $0x10, v0;
	v40 =	vor.u32 $0x34, v9  }
0x135: {  	vm2 =	vmor vm3, vm2;
	v18 =	vnsel vm1, $0xFF800000, v41;
	v59 =	vsel vm1, $0x20, v0  }
0x136: {  	v41 =	vor.u32 $0x15, v9;
	vm0 =	vgt.f32 v15, v43;
	v17 =	vnsel vm2, $0xFF800000, v17  }
0x137: {  	v60 =	vsel vm2, $0x30, v0;
	vm1 =	vgt.f32 v16, v27;
	v15 =	vsel vm0, v15, v43  }
0x138: {  	v16 =	vsel vm1, v16, v27;
	v28 =	vsel vm1, $0x11, v52;
	vm1 =	vgt.f32 v21, v18  }
0x139: {  	v38 =	vsel vm0, $0x1, v0;
	v43 =	vor.u32 $0x35, v9;
	v52 =	vor.u32 $0x8, v9  }
0x13a: {  	v18 =	vsel vm1, v21, v18;
	v63 =	vsel vm1, $0x21, v59;
	vm1 =	vgt.f32 v20, v17  }
0x13b: {  	v27 =	vld.idx.msk [tilespmem:v62+s2+$0x0], $0xffff;
	v62 =	vor.u32 $0x2A, v9;
	v59 =	vor.u32 $0x39, v9;
	v17 =	vsel vm1, v20, v17  }
0x13c: {  	v7 =	vsel vm1, $0x31, v60;
	vm1 =	vgt.f32 v25, v16;
	vm0 =	vgt.f32 v26, v18  }
0x13d: {  	v60 =	vor.u32 $0xA, v9;
	v16 =	vsel vm1, v25, v16;
	v18 =	vsel vm0, v26, v18  }
0x13e: {  	v13 =	vld.idx.msk [tilespmem:v13+s9+$0x0], $0xffff;
	v28 =	vsel vm1, $0x12, v28;
	vm1 =	vgt.f32 v24, v17;
	v21 =	vsel vm0, $0x22, v63  }
0x13f: {  	vm0 =	vgt.f32 v22, v15;
	v25 =	vld.idx.msk [tilespmem:v39+s2+$0x0], $0xffff;
	v63 =	vor.u32 $0x3A, v9;
	v39 =	vor.u32 $0x3B, v9  }
0x140: {  	v26 =	vld.idx.msk [tilespmem:v40+s2+$0x0], $0xffff;
	v40 =	vor.u32 $0xC, v9;
	v17 =	vsel vm1, v24, v17;
	v20 =	vsel vm1, $0x32, v7  }
0x141: {  	s20 =	simm.s32 $0x7E20;
	vm1 =	vgt.f32 v29, v16;
	v15 =	vsel vm0, v22, v15;
	v33 =	vsel vm0, $0x2, v38  }
0x142: {  	s21 =	simm.s32 $0x7F40;
	[tilespmem:s20+$0x0] =	vst v14;
	vm0 =	vgt.f32 v30, v18;
	v24 =	vld.idx.msk [tilespmem:v41+s2+$0x0], $0xffff;
	v7 =	vor.u32 $0x1B, v9;
	v38 =	vor.u32 $0x2B, v9  }
0x143: {  	v22 =	vld.idx.msk [tilespmem:v42+s2+$0x0], $0xffff;
	v41 =	vor.u32 $0x1C, v9;
	v42 =	vor.u32 $0x2C, v9;
	[tilespmem:s21+$0x0] =	vst v13;
	v13 =	vand.u32 $0xFFFFFFF8, v3  }
0x144: {  	v16 =	vsel vm1, v29, v16;
	v18 =	vsel vm0, v30, v18;
	v28 =	vsel vm1, $0x13, v28  }
0x145: {  	vm1 =	vgt.f32 v23, v15;
	v21 =	vsel vm0, $0x23, v21;
	vm0 =	vgt.f32 v31, v17;
	v29 =	vld.idx.msk [tilespmem:v43+s2+$0x0], $0xffff  }
0x146: {  	v30 =	vld.idx.msk [tilespmem:v44+s2+$0x0], $0xffff;
	v43 =	vor.u32 $0x3C, v9;
	v44 =	vor.u32 $0xD, v9;
	v8 =	vadd.s32 v8, v13  }
0x147: {  	v15 =	vsel vm1, v23, v15;
	v17 =	vsel vm0, v31, v17;
	v20 =	vsel vm0, $0x33, v20  }
0x148: {  	vm0 =	vgt.f32 v27, v16;
	v33 =	vsel vm1, $0x3, v33;
	v23 =	vld.idx.msk [tilespmem:v45+s2+$0x0], $0xffff;
	v45 =	vor.u32 $0x1D, v9  }
0x149: {  	v16 =	vsel vm0, v27, v16;
	vm1 =	vgt.f32 v19, v15;
	v28 =	vsel vm0, $0x14, v28  }
0x14a: {  	v27 =	vld.idx.msk [tilespmem:v47+s2+$0x0], $0xffff;
	v47 =	vor.u32 $0x2D, v9;
	vm0 =	vgt.f32 v25, v18;
	v15 =	vsel vm1, v19, v15  }
0x14b: {  	v33 =	vsel vm1, $0x4, v33;
	v19 =	vld.idx.msk [tilespmem:v48+s2+$0x0], $0xffff;
	v48 =	vor.u32 $0x3D, v9;
	v18 =	vsel vm0, v25, v18  }
0x14c: {  	v31 =	vld.idx.msk [tilespmem:v46+s2+$0x0], $0xffff;
	v21 =	vsel vm0, $0x24, v21;
	vm0 =	vgt.f32 v26, v17;
	vm1 =	vgt.f32 v32, v15  }
0x14d: {  	v25 =	vld.idx.msk [tilespmem:v49+s2+$0x0], $0xffff;
	v49 =	vor.u32 $0xE, v9;
	v17 =	vsel vm0, v26, v17;
	v20 =	vsel vm0, $0x34, v20  }
0x14e: {  	vm0 =	vgt.f32 v24, v16;
	v15 =	vsel vm1, v32, v15;
	v33 =	vsel vm1, $0x5, v33;
	v26 =	vld.idx.msk [tilespmem:v50+s2+$0x0], $0xffff  }
0x14f: {  	v32 =	vld.idx.msk [tilespmem:v51+s2+$0x0], $0xffff;
	v50 =	vor.u32 $0x1E, v9;
	v51 =	vor.u32 $0x2E, v9;
	v16 =	vsel vm0, v24, v16  }
0x150: {  	v28 =	vsel vm0, $0x15, v28;
	vm0 =	vgt.f32 v22, v18;
	vm1 =	vgt.f32 v29, v17  }
0x151: {  	v24 =	vld.idx.msk [tilespmem:v52+s2+$0x0], $0xffff;
	v52 =	vor.u32 $0x3E, v9;
	v18 =	vsel vm0, v22, v18;
	v21 =	vsel vm0, $0x25, v21  }
0x152: {  	vm0 =	vgt.f32 v23, v16;
	v17 =	vsel vm1, v29, v17;
	v20 =	vsel vm1, $0x35, v20;
	v22 =	vld.idx.msk [tilespmem:v53+s2+$0x0], $0xffff  }
0x153: {  	v29 =	vld.idx.msk [tilespmem:v54+s2+$0x0], $0xffff;
	v53 =	vor.u32 $0x1F, v9;
	v54 =	vor.u32 $0xF, v9;
	v16 =	vsel vm0, v23, v16  }
0x154: {  	vm1 =	vgt.f32 v31, v18;
	v28 =	vsel vm0, $0x16, v28;
	vm0 =	vgt.f32 v30, v15  }
0x155: {  	v18 =	vsel vm1, v31, v18;
	v21 =	vsel vm1, $0x26, v21;
	vm1 =	vgt.f32 v27, v17  }
0x156: {  	v15 =	vsel vm0, v30, v15;
	v33 =	vsel vm0, $0x6, v33;
	vm0 =	vgt.f32 v25, v16;
	v31 =	vld.idx.msk [tilespmem:v56+s2+$0x0], $0xffff  }
0x157: {  	v30 =	vld.idx.msk [tilespmem:v57+s2+$0x0], $0xffff;
	v56 =	vor.u32 $0x2F, v9;
	v57 =	vor.u32 $0x3F, v9;
	v17 =	vsel vm1, v27, v17  }
0x158: {  	v16 =	vsel vm0, v25, v16;
	v20 =	vsel vm1, $0x36, v20;
	vm1 =	vgt.f32 v19, v15  }
0x159: {  	v23 =	vld.idx.msk [tilespmem:v55+s2+$0x0], $0xffff;
	v28 =	vsel vm0, $0x17, v28;
	vm0 =	vgt.f32 v26, v18;
	v15 =	vsel vm1, v19, v15  }
0x15a: {  	v18 =	vsel vm0, v26, v18;
	v21 =	vsel vm0, $0x27, v21;
	vm0 =	vgt.f32 v32, v17  }
0x15b: {  	v33 =	vsel vm1, $0x7, v33;
	v17 =	vsel vm0, v32, v17;
	vm1 =	vgt.f32 v24, v15  }
0x15c: {  	v27 =	vld.idx.msk [tilespmem:v58+s2+$0x0], $0xffff;
	v20 =	vsel vm0, $0x37, v20;
	vm0 =	vgt.f32 v22, v16;
	v15 =	vsel vm1, v24, v15  }
0x15d: {  	v25 =	vld.idx.msk [tilespmem:v59+s2+$0x0], $0xffff;
	v16 =	vsel vm0, v22, v16;
	v28 =	vsel vm0, $0x18, v28;
	vm0 =	vgt.f32 v29, v18  }
0x15e: {  	v26 =	vld.idx.msk [tilespmem:v61+s2+$0x0], $0xffff;
	v18 =	vsel vm0, v29, v18;
	v21 =	vsel vm0, $0x28, v21;
	vm0 =	vgt.f32 v23, v17  }
0x15f: {  	v19 =	vld.idx.msk [tilespmem:v60+s2+$0x0], $0xffff;
	v33 =	vsel vm1, $0x8, v33;
	vm1 =	vgt.f32 v30, v16;
	v17 =	vsel vm0, v23, v17  }
0x160: {  	v32 =	vld.idx.msk [tilespmem:v62+s2+$0x0], $0xffff;
	v20 =	vsel vm0, $0x38, v20;
	vm0 =	vgt.f32 v31, v15;
	v16 =	vsel vm1, v30, v16  }
0x161: {  	v24 =	vld.idx.msk [tilespmem:v63+s2+$0x0], $0xffff;
	v28 =	vsel vm1, $0x19, v28;
	vm1 =	vgt.f32 v27, v18;
	v15 =	vsel vm0, v31, v15  }
0x162: {  	v29 =	vld.idx.msk [tilespmem:v38+s2+$0x0], $0xffff;
	v33 =	vsel vm0, $0x9, v33;
	vm0 =	vgt.f32 v25, v17;
	v18 =	vsel vm1, v27, v18  }
0x163: {  	v23 =	vld.idx.msk [tilespmem:v7+s2+$0x0], $0xffff;
	v21 =	vsel vm1, $0x29, v21;
	vm1 =	vgt.f32 v26, v16;
	v17 =	vsel vm0, v25, v17  }
0x164: {  	v22 =	vld.idx.msk [tilespmem:v6+s2+$0x0], $0xffff;
	v16 =	vsel vm1, v26, v16;
	v20 =	vsel vm0, $0x39, v20;
	vm0 =	vgt.f32 v19, v15  }
0x165: {  	v31 =	vld.idx.msk [tilespmem:v39+s2+$0x0], $0xffff;
	v28 =	vsel vm1, $0x1A, v28;
	vm1 =	vgt.f32 v32, v18;
	v15 =	vsel vm0, v19, v15  }
0x166: {  	v27 =	vld.idx.msk [tilespmem:v41+s2+$0x0], $0xffff;
	v18 =	vsel vm1, v32, v18;
	v21 =	vsel vm1, $0x2A, v21;
	vm1 =	vgt.f32 v24, v17  }
0x167: {  	v30 =	vld.idx.msk [tilespmem:v40+s2+$0x0], $0xffff;
	v17 =	vsel vm1, v24, v17;
	v20 =	vsel vm1, $0x3A, v20;
	vm1 =	vgt.f32 v29, v18  }
0x168: {  	v25 =	vld.idx.msk [tilespmem:v42+s2+$0x0], $0xffff;
	v46 =	vsel vm0, $0xA, v33;
	vm0 =	vgt.f32 v23, v16;
	v18 =	vsel vm1, v29, v18  }
0x169: {  	v26 =	vld.idx.msk [tilespmem:v43+s2+$0x0], $0xffff;
	v21 =	vsel vm1, $0x2B, v21;
	vm1 =	vgt.f32 v22, v15;
	v16 =	vsel vm0, v23, v16  }
0x16a: {  	v32 =	vld.idx.msk [tilespmem:v45+s2+$0x0], $0xffff;
	v28 =	vsel vm0, $0x1B, v28;
	vm0 =	vgt.f32 v31, v17;
	v15 =	vsel vm1, v22, v15  }
0x16b: {  	v19 =	vld.idx.msk [tilespmem:v44+s2+$0x0], $0xffff;
	v17 =	vsel vm0, v31, v17;
	v20 =	vsel vm0, $0x3B, v20;
	vm0 =	vgt.f32 v27, v16  }
0x16c: {  	v33 =	vld.idx.msk [tilespmem:v47+s2+$0x0], $0xffff;
	v24 =	vsel vm1, $0xB, v46;
	vm1 =	vgt.f32 v30, v15;
	v16 =	vsel vm0, v27, v16  }
0x16d: {  	v23 =	vld.idx.msk [tilespmem:v48+s2+$0x0], $0xffff;
	v28 =	vsel vm0, $0x1C, v28;
	vm0 =	vgt.f32 v25, v18;
	v15 =	vsel vm1, v30, v15  }
0x16e: {  	v31 =	vld.idx.msk [tilespmem:v50+s2+$0x0], $0xffff;
	v24 =	vsel vm1, $0xC, v24;
	vm1 =	vgt.f32 v26, v17;
	v18 =	vsel vm0, v25, v18  }
0x16f: {  	v22 =	vld.idx.msk [tilespmem:v51+s2+$0x0], $0xffff;
	v17 =	vsel vm1, v26, v17;
	v21 =	vsel vm0, $0x2C, v21;
	vm0 =	vgt.f32 v32, v16  }
0x170: {  	v55 =	vld.idx.msk [tilespmem:v49+s2+$0x0], $0xffff;
	v20 =	vsel vm1, $0x3C, v20;
	vm1 =	vgt.f32 v19, v15;
	v16 =	vsel vm0, v32, v16  }
0x171: {  	v27 =	vld.idx.msk [tilespmem:v52+s2+$0x0], $0xffff;
	v28 =	vsel vm0, $0x1D, v28;
	vm0 =	vgt.f32 v33, v18;
	v15 =	vsel vm1, v19, v15  }
0x172: {  	v58 =	vld.idx.msk [tilespmem:v53+s2+$0x0], $0xffff;
	v18 =	vsel vm0, v33, v18;
	v21 =	vsel vm0, $0x2D, v21;
	vm0 =	vgt.f32 v23, v17  }
0x173: {  	v59 =	vld.idx.msk [tilespmem:v56+s2+$0x0], $0xffff;
	v24 =	vsel vm1, $0xD, v24;
	vm1 =	vgt.f32 v31, v16;
	v17 =	vsel vm0, v23, v17  }
0x174: {  	v25 =	vld.idx.msk [tilespmem:v54+s2+$0x0], $0xffff;
	v20 =	vsel vm0, $0x3D, v20;
	vm0 =	vgt.f32 v22, v18;
	v16 =	vsel vm1, v31, v16  }
0x175: {  	v60 =	vld.idx.msk [tilespmem:v57+s2+$0x0], $0xffff;
	v28 =	vsel vm1, $0x1E, v28;
	vm1 =	vgt.f32 v55, v15;
	v18 =	vsel vm0, v22, v18  }
0x176: {  	v21 =	vsel vm0, $0x2E, v21;
	vm0 =	vgt.f32 v27, v17;
	v15 =	vsel vm1, v55, v15  }
0x177: {  	v24 =	vsel vm1, $0xE, v24;
	vm1 =	vgt.f32 v58, v16;
	v17 =	vsel vm0, v27, v17  }
0x178: {  	v61 =	vsel vm0, $0x3E, v20;
	vm0 =	vgt.f32 v59, v18;
	v16 =	vsel vm1, v58, v16  }
0x179: {  	v11 =	vld.idx.msk [tilespmem:v11+s9+$0x0], $0xffff;
	v62 =	vsel vm1, $0x1F, v28;
	vm1 =	vgt.f32 v25, v15;
	v18 =	vsel vm0, v59, v18  }
0x17a: {  	v21 =	vsel vm0, $0x2F, v21;
	vm0 =	vgt.f32 v60, v17;
	v15 =	vsel vm1, v25, v15  }
0x17b: {  	v63 =	vsel vm1, $0xF, v24;
	v14 =	vsel vm0, v60, v17;
	vm1 =	vgt.f32 v16, v15  }
0x17c: {  	s22 =	simm.s32 $0x7E40;
	v17 =	vsel vm0, $0x3F, v61;
	vm0 =	vgt.f32 v14, v18;
	v16 =	vsel vm1, v16, v15  }
0x17d: {  	s23 =	simm.s32 $0x7F60;
	[tilespmem:s22+$0x0] =	vst v12;
	v15 =	vsel vm1, v62, v63;
	v13 =	vsel vm0, v14, v18;
	v14 =	vand.u32 $0x7, v3  }
0x17e: {  	s24 =	simm.s32 $0x2;
	s25 =	simm.s32 $0x50;
	[tilespmem:s23+$0x0] =	vst v11;
	v12 =	vsel vm0, v17, v21;
	vm0 =	vgt.f32 v13, v16;
	v13 =	vor.u32 v14, v8  }
.LBB2_2:
0x17f: {  	s26 =	sadd.s32 $0xFFFFFFF0, s25;
	v8 =	vor.u32 s25, v36;
	v15 =	vsel vm0, v12, v15;
	v32 =	vimm.s32 $0x0  }
0x180: {  	v11 =	vmov s26;
	vm0 =	vlt.s32 v8, $0xFB;
	v12 =	vand.u32 $0xFFFFFFF8, v15  }
0x181: {  	v5 =	vand.u32 $0x7, v15;
	v11 =	vshll.u32 v11, $0x6;
	v14 =	vnsel vm0, $0xFB, v8  }
0x182: {  	v6 =	vadd.s32 v9, v12;
	v9 =	vor.u32 v37, v11;
	v12 =	vshll.u32 v14, $0x6  }
0x183: {  	v0 =	vmovc v15;
	v4 =	vor.u32 $0xF, v12;
	v2 =	vor.u32 $0x1F, v12;
	v1 =	vor.u32 $0x2F, v12  }
0x184: {  	[tilespmem:$0x1FFD0] =	vst v0;
	v23 =	vor.u32 $0xE, v12;
	v0 =	vor.u32 $0x1E, v12;
	v27 =	vor.u32 $0xD, v12  }
0x185: {  	v24 =	vor.u32 $0x1D, v12;
	v21 =	vor.u32 $0x2D, v12;
	v31 =	vor.u32 $0xC, v12  }
0x186: {  	v28 =	vor.u32 $0x1C, v12;
	v26 =	vor.u32 $0x2C, v12;
	v35 =	vor.u32 $0xB, v12  }
0x187: {  	v20 =	vor.u32 $0x1B, v12;
	v25 =	vor.u32 $0x3C, v12;
	v38 =	vor.u32 $0xA, v12  }
0x188: {  	v30 =	vor.u32 $0x2B, v12;
	v29 =	vor.u32 $0x3B, v12;
	v36 =	vor.u32 $0x1A, v12  }
0x189: {  	v34 =	vor.u32 $0x2A, v12;
	v43 =	vor.u32 $0x9, v12;
	v40 =	vor.u32 $0x19, v12  }
0x18a: {  	v39 =	vor.u32 $0x29, v12;
	v49 =	vor.u32 $0x1, v12;
	v45 =	vor.u32 $0x8, v12  }
0x18b: {  	v19 =	vor.u32 $0x39, v12;
	v53 =	vor.u32 $0x10, v12;
	v44 =	vor.u32 $0x18, v12  }
0x18c: {  	v42 =	vor.u32 $0x28, v12;
	v50 =	vor.u32 $0x7, v12;
	v54 =	vor.u32 $0x20, v12  }
0x18d: {  	v41 =	vor.u32 $0x38, v12;
	v48 =	vor.u32 $0x17, v12;
	v46 =	vor.u32 $0x27, v12  }
0x18e: {  	v33 =	vld.idx.msk [tilespmem:v13+s9+$0x0], $0xffff;
	[tilespmem:s20+$0xFFFFFFF0] =	vst v3;
	v55 =	vor.u32 $0x30, v12;
	v57 =	vor.u32 $0x6, v12;
	v52 =	vor.u32 $0x16, v12  }
0x18f: {  	v47 =	vor.u32 $0x37, v12;
	v59 =	vor.u32 $0x2, v12;
	v51 =	vor.u32 $0x26, v12;
	v22 =	vld.idx.msk [tilespmem:v9+s2+$0x0], $0xffff  }
0x190: {  	[tilespmem:$0x1FFF0] =	vst v5;
	v60 =	vor.u32 $0x5, v12;
	v61 =	vor.u32 $0x11, v12;
	v62 =	vor.u32 $0x15, v12;
	v56 =	vld.idx.msk [tilespmem:v12+s2+$0x0], $0xffff  }
0x191: {  	v63 =	vor.u32 $0x21, v12;
	v17 =	vor.u32 $0x25, v12;
	v18 =	vor.u32 $0x35, v12;
	[tilespmem:$0x1FDC0] =	vst v4;
	v58 =	vld.idx.msk [tilespmem:v49+s2+$0x0], $0xffff  }
0x192: {  	v11 =	vor.u32 $0x4, v12;
	v14 =	vor.u32 $0x14, v12;
	[tilespmem:$0x1FDD0] =	vst v0;
	v0 =	vor.u32 $0x3F, v12;
	v53 =	vld.idx.msk [tilespmem:v53+s2+$0x0], $0xffff  }
0x193: {  	v15 =	vor.u32 $0x24, v12;
	v10 =	vor.u32 $0x12, v12;
	[tilespmem:$0x1FE20] =	vst v0;
	v0 =	vor.u32 $0x2E, v12;
	v54 =	vld.idx.msk [tilespmem:v54+s2+$0x0], $0xffff  }
0x194: {  	v16 =	vor.u32 $0x34, v12;
	v5 =	vor.u32 $0x22, v12;
	[tilespmem:$0x1FDE0] =	vst v0;
	v0 =	vor.u32 $0x3E, v12;
	v55 =	vld.idx.msk [tilespmem:v55+s2+$0x0], $0xffff  }
0x195: {  	v7 =	vor.u32 $0x13, v12;
	v13 =	vor.u32 $0x23, v12;
	v4 =	vor.u32 $0x31, v12;
	[tilespmem:$0x1FDF0] =	vst v0;
	v59 =	vld.idx.msk [tilespmem:v59+s2+$0x0], $0xffff  }
0x196: {  	v8 =	vor.u32 $0x33, v12;
	v3 =	vor.u32 $0x32, v12;
	v0 =	vor.u32 $0x3D, v12;
	[tilespmem:s21+$0xFFFFFFF0] =	vst v33;
	v61 =	vld.idx.msk [tilespmem:v61+s2+$0x0], $0xffff  }
0x197: {  	v33 =	vor.u32 $0x3A, v12;
	[tilespmem:$0x1FDB0] =	vst v0;
	v0 =	vor.u32 $0x3, v12;
	v63 =	vld.idx.msk [tilespmem:v63+s2+$0x0], $0xffff;
	vm0 =	vgt.f32 v56, $-Inf  }
0x198: {  	v49 =	vor.u32 $0x36, v12;
	v10 =	vld.idx.msk [tilespmem:v10+s2+$0x0], $0xffff;
	v56 =	vnsel vm0, $0xFF800000, v56;
	vm0 =	vlt.f32 v53, $-Inf  }
0x199: {  	v5 =	vld.idx.msk [tilespmem:v5+s2+$0x0], $0xffff;
	vm1 =	vgt.f32 v53, $-Inf;
	vm2 =	vlt.f32 v54, $-Inf;
	vm3 =	vgt.f32 v54, $-Inf  }
0x19a: {  	[tilespmem:$0x1FFE0] =	vst v6;
	v4 =	vld.idx.msk [tilespmem:v4+s2+$0x0], $0xffff;
	vm5 =	vlt.f32 v55, $-Inf;
	vm6 =	vgt.f32 v55, $-Inf;
	vm4 =	vgt.f32 v58, v56  }
0x19b: {  	[tilespmem:$0x1FE00] =	vst v2;
	v3 =	vld.idx.msk [tilespmem:v3+s2+$0x0], $0xffff;
	vm0 =	vmor vm1, vm0;
	vm1 =	vmor vm3, vm2;
	vm2 =	vmor vm6, vm5  }
0x19c: {  	[tilespmem:$0x1FE10] =	vst v1;
	v6 =	vld.idx.msk [tilespmem:v0+s2+$0x0], $0xffff;
	v0 =	vsel vm4, $0x1, v32;
	v1 =	vsel vm0, $0x10, v32;
	v2 =	vsel vm1, $0x20, v32  }
0x19d: {  	v11 =	vld.idx.msk [tilespmem:v11+s2+$0x0], $0xffff;
	v56 =	vsel vm4, v58, v56;
	v53 =	vnsel vm0, $0xFF800000, v53;
	v58 =	vsel vm2, $0x30, v32  }
0x19e: {  	v7 =	vld.idx.msk [tilespmem:v7+s2+$0x0], $0xffff;
	v54 =	vnsel vm1, $0xFF800000, v54;
	v55 =	vnsel vm2, $0xFF800000, v55;
	vm0 =	vgt.f32 v59, v56  }
0x19f: {  	v13 =	vld.idx.msk [tilespmem:v13+s2+$0x0], $0xffff;
	vm1 =	vgt.f32 v61, v53;
	vm2 =	vgt.f32 v63, v54;
	vm3 =	vgt.f32 v4, v55  }
0x1a0: {  	v8 =	vld.idx.msk [tilespmem:v8+s2+$0x0], $0xffff;
	v0 =	vsel vm0, $0x2, v0;
	v1 =	vsel vm1, $0x11, v1;
	v2 =	vsel vm2, $0x21, v2  }
0x1a1: {  	v14 =	vld.idx.msk [tilespmem:v14+s2+$0x0], $0xffff;
	v56 =	vsel vm0, v59, v56;
	v53 =	vsel vm1, v61, v53;
	v58 =	vsel vm3, $0x31, v58  }
0x1a2: {  	v15 =	vld.idx.msk [tilespmem:v15+s2+$0x0], $0xffff;
	v54 =	vsel vm2, v63, v54;
	v4 =	vsel vm3, v4, v55;
	v55 =	vor.u32 $0x5, v9  }
0x1a3: {  	v61 =	vld.idx.msk [tilespmem:v57+s2+$0x0], $0xffff;
	v57 =	vor.u32 $0x34, v9;
	vm0 =	vgt.f32 v6, v56;
	vm1 =	vgt.f32 v10, v53  }
0x1a4: {  	v16 =	vld.idx.msk [tilespmem:v16+s2+$0x0], $0xffff;
	vm2 =	vgt.f32 v5, v54;
	vm3 =	vgt.f32 v3, v4;
	v0 =	vsel vm0, $0x3, v0  }
0x1a5: {  	v17 =	vld.idx.msk [tilespmem:v17+s2+$0x0], $0xffff;
	v1 =	vsel vm1, $0x12, v1;
	v2 =	vsel vm2, $0x22, v2;
	v6 =	vsel vm0, v6, v56  }
0x1a6: {  	v59 =	vld.idx.msk [tilespmem:v60+s2+$0x0], $0xffff;
	v10 =	vsel vm1, v10, v53;
	v60 =	vsel vm3, $0x32, v58;
	v5 =	vsel vm2, v5, v54  }
0x1a7: {  	v45 =	vld.idx.msk [tilespmem:v45+s2+$0x0], $0xffff;
	v3 =	vsel vm3, v3, v4;
	v53 =	vor.u32 $0x4, v9;
	v54 =	vor.u32 $0x14, v9  }
0x1a8: {  	v43 =	vld.idx.msk [tilespmem:v43+s2+$0x0], $0xffff;
	v56 =	vor.u32 $0x24, v9;
	v58 =	vor.u32 $0x15, v9;
	vm0 =	vgt.f32 v11, v6  }
0x1a9: {  	v35 =	vld.idx.msk [tilespmem:v35+s2+$0x0], $0xffff;
	vm1 =	vgt.f32 v7, v10;
	vm2 =	vgt.f32 v13, v5;
	vm3 =	vgt.f32 v8, v3  }
0x1aa: {  	v31 =	vld.idx.msk [tilespmem:v31+s2+$0x0], $0xffff;
	v0 =	vsel vm0, $0x4, v0;
	v1 =	vsel vm1, $0x13, v1;
	v2 =	vsel vm2, $0x23, v2  }
0x1ab: {  	v23 =	vld.idx.msk [tilespmem:v23+s2+$0x0], $0xffff;
	v6 =	vsel vm0, v11, v6;
	v7 =	vsel vm1, v7, v10;
	v10 =	vsel vm3, $0x33, v60  }
0x1ac: {  	v5 =	vsel vm2, v13, v5;
	v3 =	vsel vm3, v8, v3;
	v13 =	vld.idx.msk [tilespmem:v51+s2+$0x0], $0xffff;
	v51 =	vor.u32 $0x2, v9  }
0x1ad: {  	v4 =	vld.idx.msk [tilespmem:v62+s2+$0x0], $0xffff;
	v60 =	vor.u32 $0x35, v9;
	vm0 =	vgt.f32 v59, v6;
	vm1 =	vgt.f32 v14, v7  }
0x1ae: {  	v62 =	vld.idx.msk [tilespmem:v50+s2+$0x0], $0xffff;
	vm2 =	vgt.f32 v15, v5;
	vm3 =	vgt.f32 v16, v3;
	v0 =	vsel vm0, $0x5, v0  }
0x1af: {  	v11 =	vld.idx.msk [tilespmem:v18+s2+$0x0], $0xffff;
	v1 =	vsel vm1, $0x14, v1;
	v2 =	vsel vm2, $0x24, v2;
	v6 =	vsel vm0, v59, v6  }
0x1b0: {  	v8 =	vld.idx.msk [tilespmem:v52+s2+$0x0], $0xffff;
	v7 =	vsel vm1, v14, v7;
	v10 =	vsel vm3, $0x34, v10;
	v5 =	vsel vm2, v15, v5  }
0x1b1: {  	v14 =	vld.idx.msk [tilespmem:v49+s2+$0x0], $0xffff;
	v3 =	vsel vm3, v16, v3;
	v49 =	vor.u32 $0x11, v9;
	v59 =	vor.u32 $0x25, v9  }
0x1b2: {  	v15 =	vld.idx.msk [tilespmem:v48+s2+$0x0], $0xffff;
	vm0 =	vgt.f32 v61, v6;
	vm1 =	vgt.f32 v4, v7;
	vm2 =	vgt.f32 v17, v5  }
0x1b3: {  	v16 =	vld.idx.msk [tilespmem:v46+s2+$0x0], $0xffff;
	v0 =	vsel vm0, $0x6, v0;
	v1 =	vsel vm1, $0x15, v1;
	v2 =	vsel vm2, $0x25, v2  }
0x1b4: {  	v46 =	vld.idx.msk [tilespmem:v27+s2+$0x0], $0xffff;
	v6 =	vsel vm0, v61, v6;
	v4 =	vsel vm1, v4, v7;
	v5 =	vsel vm2, v17, v5  }
0x1b5: {  	v17 =	vld.idx.msk [tilespmem:v42+s2+$0x0], $0xffff;
	v61 =	vor.u32 $0x6, v9;
	v42 =	vor.u32 $0xA, v9;
	vm3 =	vgt.f32 v11, v3  }
0x1b6: {  	vm0 =	vgt.f32 v62, v6;
	vm1 =	vgt.f32 v8, v4;
	v63 =	vsel vm3, $0x35, v10;
	v10 =	vld.idx.msk [tilespmem:v47+s2+$0x0], $0xffff  }
0x1b7: {  	vm2 =	vgt.f32 v13, v5;
	v3 =	vsel vm3, v11, v3;
	v11 =	vld.idx.msk [tilespmem:v44+s2+$0x0], $0xffff;
	v0 =	vsel vm0, $0x7, v0  }
0x1b8: {  	v1 =	vsel vm1, $0x16, v1;
	v2 =	vsel vm2, $0x26, v2;
	v4 =	vsel vm1, v8, v4;
	v8 =	vld.idx.msk [tilespmem:v41+s2+$0x0], $0xffff  }
0x1b9: {  	v6 =	vsel vm0, v62, v6;
	v44 =	vld.idx.msk [tilespmem:v38+s2+$0x0], $0xffff;
	v5 =	vsel vm2, v13, v5;
	v62 =	vor.u32 $0x16, v9  }
0x1ba: {  	v13 =	vld.idx.msk [tilespmem:v40+s2+$0x0], $0xffff;
	vm3 =	vgt.f32 v14, v3;
	vm0 =	vgt.f32 v45, v6;
	vm1 =	vgt.f32 v15, v4  }
0x1bb: {  	v47 =	vld [tilespmem:$0x1FDC0];
	vm2 =	vgt.f32 v16, v5;
	v7 =	vsel vm3, $0x36, v63;
	v3 =	vsel vm3, v14, v3  }
0x1bc: {  	v41 =	vld.idx.msk [tilespmem:v58+s2+$0x0], $0xffff;
	v0 =	vsel vm0, $0x8, v0;
	v1 =	vsel vm1, $0x17, v1;
	v6 =	vsel vm0, v45, v6  }
0x1bd: {  	v2 =	vsel vm2, $0x27, v2;
	v14 =	vld.idx.msk [tilespmem:v39+s2+$0x0], $0xffff;
	v5 =	vsel vm2, v16, v5;
	vm0 =	vgt.f32 v43, v6  }
0x1be: {  	v4 =	vsel vm1, v15, v4;
	v15 =	vld.idx.msk [tilespmem:v19+s2+$0x0], $0xffff;
	vm2 =	vgt.f32 v17, v5;
	v0 =	vsel vm0, $0x9, v0  }
0x1bf: {  	v16 =	vld.idx.msk [tilespmem:v34+s2+$0x0], $0xffff;
	v2 =	vsel vm2, $0x28, v2;
	v6 =	vsel vm0, v43, v6;
	v5 =	vsel vm2, v17, v5  }
0x1c0: {  	v17 =	vld.idx.msk [tilespmem:v30+s2+$0x0], $0xffff;
	vm3 =	vgt.f32 v10, v3;
	vm1 =	vgt.f32 v11, v4;
	vm0 =	vgt.f32 v44, v6  }
0x1c1: {  	v7 =	vsel vm3, $0x37, v7;
	v3 =	vsel vm3, v10, v3;
	v10 =	vld.idx.msk [tilespmem:v36+s2+$0x0], $0xffff;
	v1 =	vsel vm1, $0x18, v1  }
0x1c2: {  	v4 =	vsel vm1, v11, v4;
	v11 =	vld.idx.msk [tilespmem:v33+s2+$0x0], $0xffff;
	v0 =	vsel vm0, $0xA, v0;
	vm3 =	vgt.f32 v8, v3  }
0x1c3: {  	v6 =	vsel vm0, v44, v6;
	vm1 =	vgt.f32 v13, v4;
	v3 =	vsel vm3, v8, v3;
	v8 =	vld.idx.msk [tilespmem:v20+s2+$0x0], $0xffff  }
0x1c4: {  	vm2 =	vgt.f32 v14, v5;
	vm0 =	vgt.f32 v35, v6;
	v4 =	vsel vm1, v13, v4;
	v13 =	vld.idx.msk [tilespmem:v29+s2+$0x0], $0xffff  }
0x1c5: {  	v7 =	vsel vm3, $0x38, v7;
	v1 =	vsel vm1, $0x19, v1;
	v5 =	vsel vm2, v14, v5;
	v14 =	vld.idx.msk [tilespmem:v28+s2+$0x0], $0xffff  }
0x1c6: {  	v2 =	vsel vm2, $0x29, v2;
	v0 =	vsel vm0, $0xB, v0;
	v48 =	vld.idx.msk [tilespmem:v47+s2+$0x0], $0xffff;
	vm3 =	vgt.f32 v15, v3  }
0x1c7: {  	v6 =	vsel vm0, v35, v6;
	vm2 =	vgt.f32 v16, v5;
	v3 =	vsel vm3, v15, v3;
	v15 =	vld.idx.msk [tilespmem:v26+s2+$0x0], $0xffff  }
0x1c8: {  	vm0 =	vgt.f32 v31, v6;
	v5 =	vsel vm2, v16, v5;
	v16 =	vld.idx.msk [tilespmem:v21+s2+$0x0], $0xffff;
	vm1 =	vgt.f32 v10, v4  }
0x1c9: {  	v7 =	vsel vm3, $0x39, v7;
	vm3 =	vgt.f32 v11, v3;
	v4 =	vsel vm1, v10, v4;
	v10 =	vld.idx.msk [tilespmem:v25+s2+$0x0], $0xffff  }
0x1ca: {  	v2 =	vsel vm2, $0x2A, v2;
	vm2 =	vgt.f32 v17, v5;
	v3 =	vsel vm3, v11, v3;
	v11 =	vld.idx.msk [tilespmem:v24+s2+$0x0], $0xffff  }
0x1cb: {  	v1 =	vsel vm1, $0x1A, v1;
	v5 =	vsel vm2, v17, v5;
	v17 =	vld [tilespmem:$0x1FDE0];
	vm1 =	vgt.f32 v8, v4  }
0x1cc: {  	v7 =	vsel vm3, $0x3A, v7;
	vm3 =	vgt.f32 v13, v3;
	v4 =	vsel vm1, v8, v4;
	v8 =	vld [tilespmem:$0x1FDB0]  }
0x1cd: {  	v1 =	vsel vm1, $0x1B, v1;
	v3 =	vsel vm3, v13, v3;
	v13 =	vld [tilespmem:$0x1FDD0];
	vm1 =	vgt.f32 v14, v4  }
0x1ce: {  	v2 =	vsel vm2, $0x2B, v2;
	vm2 =	vgt.f32 v15, v5;
	v4 =	vsel vm1, v14, v4;
	v14 =	vld [tilespmem:$0x1FDF0]  }
0x1cf: {  	v7 =	vsel vm3, $0x3B, v7;
	v5 =	vsel vm2, v15, v5;
	v15 =	vld [tilespmem:$0x1FE10];
	vm3 =	vgt.f32 v10, v3  }
0x1d0: {  	v1 =	vsel vm1, $0x1C, v1;
	vm1 =	vgt.f32 v11, v4;
	v3 =	vsel vm3, v10, v3;
	v10 =	vld [tilespmem:$0x1FE00]  }
0x1d1: {  	v38 =	vor.u32 $0x18, v9;
	v6 =	vsel vm0, v31, v6;
	v4 =	vsel vm1, v11, v4;
	v11 =	vld [tilespmem:$0x1FE20]  }
0x1d2: {  	v40 =	vor.u32 $0x9, v9;
	v39 =	vld.idx.msk [tilespmem:v54+s2+$0x0], $0xffff;
	v0 =	vsel vm0, $0xC, v0;
	vm0 =	vgt.f32 v46, v6  }
0x1d3: {  	v58 =	vimm.s32 $0x0;
	v63 =	vor.u32 $0x26, v9;
	v6 =	vsel vm0, v46, v6;
	v17 =	vld.idx.msk [tilespmem:v17+s2+$0x0], $0xffff  }
0x1d4: {  	v34 =	vor.u32 $0x27, v9;
	v0 =	vsel vm0, $0xD, v0;
	vm0 =	vgt.f32 v23, v6;
	v8 =	vld.idx.msk [tilespmem:v8+s2+$0x0], $0xffff  }
0x1d5: {  	v45 =	vor.u32 $0x2A, v9;
	v0 =	vsel vm0, $0xE, v0;
	v6 =	vsel vm0, v23, v6;
	v13 =	vld.idx.msk [tilespmem:v13+s2+$0x0], $0xffff  }
0x1d6: {  	vm0 =	vgt.f32 v48, v6;
	v2 =	vsel vm2, $0x2C, v2;
	vm2 =	vgt.f32 v16, v5;
	v14 =	vld.idx.msk [tilespmem:v14+s2+$0x0], $0xffff  }
0x1d7: {  	v54 =	vimm.s32 $0x0;
	v0 =	vsel vm0, $0xF, v0;
	v5 =	vsel vm2, v16, v5;
	v15 =	vld.idx.msk [tilespmem:v15+s2+$0x0], $0xffff  }
0x1d8: {  	v6 =	vsel vm0, v48, v6;
	v2 =	vsel vm2, $0x2D, v2;
	vm2 =	vgt.f32 v17, v5;
	v10 =	vld.idx.msk [tilespmem:v10+s2+$0x0], $0xffff  }
0x1d9: {  	v7 =	vsel vm3, $0x3C, v7;
	v1 =	vsel vm1, $0x1D, v1;
	v11 =	vld.idx.msk [tilespmem:v11+s2+$0x0], $0xffff;
	v2 =	vsel vm2, $0x2E, v2  }
0x1da: {  	v5 =	vsel vm2, v17, v5;
	vm3 =	vgt.f32 v8, v3;
	vm1 =	vgt.f32 v13, v4  }
0x1db: {  	v7 =	vsel vm3, $0x3D, v7;
	v3 =	vsel vm3, v8, v3;
	v1 =	vsel vm1, $0x1E, v1  }
0x1dc: {  	v4 =	vsel vm1, v13, v4;
	v8 =	vor.u32 $0x21, v9;
	vm3 =	vgt.f32 v14, v3  }
0x1dd: {  	vm1 =	vgt.f32 v15, v5;
	v7 =	vsel vm3, $0x3E, v7;
	v3 =	vsel vm3, v14, v3  }
0x1de: {  	v5 =	vsel vm1, v15, v5;
	vm0 =	vgt.f32 v10, v4;
	vm2 =	vgt.f32 v11, v3  }
0x1df: {  	v2 =	vsel vm1, $0x2F, v2;
	v4 =	vsel vm0, v10, v4;
	v3 =	vsel vm2, v11, v3  }
0x1e0: {  	v1 =	vsel vm0, $0x1F, v1;
	vm0 =	vgt.f32 v4, v6;
	vm1 =	vgt.f32 v3, v5  }
0x1e1: {  	v7 =	vsel vm2, $0x3F, v7;
	v4 =	vsel vm0, v4, v6;
	v3 =	vsel vm1, v3, v5  }
0x1e2: {  	v43 =	vld.idx.msk [tilespmem:v61+s2+$0x0], $0xffff;
	v0 =	vsel vm0, v1, v0;
	v1 =	vsel vm1, v7, v2;
	v2 =	vor.u32 $0x10, v9  }
0x1e3: {  	v61 =	vimm.s32 $0x0;
	v46 =	vld.idx.msk [tilespmem:v62+s2+$0x0], $0xffff;
	vm0 =	vgt.f32 v3, v4;
	v3 =	vor.u32 $0x20, v9  }
0x1e4: {  	v33 =	vor.u32 $0x36, v9;
	v44 =	vimm.s32 $0x0;
	v35 =	vor.u32 $0x8, v9;
	v8 =	vld.idx.msk [tilespmem:v8+s2+$0x0], $0xffff  }
0x1e5: {  	v47 =	vimm.s32 $0x0;
	v62 =	vimm.s32 $0x0;
	v6 =	vld.idx.msk [tilespmem:v49+s2+$0x0], $0xffff;
	v4 =	vor.u32 $0x30, v9  }
0x1e6: {  	v48 =	vor.u32 $0x3A, v9;
	v7 =	vld.idx.msk [tilespmem:v51+s2+$0x0], $0xffff;
	v0 =	vsel vm0, v1, v0;
	v1 =	vor.u32 $0x1, v9  }
0x1e7: {  	v16 =	vor.u32 $0x23, v9;
	v10 =	vor.u32 $0x31, v9;
	v5 =	vand.u32 $0xFFFFFFF8, v0;
	v2 =	vld.idx.msk [tilespmem:v2+s2+$0x0], $0xffff  }
0x1e8: {  	v17 =	vor.u32 $0x33, v9;
	v50 =	vand.u32 $0x7, v0;
	v5 =	vadd.s32 v12, v5;
	v3 =	vld.idx.msk [tilespmem:v3+s2+$0x0], $0xffff  }
0x1e9: {  	v13 =	vor.u32 $0x3, v9;
	v14 =	vor.u32 $0x32, v9;
	v51 =	vld.idx.msk [tilespmem:v33+s2+$0x0], $0xffff;
	v5 =	vor.u32 v50, v5  }
0x1ea: {  	v15 =	vor.u32 $0x13, v9;
	v11 =	vor.u32 $0x12, v9;
	v49 =	vimm.s32 $0x0;
	v4 =	vld.idx.msk [tilespmem:v4+s2+$0x0], $0xffff  }
0x1eb: {  	v33 =	vimm.s32 $0x0;
	vm0 =	vgt.f32 v22, $-Inf;
	v12 =	vor.u32 $0x22, v9;
	v1 =	vld.idx.msk [tilespmem:v1+s2+$0x0], $0xffff  }
0x1ec: {  	v52 =	vnsel vm0, $0xFF800000, v22;
	v10 =	vld.idx.msk [tilespmem:v10+s2+$0x0], $0xffff;
	vm0 =	vlt.f32 v2, $-Inf;
	vm1 =	vgt.f32 v2, $-Inf  }
0x1ed: {  	v22 =	vld.idx.msk [tilespmem:v56+s2+$0x0], $0xffff;
	vm6 =	vmor vm1, vm0;
	vm0 =	vlt.f32 v3, $-Inf;
	vm1 =	vgt.f32 v3, $-Inf  }
0x1ee: {  	s20 =	smov.u32 s22;
	s22 =	sadd.s32 $0x20, s22;
	v56 =	vimm.s32 $0x0;
	v50 =	vor.u32 $0xB, v9;
	v5 =	vld.idx.msk [tilespmem:v5+s9+$0x0], $0xffff;
	vm7 =	vmor vm1, vm0  }
0x1ef: {  	[tilespmem:s22+$0x0] =	vst v0;
	vm0 =	vlt.f32 v4, $-Inf;
	vm1 =	vgt.f32 v4, $-Inf;
	v0 =	vnsel vm6, $0xFF800000, v2;
	v2 =	vld.idx.msk [tilespmem:v11+s2+$0x0], $0xffff  }
0x1f0: {  	vm12 =	vgt.f32 v1, v52;
	v11 =	vld.idx.msk [tilespmem:v12+s2+$0x0], $0xffff;
	v12 =	vor.u32 $0x17, v9;
	v3 =	vnsel vm7, $0xFF800000, v3  }
0x1f1: {  	v13 =	vld.idx.msk [tilespmem:v13+s2+$0x0], $0xffff;
	vm8 =	vmor vm1, vm0;
	v1 =	vsel vm12, v1, v52;
	vm2 =	vgt.f32 v6, v0  }
0x1f2: {  	v14 =	vld.idx.msk [tilespmem:v14+s2+$0x0], $0xffff;
	v52 =	vimm.s32 $0x0;
	v4 =	vnsel vm8, $0xFF800000, v4;
	v0 =	vsel vm2, v6, v0  }
0x1f3: {  	s21 =	smov.u32 s23;
	s23 =	sadd.s32 $0x20, s23;
	v25 =	vld.idx.msk [tilespmem:v59+s2+$0x0], $0xffff;
	vm1 =	vgt.f32 v8, v3;
	vm13 =	vgt.f32 v7, v1;
	v59 =	vsel vm8, $0x30, v32  }
0x1f4: {  	v15 =	vld.idx.msk [tilespmem:v15+s2+$0x0], $0xffff;
	[tilespmem:s23+$0x0] =	vst v5;
	v5 =	vor.u32 $0x7, v9;
	v3 =	vsel vm1, v8, v3;
	vm5 =	vgt.f32 v10, v4  }
0x1f5: {  	v16 =	vld.idx.msk [tilespmem:v16+s2+$0x0], $0xffff;
	v8 =	vor.u32 $0x37, v9;
	v1 =	vsel vm13, v7, v1;
	v4 =	vsel vm5, v10, v4  }
0x1f6: {  	v10 =	vld.idx.msk [tilespmem:v17+s2+$0x0], $0xffff;
	vm9 =	vgt.f32 v13, v1;
	vm0 =	vgt.f32 v2, v0;
	vm4 =	vgt.f32 v11, v3  }
0x1f7: {  	v17 =	vld.idx.msk [tilespmem:v53+s2+$0x0], $0xffff;
	vm3 =	vgt.f32 v14, v4;
	v1 =	vsel vm9, v13, v1;
	v13 =	vor.u32 $0x19, v9  }
0x1f8: {  	v0 =	vsel vm0, v2, v0;
	v2 =	vor.u32 $0x28, v9;
	v3 =	vsel vm4, v11, v3  }
0x1f9: {  	v11 =	vor.u32 $0x38, v9;
	v4 =	vsel vm3, v14, v4;
	vm14 =	vgt.f32 v15, v0  }
0x1fa: {  	v14 =	vld.idx.msk [tilespmem:v57+s2+$0x0], $0xffff;
	v57 =	vsel vm6, $0x10, v32;
	vm10 =	vgt.f32 v16, v3;
	v0 =	vsel vm14, v15, v0  }
0x1fb: {  	v21 =	vld.idx.msk [tilespmem:v55+s2+$0x0], $0xffff;
	v15 =	vimm.s32 $0x0;
	v3 =	vsel vm10, v16, v3;
	v16 =	vimm.s32 $0x0  }
0x1fc: {  	v15 =	vsel vm10, $0xFFFFFFFF, v15;
	vm11 =	vgt.f32 v10, v4;
	vm10 =	vgt.f32 v17, v1  }
0x1fd: {  	vm15 =	vgt.f32 v39, v0;
	[tilespmem:$0x1FE30] =	vst v15;
	v15 =	vor.u32 $0x29, v9;
	v16 =	vsel vm11, $0xFFFFFFFF, v16  }
0x1fe: {  	v4 =	vsel vm11, v10, v4;
	v1 =	vsel vm10, v17, v1;
	v10 =	vimm.s32 $0x0  }
0x1ff: {  	v0 =	vsel vm15, v39, v0;
	[tilespmem:$0x1FE40] =	vst v16;
	v16 =	vor.u32 $0x39, v9;
	v10 =	vsel vm15, $0xFFFFFFFF, v10  }
0x200: {  	vm15 =	vgt.f32 v22, v3;
	vm11 =	vgt.f32 v21, v1;
	[tilespmem:$0x1FE50] =	vst v10;
	v10 =	vor.u32 $0x1A, v9  }
0x201: {  	v17 =	vld.idx.msk [tilespmem:v60+s2+$0x0], $0xffff;
	v19 =	vsel vm15, $0xFFFFFFFF, v44;
	v3 =	vsel vm15, v22, v3;
	vm15 =	vgt.f32 v14, v4  }
0x202: {  	v28 =	vsel vm11, $0xFFFFFFFF, v49;
	v1 =	vsel vm11, v21, v1;
	v22 =	vsel vm15, $0xFFFFFFFF, v47  }
0x203: {  	v4 =	vsel vm15, v14, v4;
	vm15 =	vgt.f32 v41, v0;
	v14 =	vimm.s32 $0x0  }
0x204: {  	v29 =	vld.idx.msk [tilespmem:v63+s2+$0x0], $0xffff;
	vm11 =	vgt.f32 v43, v1;
	v14 =	vsel vm15, $0xFFFFFFFF, v14;
	v0 =	vsel vm15, v41, v0  }
0x205: {  	vm15 =	vgt.f32 v25, v3;
	v30 =	vsel vm11, $0xFFFFFFFF, v56;
	v1 =	vsel vm11, v43, v1  }
0x206: {  	v5 =	vld.idx.msk [tilespmem:v5+s2+$0x0], $0xffff;
	v23 =	vsel vm15, $0xFFFFFFFF, v52;
	v3 =	vsel vm15, v25, v3;
	vm15 =	vgt.f32 v17, v4  }
0x207: {  	v18 =	vld.idx.msk [tilespmem:v35+s2+$0x0], $0xffff;
	v43 =	vimm.s32 $0x0;
	[tilespmem:$0x1FEE0] =	vst v30;
	v30 =	vsel vm2, $0x11, v57;
	v25 =	vsel vm15, $0xFFFFFFFF, v54  }
0x208: {  	v12 =	vld.idx.msk [tilespmem:v12+s2+$0x0], $0xffff;
	v4 =	vsel vm15, v17, v4;
	vm15 =	vgt.f32 v46, v0;
	v17 =	vimm.s32 $0x0  }
0x209: {  	v6 =	vld.idx.msk [tilespmem:v34+s2+$0x0], $0xffff;
	vm11 =	vgt.f32 v29, v3;
	v34 =	vsel vm0, $0x12, v30;
	v17 =	vsel vm15, $0xFFFFFFFF, v17  }
0x20a: {  	v8 =	vld.idx.msk [tilespmem:v8+s2+$0x0], $0xffff;
	v0 =	vsel vm15, v46, v0;
	v26 =	vsel vm11, $0xFFFFFFFF, v58;
	v3 =	vsel vm11, v29, v3  }
0x20b: {  	vm15 =	vgt.f32 v51, v4;
	vm11 =	vgt.f32 v5, v1;
	[tilespmem:$0x1FEC0] =	vst v17;
	v17 =	vsel vm7, $0x20, v32  }
0x20c: {  	v7 =	vld.idx.msk [tilespmem:v38+s2+$0x0], $0xffff;
	v29 =	vsel vm15, $0xFFFFFFFF, v61;
	v4 =	vsel vm15, v51, v4;
	v1 =	vsel vm11, v5, v1  }
0x20d: {  	v2 =	vld.idx.msk [tilespmem:v2+s2+$0x0], $0xffff;
	vm15 =	vgt.f32 v12, v0;
	v5 =	vimm.s32 $0x0;
	[tilespmem:$0x1FEF0] =	vst v29;
	v29 =	vsel vm11, $0xFFFFFFFF, v62  }
0x20e: {  	v11 =	vld.idx.msk [tilespmem:v11+s2+$0x0], $0xffff;
	v5 =	vsel vm15, $0xFFFFFFFF, v5;
	v0 =	vsel vm15, v12, v0;
	vm11 =	vgt.f32 v6, v3  }
0x20f: {  	v12 =	vimm.s32 $0x0;
	vm6 =	vgt.f32 v8, v4;
	vm2 =	vgt.f32 v18, v1  }
0x210: {  	v13 =	vld.idx.msk [tilespmem:v13+s2+$0x0], $0xffff;
	v31 =	vsel vm1, $0x21, v17;
	v17 =	vsel vm12, $0x1, v32;
	v12 =	vsel vm11, $0xFFFFFFFF, v12  }
0x211: {  	v20 =	vld.idx.msk [tilespmem:v40+s2+$0x0], $0xffff;
	v4 =	vsel vm6, v8, v4;
	vm1 =	vgt.f32 v7, v0;
	v8 =	vimm.s32 $0x0  }
0x212: {  	v3 =	vsel vm11, v6, v3;
	v1 =	vsel vm2, v18, v1;
	v8 =	vsel vm1, $0xFFFFFFFF, v8  }
0x213: {  	v16 =	vld.idx.msk [tilespmem:v16+s2+$0x0], $0xffff;
	v0 =	vsel vm1, v7, v0;
	vm1 =	vgt.f32 v2, v3;
	vm0 =	vgt.f32 v11, v4  }
0x214: {  	v15 =	vld.idx.msk [tilespmem:v15+s2+$0x0], $0xffff;
	v2 =	vsel vm1, v2, v3;
	v3 =	vimm.s32 $0x0;
	v4 =	vsel vm0, v11, v4  }
0x215: {  	v10 =	vld.idx.msk [tilespmem:v10+s2+$0x0], $0xffff;
	[tilespmem:$0x1FF10] =	vst v12;
	v11 =	vimm.s32 $0x0;
	v3 =	vsel vm0, $0xFFFFFFFF, v3;
	vm0 =	vgt.f32 v13, v0  }
0x216: {  	v32 =	vld.idx.msk [tilespmem:v42+s2+$0x0], $0xffff;
	[tilespmem:$0x1FF30] =	vst v8;
	v7 =	vsel vm1, $0xFFFFFFFF, v33;
	vm1 =	vgt.f32 v20, v1;
	v11 =	vsel vm0, $0xFFFFFFFF, v11  }
0x217: {  	v12 =	vor.u32 $0x3C, v9;
	v8 =	vsel vm5, $0x31, v59;
	v1 =	vsel vm1, v20, v1;
	[tilespmem:$0x1FF60] =	vst v11;
	v11 =	vld.idx.msk [tilespmem:v48+s2+$0x0], $0xffff  }
0x218: {  	v8 =	vsel vm3, $0x32, v8;
	vm15 =	vgt.f32 v16, v4;
	v0 =	vsel vm0, v13, v0  }
0x219: {  	v38 =	vld.idx.msk [tilespmem:v50+s2+$0x0], $0xffff;
	vm0 =	vgt.f32 v15, v2;
	v13 =	vimm.s32 $0x0;
	v4 =	vsel vm15, v16, v4  }
0x21a: {  	v16 =	vimm.s32 $0x0;
	v13 =	vsel vm0, $0xFFFFFFFF, v13;
	v2 =	vsel vm0, v15, v2  }
0x21b: {  	vm0 =	vgt.f32 v32, v1;
	vm3 =	vgt.f32 v10, v0;
	[tilespmem:$0x1FF70] =	vst v13;
	v13 =	vor.u32 $0xD, v9  }
0x21c: {  	v16 =	vsel vm3, $0xFFFFFFFF, v16;
	v0 =	vsel vm3, v10, v0;
	vm3 =	vgt.f32 v11, v4  }
0x21d: {  	v35 =	vld.idx.msk [tilespmem:v45+s2+$0x0], $0xffff;
	v1 =	vsel vm0, v32, v1;
	v6 =	vsel vm3, $0xFFFFFFFF, v43  }
0x21e: {  	v44 =	vld [tilespmem:$0x1FE30];
	v4 =	vsel vm3, v11, v4;
	vm3 =	vgt.f32 v38, v1;
	v11 =	vimm.s32 $0x0  }
0x21f: {  	v45 =	vld [tilespmem:$0x1FE40];
	v11 =	vsel vm3, $0xFFFFFFFF, v11  }
0x220: {  	[tilespmem:$0x1FFC0] =	vst v11;
	v11 =	vld.idx.msk [tilespmem:v12+s2+$0x0], $0xffff  }
0x221: {  	v12 =	vld.idx.msk [tilespmem:v13+s2+$0x0], $0xffff  }
0x222: {  	v13 =	vld [tilespmem:$0x1FE50]  }
0x223: {  	v53 =	vor.u32 $0x2B, v9;
	[tilespmem:$0x1FF50] =	vst v3;
	v3 =	vsel vm4, $0x22, v31;
	v15 =	vimm.s32 $0x0  }
0x224: {  	[tilespmem:$0x1FE60] =	vst v19;
	v15 =	vsel vm0, $0xFFFFFFFF, v15;
	vm0 =	vgt.f32 v35, v2;
	v10 =	vimm.s32 $0x0  }
0x225: {  	[tilespmem:$0x1FE80] =	vst v14;
	v10 =	vsel vm0, $0xFFFFFFFF, v10;
	v2 =	vsel vm0, v35, v2;
	vm0 =	vnez.u8 v44  }
0x226: {  	v14 =	vor.u32 $0x1B, v9;
	[tilespmem:$0x1FFA0] =	vst v15;
	v3 =	vsel vm0, $0x23, v3;
	vm0 =	vnez.u8 v45  }
0x227: {  	v15 =	vor.u32 $0x1D, v9;
	[tilespmem:$0x1FFB0] =	vst v6;
	v6 =	vsel vm0, $0x33, v8;
	vm0 =	vnez.u8 v13;
	v13 =	vld [tilespmem:$0x1FE60];
	_ =	sdelay $0x1  }
0x228: {  	v39 =	vld.idx.msk [tilespmem:v53+s2+$0x0], $0xffff;
	[tilespmem:$0x1FE90] =	vst v28  }
0x229: {  	v49 =	vld [tilespmem:$0x1FE90]  }
0x22a: {  	v63 =	vor.u32 $0x1C, v9;
	v14 =	vld.idx.msk [tilespmem:v14+s2+$0x0], $0xffff;
	[tilespmem:$0x1FF40] =	vst v7;
	v7 =	vsel vm14, $0x13, v34  }
0x22b: {  	[tilespmem:$0x1FE70] =	vst v22;
	v7 =	vsel vm0, $0x14, v7;
	vm0 =	vnez.u8 v13;
	v13 =	vld.idx.msk [tilespmem:v15+s2+$0x0], $0xffff  }
0x22c: {  	v15 =	vld [tilespmem:$0x1FE70]  }
0x22d: {  	[tilespmem:$0x1FEA0] =	vst v23;
	v48 =	vld [tilespmem:$0x1FE80]  }
0x22e: {  	[tilespmem:$0x1FEB0] =	vst v25;
	v50 =	vld [tilespmem:$0x1FEA0]  }
0x22f: {  	[tilespmem:$0x1FF90] =	vst v10;
	v10 =	vld.idx.msk [tilespmem:v63+s2+$0x0], $0xffff  }
0x230: {  	v55 =	vor.u32 $0x3B, v9;
	v51 =	vld [tilespmem:$0x1FEB0];
	v17 =	vsel vm13, $0x2, v17;
	vm13 =	vgt.f32 v14, v0  }
0x231: {  	[tilespmem:$0x1FED0] =	vst v26;
	v52 =	vld [tilespmem:$0x1FEC0];
	v0 =	vsel vm13, v14, v0;
	v3 =	vsel vm0, $0x24, v3;
	vm0 =	vnez.u8 v15  }
0x232: {  	v53 =	vld [tilespmem:$0x1FED0];
	v8 =	vsel vm9, $0x3, v17;
	v6 =	vsel vm0, $0x34, v6;
	vm0 =	vnez.u8 v48  }
0x233: {  	v54 =	vld [tilespmem:$0x1FEE0];
	v8 =	vsel vm10, $0x4, v8;
	v7 =	vsel vm0, $0x15, v7;
	vm0 =	vnez.u8 v49  }
0x234: {  	[tilespmem:$0x1FF00] =	vst v5;
	v56 =	vld [tilespmem:$0x1FEF0];
	vm8 =	vgt.f32 v10, v0;
	v8 =	vsel vm0, $0x5, v8;
	vm0 =	vnez.u8 v50  }
0x235: {  	v0 =	vsel vm8, v10, v0;
	v10 =	vld [tilespmem:$0x1FF00];
	v3 =	vsel vm0, $0x25, v3;
	vm0 =	vnez.u8 v51  }
0x236: {  	v60 =	vor.u32 $0xC, v9;
	v6 =	vsel vm0, $0x35, v6;
	vm0 =	vnez.u8 v52  }
0x237: {  	v7 =	vsel vm0, $0x16, v7;
	vm0 =	vnez.u8 v53  }
0x238: {  	v40 =	vld.idx.msk [tilespmem:v55+s2+$0x0], $0xffff;
	v3 =	vsel vm0, $0x26, v3;
	vm0 =	vnez.u8 v54  }
0x239: {  	v41 =	vor.u32 $0x3D, v9;
	v8 =	vsel vm0, $0x6, v8;
	vm0 =	vnez.u8 v56  }
0x23a: {  	v6 =	vsel vm0, $0x36, v6;
	vm0 =	vnez.u8 v10;
	v10 =	vld [tilespmem:$0x1FF10]  }
0x23b: {  	v42 =	vld.idx.msk [tilespmem:v60+s2+$0x0], $0xffff;
	_ =	sdelay $0x1  }
0x23c: {  	vm11 =	vgt.f32 v40, v4  }
0x23d: {  	[tilespmem:$0x1FF20] =	vst v29;
	v14 =	vld.idx.msk [tilespmem:v41+s2+$0x0], $0xffff;
	v1 =	vsel vm3, v38, v1;
	v4 =	vsel vm11, v40, v4  }
0x23e: {  	vm9 =	vgt.f32 v11, v4;
	v7 =	vsel vm0, $0x17, v7;
	vm0 =	vnez.u8 v10;
	v10 =	vld [tilespmem:$0x1FF20]  }
0x23f: {  	vm7 =	vgt.f32 v42, v1;
	v4 =	vsel vm9, v11, v4;
	v11 =	vld [tilespmem:$0x1FF30]  }
0x240: {  	v61 =	vld [tilespmem:$0x1FF40];
	v1 =	vsel vm7, v42, v1  }
0x241: {  	v62 =	vld [tilespmem:$0x1FF50];
	v6 =	vsel vm6, $0x37, v6;
	vm6 =	vgt.f32 v12, v1  }
0x242: {  	vm4 =	vgt.f32 v14, v4;
	v1 =	vsel vm6, v12, v1;
	v12 =	vld [tilespmem:$0x1FF60]  }
0x243: {  	v4 =	vsel vm4, v14, v4;
	v14 =	vld [tilespmem:$0x1FF70];
	v3 =	vsel vm0, $0x27, v3;
	vm0 =	vnez.u8 v10  }
0x244: {  	v5 =	vor.u32 $0x2C, v9;
	v8 =	vsel vm0, $0x7, v8;
	vm0 =	vnez.u8 v11  }
0x245: {  	v7 =	vsel vm0, $0x18, v7;
	vm0 =	vnez.u8 v61  }
0x246: {  	v3 =	vsel vm0, $0x28, v3;
	vm0 =	vnez.u8 v62  }
0x247: {  	[tilespmem:$0x1FF80] =	vst v16;
	v16 =	vor.u32 $0x2D, v9;
	v6 =	vsel vm0, $0x38, v6;
	vm0 =	vnez.u8 v12  }
0x248: {  	v7 =	vsel vm0, $0x19, v7;
	vm0 =	vnez.u8 v14;
	v14 =	vld [tilespmem:$0x1FF80]  }
0x249: {  	v46 =	vor.u32 $0x2E, v9;
	v5 =	vld.idx.msk [tilespmem:v5+s2+$0x0], $0xffff  }
0x24a: {  	v47 =	vor.u32 $0x3E, v9  }
0x24b: {  	v17 =	vor.u32 $0x1E, v9  }
0x24c: {  	vm12 =	vgt.f32 v39, v2;
	v16 =	vld.idx.msk [tilespmem:v16+s2+$0x0], $0xffff  }
0x24d: {  	v2 =	vsel vm12, v39, v2;
	vm14 =	vnez.u8 v14;
	v14 =	vld [tilespmem:$0x1FF90]  }
0x24e: {  	v58 =	vld.idx.msk [tilespmem:v46+s2+$0x0], $0xffff;
	vm10 =	vgt.f32 v5, v2;
	v15 =	vor.u32 $0xE, v9  }
0x24f: {  	v2 =	vsel vm10, v5, v2;
	v5 =	vld.idx.msk [tilespmem:v47+s2+$0x0], $0xffff  }
0x250: {  	v59 =	vor.u32 $0x2F, v9;
	v17 =	vld.idx.msk [tilespmem:v17+s2+$0x0], $0xffff  }
0x251: {  	v55 =	vor.u32 $0xF, v9;
	v57 =	vor.u32 $0x1F, v9;
	v60 =	vor.u32 $0x3F, v9  }
0x252: {  	vm3 =	vgt.f32 v16, v2;
	v7 =	vsel vm14, $0x1A, v7;
	vm14 =	vnez.u8 v14;
	v14 =	vld [tilespmem:$0x1FFA0]  }
0x253: {  	v2 =	vsel vm3, v16, v2;
	vm5 =	vgt.f32 v13, v0;
	v15 =	vld.idx.msk [tilespmem:v15+s2+$0x0], $0xffff;
	v8 =	vsel vm2, $0x8, v8  }
0x254: {  	v63 =	vld [tilespmem:$0x1FFC0];
	v0 =	vsel vm5, v13, v0;
	vm2 =	vgt.f32 v58, v2;
	v8 =	vsel vm1, $0x9, v8  }
0x255: {  	v13 =	vld.idx.msk [tilespmem:v59+s2+$0x0], $0xffff;
	vm1 =	vgt.f32 v17, v0;
	v6 =	vsel vm15, $0x39, v6;
	vm15 =	vgt.f32 v5, v4  }
0x256: {  	v10 =	vld.idx.msk [tilespmem:v55+s2+$0x0], $0xffff;
	v2 =	vsel vm2, v58, v2;
	v3 =	vsel vm0, $0x29, v3;
	v4 =	vsel vm15, v5, v4  }
0x257: {  	v5 =	vsel vm13, $0x1B, v7;
	v3 =	vsel vm14, $0x2A, v3;
	vm14 =	vnez.u8 v14;
	v14 =	vld [tilespmem:$0x1FFB0]  }
0x258: {  	v11 =	vld.idx.msk [tilespmem:v57+s2+$0x0], $0xffff;
	v0 =	vsel vm1, v17, v0;
	vm0 =	vgt.f32 v15, v1;
	v5 =	vsel vm8, $0x1C, v5  }
0x259: {  	v12 =	vld.idx.msk [tilespmem:v60+s2+$0x0], $0xffff;
	v1 =	vsel vm0, v15, v1;
	vm13 =	vnez.u8 v63;
	v5 =	vsel vm5, $0x1D, v5  }
0x25a: {  	v5 =	vsel vm1, $0x1E, v5;
	v3 =	vsel vm12, $0x2B, v3;
	vm12 =	vgt.f32 v13, v2  }
0x25b: {  	v3 =	vsel vm10, $0x2C, v3;
	v2 =	vsel vm12, v13, v2;
	v8 =	vsel vm14, $0xA, v8  }
0x25c: {  	v3 =	vsel vm3, $0x2D, v3;
	v7 =	vsel vm13, $0xB, v8;
	vm14 =	vnez.u8 v14  }
0x25d: {  	vm13 =	vgt.f32 v10, v1;
	v7 =	vsel vm7, $0xC, v7;
	v6 =	vsel vm14, $0x3A, v6  }
0x25e: {  	vm14 =	vgt.f32 v12, v4;
	v6 =	vsel vm11, $0x3B, v6;
	vm11 =	vgt.f32 v11, v0  }
0x25f: {  	v1 =	vsel vm13, v10, v1;
	v4 =	vsel vm14, v12, v4;
	v0 =	vsel vm11, v11, v0  }
0x260: {  	v7 =	vsel vm6, $0xD, v7;
	vm1 =	vgt.f32 v4, v2;
	vm3 =	vgt.f32 v0, v1  }
0x261: {  	v7 =	vsel vm0, $0xE, v7;
	v2 =	vsel vm1, v4, v2;
	v0 =	vsel vm3, v0, v1  }
0x262: {  	s24 =	sadd.s32 $0x2, s24;
	v4 =	vsel vm13, $0xF, v7;
	v1 =	vsel vm11, $0x1F, v5;
	vm0 =	vgt.f32 v2, v0;
	v0 =	vld [tilespmem:$0x1FFE0]  }
0x263: {  	p0 =	slt.u32 s24, $0xE;
	v15 =	vsel vm3, v1, v4;
	v1 =	vld [tilespmem:$0x1FFF0]  }
.Ltmp0:
0x264: {  	v6 =	vsel vm9, $0x3C, v6;
	(pc) =	sbr.rel @p0 .LBB2_2-.Ltmp0, $4  }
0x265: {  	v6 =	vsel vm4, $0x3D, v6  }
0x266: {  	v3 =	vsel vm2, $0x2E, v3;
	v6 =	vsel vm15, $0x3E, v6  }
0x267: {  	v3 =	vsel vm12, $0x2F, v3;
	v5 =	vsel vm14, $0x3F, v6  }
0x268: {  	s25 =	sadd.s32 $0x20, s25;
	v36 =	vlaneseq.u32;
	v12 =	vsel vm1, v5, v3;
	v3 =	vld [tilespmem:$0x1FFD0];
	v13 =	vor.u32 v1, v0  }
0x269: {  	v0 =	vsel vm0, v12, v15  }
0x26a: {  	v1 =	vand.u32 $0xFFFFFFF8, v0  }
0x26b: {  	v2 =	vand.u32 $0x7, v0;
	v1 =	vadd.s32 v9, v1  }
0x26c: {  	v1 =	vor.u32 v2, v1;
	_ =	sdelay $0x2  }
0x26d: {  	v63 =	vld.idx.msk [tilespmem:v13+s9+$0x0], $0xffff;
	_ =	sdelay $0x1  }
0x26e: {  	v1 =	vld.idx.msk [tilespmem:v1+s9+$0x0], $0xffff;
	_ =	sdelay $0x1  }
0x26f: {  	[tilespmem:s20+$0xFFFFFFF0] =	vst v3  }
0x270: {  	[tilespmem:s21+$0xFFFFFFF0] =	vst v63  }
0x271: {  	[tilespmem:s22+$0xFFFFFFF0] =	vst v0  }
0x272: {  	[tilespmem:s23+$0xFFFFFFF0] =	vst v1  }
0x273: {  	_ =	swait.ge [sflag:s13], $0x8000  }
0x274: {  	v19 =	vimm.s32 $0x10;
	[sflag:s13] =	ssyncset.done $0x0  }
0x275: {  	[sflag:s13] =	ssyncadd.s32 $0xFFFF8000  }
0x276: {  	_ =	swait.ge [sflag:s14], $0x100  }
0x277: {  	v18 =	vimm.s32 $0x0;
	v20 =	vimm.s32 $0x1;
	s20 =	simm.s32 $0xFFFFFFFC;
	[sflag:s14] =	ssyncset.done $0x0  }
0x278: {  	v21 =	vimm.s32 $0x4F;
	v22 =	vimm.s32 $0x8E;
	v23 =	vimm.s32 $0xCD;
	s21 =	simm.s32 $0x0;
	s22 =	simm.s32 $0x10540;
	[sflag:s14] =	ssyncadd.s32 $0xFFFFFF00  }
.LBB2_4:
0x279: {  	v0 =	vld.idx.msk [tilespmem:v19+s15+$0x0], $0xffff;
	_ =	sdelay $0x2  }
0x27a: {  	v1 =	vmov s21  }
0x27b: {  	v1 =	vshll.u32 v1, $0x6  }
0x27c: {  	v8 =	vor.u32 v37, v1;
	v2 =	vand.u32 $0xFFFFFFF8, v0  }
0x27d: {  	v0 =	vand.u32 $0x7, v0;
	v1 =	vadd.s32 v8, v2  }
0x27e: {  	v1 =	vor.u32 v0, v1;
	_ =	sdelay $0x3  }
0x27f: {  	v3 =	vld.idx.msk [tilespmem:v19+s16+$0x0], $0xffff  }
0x280: {  	s23 =	sadd.s32 $0x10, s21;
	v1 =	vld.idx.msk [tilespmem:v1+s10+$0x0], $0xffff  }
0x281: {  	v5 =	vmov s23  }
0x282: {  	v5 =	vshll.u32 v5, $0x6  }
0x283: {  	s30 =	sadd.s32 $0x20, s21;
	v9 =	vor.u32 v37, v5  }
0x284: {  	v7 =	vmov s30;
	v5 =	vadd.s32 v9, v2  }
0x285: {  	v7 =	vshll.u32 v7, $0x6;
	v5 =	vor.u32 v0, v5;
	v1 =	vsub.f32 v3, v1  }
0x286: {  	v10 =	vor.u32 v37, v7  }
0x287: {  	s31 =	sadd.s32 $0x30, s21;
	v7 =	vadd.s32 v10, v2;
	vm0 =	vle.f32 v1, $3.305183330e-07  }
0x288: {  	v11 =	vmov s31;
	v7 =	vor.u32 v0, v7;
	v1 =	vsel vm0, $0x2, v20  }
0x289: {  	v11 =	vshll.u32 v11, $0x6;
	v4 =	vor.u32 $0x10, v1  }
0x28a: {  	v11 =	vor.u32 v37, v11;
	v5 =	vld.idx.msk [tilespmem:v5+s10+$0x0], $0xffff  }
0x28b: {  	v2 =	vadd.s32 v11, v2  }
0x28c: {  	v0 =	vor.u32 v0, v2  }
0x28d: {  	v33 =	vld.idx.msk [tilespmem:v7+s10+$0x0], $0xffff  }
0x28e: {  	v6 =	vld.idx.msk [tilespmem:v4+s15+$0x0], $0xffff  }
0x28f: {  	v5 =	vsub.f32 v3, v5;
	_ =	sdelay $0x1  }
0x290: {  	v0 =	vld.idx.msk [tilespmem:v0+s10+$0x0], $0xffff;
	vm6 =	vle.f32 v5, $3.305183330e-07  }
0x291: {  	v2 =	vsub.f32 v3, v33;
	v5 =	vsel vm6, $0x2, v20  }
0x292: {  	v34 =	vor.u32 $0x10, v5;
	v12 =	vand.u32 $0xFFFFFFF8, v6  }
0x293: {  	vm7 =	vle.f32 v2, $3.305183330e-07;
	v6 =	vand.u32 $0x7, v6;
	v12 =	vadd.s32 v8, v12  }
0x294: {  	v2 =	vsel vm7, $0x2, v20;
	v6 =	vor.u32 v6, v12  }
0x295: {  	v0 =	vsub.f32 v3, v0;
	v35 =	vor.u32 $0x10, v2;
	_ =	sdelay $0x1  }
0x296: {  	vm1 =	vle.f32 v0, $3.305183330e-07;
	v38 =	vld.idx.msk [tilespmem:v34+s15+$0x0], $0xffff  }
0x297: {  	v40 =	vsel vm1, $0x2, v20;
	v4 =	vld.idx.msk [tilespmem:v4+s16+$0x0], $0xffff  }
0x298: {  	v41 =	vor.u32 $0x10, v40;
	v6 =	vld.idx.msk [tilespmem:v6+s10+$0x0], $0xffff  }
0x299: {  	v13 =	vld.idx.msk [tilespmem:v35+s15+$0x0], $0xffff;
	_ =	sdelay $0x1  }
0x29a: {  	v14 =	vand.u32 $0xFFFFFFF8, v38  }
0x29b: {  	v3 =	vand.u32 $0x7, v38;
	v14 =	vadd.s32 v9, v14  }
0x29c: {  	v43 =	vld.idx.msk [tilespmem:v41+s15+$0x0], $0xffff;
	v3 =	vor.u32 v3, v14;
	v4 =	vsub.f32 v4, v6  }
0x29d: {  	v16 =	vand.u32 $0xFFFFFFF8, v13  }
0x29e: {  	v13 =	vand.u32 $0x7, v13;
	v16 =	vadd.s32 v10, v16;
	vm8 =	vle.f32 v4, $3.305183330e-07  }
0x29f: {  	v1 =	vshll.u32 v1, $0x1;
	v13 =	vor.u32 v13, v16;
	v39 =	vsel vm8, $0x1, v18  }
0x2a0: {  	v7 =	vld.idx.msk [tilespmem:v34+s16+$0x0], $0xffff;
	v0 =	vor.u32 v1, v39  }
0x2a1: {  	v16 =	vand.u32 $0xFFFFFFF8, v43;
	v3 =	vld.idx.msk [tilespmem:v3+s10+$0x0], $0xffff;
	v42 =	vadd.s32 $0x11, v0  }
0x2a2: {  	v14 =	vand.u32 $0x7, v43;
	v16 =	vadd.s32 v11, v16  }
0x2a3: {  	v14 =	vor.u32 v14, v16  }
0x2a4: {  	v13 =	vld.idx.msk [tilespmem:v13+s10+$0x0], $0xffff  }
0x2a5: {  	v6 =	vld.idx.msk [tilespmem:v35+s16+$0x0], $0xffff  }
0x2a6: {  	v3 =	vsub.f32 v7, v3;
	v15 =	vld.idx.msk [tilespmem:v42+s15+$0x0], $0xffff;
	_ =	sdelay $0x1  }
0x2a7: {  	v45 =	vld.idx.msk [tilespmem:v14+s10+$0x0], $0xffff;
	vm9 =	vle.f32 v3, $3.305183330e-07  }
0x2a8: {  	v5 =	vshll.u32 v5, $0x1;
	v3 =	vsel vm9, $0x1, v18;
	v1 =	vld.idx.msk [tilespmem:v41+s16+$0x0], $0xffff  }
0x2a9: {  	v3 =	vor.u32 v5, v3;
	v47 =	vsub.f32 v6, v13  }
0x2aa: {  	v48 =	vadd.s32 $0x11, v3;
	v17 =	vand.u32 $0xFFFFFFF8, v15  }
0x2ab: {  	vm10 =	vle.f32 v47, $3.305183330e-07;
	v15 =	vand.u32 $0x7, v15;
	v17 =	vadd.s32 v8, v17  }
0x2ac: {  	v2 =	vshll.u32 v2, $0x1;
	v5 =	vsel vm10, $0x1, v18;
	v15 =	vor.u32 v15, v17  }
0x2ad: {  	v2 =	vor.u32 v2, v5;
	v1 =	vsub.f32 v1, v45  }
0x2ae: {  	v50 =	vadd.s32 $0x11, v2  }
0x2af: {  	v51 =	vld.idx.msk [tilespmem:v48+s15+$0x0], $0xffff;
	vm11 =	vle.f32 v1, $3.305183330e-07  }
0x2b0: {  	v4 =	vshll.u32 v40, $0x1;
	v44 =	vld.idx.msk [tilespmem:v42+s16+$0x0], $0xffff;
	v1 =	vsel vm11, $0x1, v18  }
0x2b1: {  	v1 =	vor.u32 v4, v1;
	v46 =	vld.idx.msk [tilespmem:v15+s10+$0x0], $0xffff  }
0x2b2: {  	v4 =	vadd.s32 $0x11, v1  }
0x2b3: {  	v52 =	vld.idx.msk [tilespmem:v50+s15+$0x0], $0xffff  }
0x2b4: {  	v53 =	vand.u32 $0xFFFFFFF8, v51  }
0x2b5: {  	v12 =	vand.u32 $0x7, v51;
	v14 =	vadd.s32 v9, v53  }
0x2b6: {  	v12 =	vor.u32 v12, v14;
	v49 =	vsub.f32 v44, v46  }
0x2b7: {  	v0 =	vadd.s32 $0x1, v0;
	v54 =	vld.idx.msk [tilespmem:v4+s15+$0x0], $0xffff  }
0x2b8: {  	v0 =	vshll.u32 v0, $0x1;
	v16 =	vand.u32 $0xFFFFFFF8, v52;
	vm12 =	vle.f32 v49, $3.305183330e-07  }
0x2b9: {  	v13 =	vand.u32 $0x7, v52;
	v16 =	vadd.s32 v10, v16;
	v5 =	vsel vm12, $0x1, v18  }
0x2ba: {  	v6 =	vld.idx.msk [tilespmem:v48+s16+$0x0], $0xffff;
	v13 =	vor.u32 v13, v16;
	v0 =	vor.u32 v0, v5  }
0x2bb: {  	v12 =	vld.idx.msk [tilespmem:v12+s10+$0x0], $0xffff;
	v5 =	vadd.s32 $0x11, v0  }
0x2bc: {  	v16 =	vand.u32 $0xFFFFFFF8, v54  }
0x2bd: {  	v14 =	vand.u32 $0x7, v54;
	v16 =	vadd.s32 v11, v16  }
0x2be: {  	v7 =	vld.idx.msk [tilespmem:v50+s16+$0x0], $0xffff;
	v14 =	vor.u32 v14, v16  }
0x2bf: {  	v13 =	vld.idx.msk [tilespmem:v13+s10+$0x0], $0xffff  }
0x2c0: {  	v6 =	vsub.f32 v6, v12;
	v55 =	vld.idx.msk [tilespmem:v5+s15+$0x0], $0xffff;
	_ =	sdelay $0x1  }
0x2c1: {  	v3 =	vadd.s32 $0x1, v3;
	v4 =	vld.idx.msk [tilespmem:v4+s16+$0x0], $0xffff;
	vm13 =	vle.f32 v6, $3.305183330e-07  }
0x2c2: {  	v3 =	vshll.u32 v3, $0x1;
	v6 =	vsel vm13, $0x1, v18;
	v56 =	vld.idx.msk [tilespmem:v14+s10+$0x0], $0xffff  }
0x2c3: {  	v3 =	vor.u32 v3, v6  }
0x2c4: {  	v58 =	vsub.f32 v7, v13;
	v59 =	vadd.s32 $0x11, v3;
	v17 =	vand.u32 $0xFFFFFFF8, v55  }
0x2c5: {  	v15 =	vand.u32 $0x7, v55;
	v16 =	vadd.s32 v8, v17  }
0x2c6: {  	v2 =	vadd.s32 $0x1, v2;
	vm14 =	vle.f32 v58, $3.305183330e-07;
	v15 =	vor.u32 v15, v16  }
0x2c7: {  	v2 =	vshll.u32 v2, $0x1;
	v6 =	vsel vm14, $0x1, v18;
	v4 =	vsub.f32 v4, v56  }
0x2c8: {  	v2 =	vor.u32 v2, v6  }
0x2c9: {  	v1 =	vadd.s32 $0x1, v1;
	v6 =	vadd.s32 $0x11, v2;
	v60 =	vld.idx.msk [tilespmem:v59+s15+$0x0], $0xffff;
	vm15 =	vle.f32 v4, $3.305183330e-07  }
0x2ca: {  	v1 =	vshll.u32 v1, $0x1;
	v5 =	vld.idx.msk [tilespmem:v5+s16+$0x0], $0xffff;
	v4 =	vsel vm15, $0x1, v18  }
0x2cb: {  	v1 =	vor.u32 v1, v4;
	v57 =	vld.idx.msk [tilespmem:v15+s10+$0x0], $0xffff  }
0x2cc: {  	v4 =	vadd.s32 $0x11, v1;
	_ =	sdelay $0x1  }
0x2cd: {  	v61 =	vld.idx.msk [tilespmem:v6+s15+$0x0], $0xffff;
	v63 =	vand.u32 $0xFFFFFFF8, v60  }
0x2ce: {  	v12 =	vand.u32 $0x7, v60;
	v14 =	vadd.s32 v9, v63  }
0x2cf: {  	v12 =	vor.u32 v12, v14;
	v5 =	vsub.f32 v5, v57  }
0x2d0: {  	v24 =	vld.idx.msk [tilespmem:v4+s15+$0x0], $0xffff  }
0x2d1: {  	vm4 =	vle.f32 v5, $3.305183330e-07  }
0x2d2: {  	v0 =	vshll.u32 v0, $0x1;
	v25 =	vand.u32 $0xFFFFFFF8, v61;
	v5 =	vsel vm4, $0x1, v18  }
0x2d3: {  	v7 =	vld.idx.msk [tilespmem:v59+s16+$0x0], $0xffff;
	v15 =	vadd.s32 v10, v25;
	v0 =	vor.u32 v5, v0;
	v5 =	vand.u32 $0x7, v61  }
0x2d4: {  	v12 =	vld.idx.msk [tilespmem:v12+s10+$0x0], $0xffff;
	v0 =	vadd.s32 $0x2, v0;
	v5 =	vor.u32 v5, v15  }
0x2d5: {  	v26 =	vand.u32 $0xFFFFFFF8, v24;
	v62 =	vadd.s32 $0x11, v0  }
0x2d6: {  	v14 =	vand.u32 $0x7, v24;
	v15 =	vadd.s32 v11, v26  }
0x2d7: {  	v14 =	vor.u32 v14, v15  }
0x2d8: {  	v6 =	vld.idx.msk [tilespmem:v6+s16+$0x0], $0xffff  }
0x2d9: {  	v7 =	vsub.f32 v7, v12;
	v5 =	vld.idx.msk [tilespmem:v5+s10+$0x0], $0xffff  }
0x2da: {  	v16 =	vld.idx.msk [tilespmem:v62+s15+$0x0], $0xffff  }
0x2db: {  	v4 =	vld.idx.msk [tilespmem:v4+s16+$0x0], $0xffff;
	vm5 =	vle.f32 v7, $3.305183330e-07  }
0x2dc: {  	v3 =	vshll.u32 v3, $0x1;
	v7 =	vsel vm5, $0x1, v18;
	v28 =	vld.idx.msk [tilespmem:v14+s10+$0x0], $0xffff  }
0x2dd: {  	v3 =	vor.u32 v7, v3  }
0x2de: {  	v3 =	vadd.s32 $0x2, v3;
	v5 =	vsub.f32 v6, v5  }
0x2df: {  	v2 =	vshll.u32 v2, $0x1;
	v30 =	vadd.s32 $0x11, v3;
	v27 =	vand.u32 $0xFFFFFFF8, v16  }
0x2e0: {  	v16 =	vand.u32 $0x7, v16;
	v15 =	vadd.s32 v8, v27;
	vm6 =	vle.f32 v5, $3.305183330e-07  }
0x2e1: {  	v4 =	vsub.f32 v4, v28;
	v15 =	vor.u32 v16, v15;
	v5 =	vsel vm6, $0x1, v18  }
0x2e2: {  	v2 =	vor.u32 v5, v2  }
0x2e3: {  	vm7 =	vle.f32 v4, $3.305183330e-07;
	v2 =	vadd.s32 $0x2, v2  }
0x2e4: {  	v1 =	vshll.u32 v1, $0x1;
	v13 =	vld.idx.msk [tilespmem:v62+s16+$0x0], $0xffff;
	v34 =	vsel vm7, $0x1, v18;
	v32 =	vadd.s32 $0x11, v2  }
0x2e5: {  	v33 =	vld.idx.msk [tilespmem:v30+s15+$0x0], $0xffff;
	v1 =	vor.u32 v34, v1  }
0x2e6: {  	v1 =	vadd.s32 $0x2, v1;
	v29 =	vld.idx.msk [tilespmem:v15+s10+$0x0], $0xffff  }
0x2e7: {  	v35 =	vadd.s32 $0x11, v1;
	_ =	sdelay $0x1  }
0x2e8: {  	v38 =	vld.idx.msk [tilespmem:v32+s15+$0x0], $0xffff  }
0x2e9: {  	v40 =	vand.u32 $0xFFFFFFF8, v33  }
0x2ea: {  	v14 =	vadd.s32 v9, v40;
	v4 =	vand.u32 $0x7, v33;
	v31 =	vsub.f32 v13, v29  }
0x2eb: {  	v4 =	vor.u32 v4, v14;
	v41 =	vld.idx.msk [tilespmem:v35+s15+$0x0], $0xffff  }
0x2ec: {  	vm8 =	vle.f32 v31, $3.305183330e-07  }
0x2ed: {  	v0 =	vshll.u32 v0, $0x1;
	v5 =	vsel vm8, $0x1, v18;
	v42 =	vand.u32 $0xFFFFFFF8, v38  }
0x2ee: {  	v12 =	vand.u32 $0x7, v38;
	v0 =	vor.u32 v5, v0;
	v15 =	vadd.s32 v10, v42  }
0x2ef: {  	v7 =	vld.idx.msk [tilespmem:v30+s16+$0x0], $0xffff;
	v0 =	vadd.s32 $0x2, v0;
	v12 =	vor.u32 v12, v15  }
0x2f0: {  	v4 =	vld.idx.msk [tilespmem:v4+s10+$0x0], $0xffff;
	v43 =	vand.u32 $0xFFFFFFF8, v41;
	v39 =	vadd.s32 $0x11, v0  }
0x2f1: {  	v14 =	vand.u32 $0x7, v41;
	v15 =	vadd.s32 v11, v43  }
0x2f2: {  	v14 =	vor.u32 v14, v15  }
0x2f3: {  	v6 =	vld.idx.msk [tilespmem:v32+s16+$0x0], $0xffff  }
0x2f4: {  	v12 =	vld.idx.msk [tilespmem:v12+s10+$0x0], $0xffff  }
0x2f5: {  	v4 =	vsub.f32 v7, v4;
	v16 =	vld.idx.msk [tilespmem:v39+s15+$0x0], $0xffff  }
0x2f6: {  	v45 =	vld.idx.msk [tilespmem:v35+s16+$0x0], $0xffff  }
0x2f7: {  	vm9 =	vle.f32 v4, $3.305183330e-07;
	v47 =	vld.idx.msk [tilespmem:v14+s10+$0x0], $0xffff  }
0x2f8: {  	v3 =	vshll.u32 v3, $0x1;
	v46 =	vsel vm9, $0x1, v18  }
0x2f9: {  	v3 =	vor.u32 v46, v3;
	v48 =	vsub.f32 v6, v12  }
0x2fa: {  	v2 =	vshll.u32 v2, $0x1;
	v3 =	vadd.s32 $0x2, v3;
	v44 =	vand.u32 $0xFFFFFFF8, v16  }
0x2fb: {  	v16 =	vand.u32 $0x7, v16;
	v15 =	vadd.s32 v8, v44;
	vm10 =	vle.f32 v48, $3.305183330e-07  }
0x2fc: {  	v4 =	vsub.f32 v45, v47;
	v15 =	vor.u32 v16, v15;
	v5 =	vsel vm10, $0x1, v18  }
0x2fd: {  	v50 =	vadd.s32 $0x11, v3;
	v2 =	vor.u32 v5, v2  }
0x2fe: {  	vm11 =	vle.f32 v4, $3.305183330e-07;
	v2 =	vadd.s32 $0x2, v2  }
0x2ff: {  	v1 =	vshll.u32 v1, $0x1;
	v54 =	vsel vm11, $0x1, v18;
	v52 =	vadd.s32 $0x11, v2  }
0x300: {  	v13 =	vld.idx.msk [tilespmem:v39+s16+$0x0], $0xffff;
	v1 =	vor.u32 v54, v1  }
0x301: {  	v1 =	vadd.s32 $0x2, v1;
	v49 =	vld.idx.msk [tilespmem:v15+s10+$0x0], $0xffff  }
0x302: {  	v53 =	vld.idx.msk [tilespmem:v50+s15+$0x0], $0xffff;
	v55 =	vadd.s32 $0x11, v1;
	_ =	sdelay $0x1  }
0x303: {  	v56 =	vld.idx.msk [tilespmem:v52+s15+$0x0], $0xffff;
	_ =	sdelay $0x1  }
0x304: {  	v51 =	vsub.f32 v13, v49  }
0x305: {  	v0 =	vshll.u32 v0, $0x1;
	v57 =	vand.u32 $0xFFFFFFF8, v53;
	v58 =	vld.idx.msk [tilespmem:v55+s15+$0x0], $0xffff  }
0x306: {  	v4 =	vand.u32 $0x7, v53;
	v13 =	vadd.s32 v9, v57;
	vm12 =	vle.f32 v51, $3.305183330e-07  }
0x307: {  	v4 =	vor.u32 v4, v13;
	v5 =	vsel vm12, $0x1, v18;
	v59 =	vand.u32 $0xFFFFFFF8, v56  }
0x308: {  	v7 =	vand.u32 $0x7, v56;
	v0 =	vor.u32 v5, v0;
	v14 =	vadd.s32 v10, v59  }
0x309: {  	v0 =	vadd.s32 $0xFFFFFFC2, v0;
	v7 =	vor.u32 v7, v14  }
0x30a: {  	v60 =	vand.u32 $0xFFFFFFF8, v58;
	v0 =	vadd.s32 $0x2, v0  }
0x30b: {  	v12 =	vld.idx.msk [tilespmem:v50+s16+$0x0], $0xffff;
	v13 =	vand.u32 $0x7, v58;
	v14 =	vadd.s32 v11, v60  }
0x30c: {  	v6 =	vld.idx.msk [tilespmem:v52+s16+$0x0], $0xffff;
	v13 =	vor.u32 v13, v14  }
0x30d: {  	v4 =	vld.idx.msk [tilespmem:v4+s10+$0x0], $0xffff  }
0x30e: {  	v7 =	vld.idx.msk [tilespmem:v7+s10+$0x0], $0xffff  }
0x30f: {  	v0 =	vld.idx.msk [tilespmem:v0+s11+$0x0], $0xffff  }
0x310: {  	v63 =	vld.idx.msk [tilespmem:v55+s16+$0x0], $0xffff  }
0x311: {  	v25 =	vld.idx.msk [tilespmem:v13+s10+$0x0], $0xffff  }
0x312: {  	v61 =	vsub.f32 v12, v4;
	_ =	sdelay $0x1  }
0x313: {  	vm13 =	vle.f32 v61, $3.305183330e-07;
	v26 =	vsub.f32 v6, v7;
	[tilespmem:s22+$0xFFFFFC00] =	vst v0  }
0x314: {  	v3 =	vshll.u32 v3, $0x1;
	v24 =	vsel vm13, $0x1, v18;
	v62 =	vld.idx.msk [tilespmem:v21+s15+$0x0], $0xffff  }
0x315: {  	v3 =	vor.u32 v24, v3;
	v0 =	vsub.f32 v63, v25;
	vm14 =	vle.f32 v26, $3.305183330e-07  }
0x316: {  	v2 =	vshll.u32 v2, $0x1;
	v3 =	vadd.s32 $0xFFFFFFC4, v3;
	v5 =	vsel vm14, $0x1, v18  }
0x317: {  	vm15 =	vle.f32 v0, $3.305183330e-07;
	v2 =	vor.u32 v5, v2  }
0x318: {  	v29 =	vshll.u32 v1, $0x1;
	v30 =	vsel vm15, $0x1, v18;
	v2 =	vadd.s32 $0xFFFFFFC4, v2  }
0x319: {  	v0 =	vor.u32 v30, v29;
	v27 =	vand.u32 $0xFFFFFFF8, v62  }
0x31a: {  	v0 =	vadd.s32 $0xFFFFFFC4, v0;
	v4 =	vand.u32 $0x7, v62;
	v28 =	vadd.s32 v8, v27  }
0x31b: {  	v3 =	vld.idx.msk [tilespmem:v3+s11+$0x0], $0xffff;
	v4 =	vor.u32 v4, v28;
	_ =	sdelay $0x1  }
0x31c: {  	v2 =	vld.idx.msk [tilespmem:v2+s11+$0x0], $0xffff  }
0x31d: {  	v31 =	vld.idx.msk [tilespmem:v21+s16+$0x0], $0xffff  }
0x31e: {  	v0 =	vld.idx.msk [tilespmem:v0+s11+$0x0], $0xffff  }
0x31f: {  	[tilespmem:s22+$0xFFFFFC10] =	vst v3;
	v4 =	vld.idx.msk [tilespmem:v4+s10+$0x0], $0xffff  }
0x320: {  	v3 =	vld.idx.msk [tilespmem:v21+s15+$0x0], $0xffff  }
0x321: {  	[tilespmem:s22+$0xFFFFFC20] =	vst v2  }
0x322: {  	v2 =	vld.idx.msk [tilespmem:v21+s15+$0x0], $0xffff  }
0x323: {  	[tilespmem:s22+$0xFFFFFC30] =	vst v0  }
0x324: {  	v39 =	vld.idx.msk [tilespmem:v21+s15+$0x0], $0xffff;
	v1 =	vsub.f32 v31, v4  }
0x325: {  	v32 =	vand.u32 $0xFFFFFFF8, v3  }
0x326: {  	v33 =	vand.u32 $0x7, v3;
	v34 =	vadd.s32 v9, v32;
	vm4 =	vle.f32 v1, $3.305183330e-07  }
0x327: {  	v1 =	vor.u32 v33, v34;
	v40 =	vand.u32 $0xFFFFFFF8, v2;
	v35 =	vsel vm4, $0x2, v20  }
0x328: {  	v2 =	vand.u32 $0x7, v2;
	v5 =	vadd.s32 v10, v40;
	v38 =	vadd.s32 $0x4F, v35  }
0x329: {  	v43 =	vand.u32 $0xFFFFFFF8, v39;
	v2 =	vor.u32 v2, v5  }
0x32a: {  	v41 =	vld.idx.msk [tilespmem:v21+s16+$0x0], $0xffff;
	v3 =	vand.u32 $0x7, v39;
	v7 =	vadd.s32 v11, v43  }
0x32b: {  	v44 =	vld.idx.msk [tilespmem:v21+s16+$0x0], $0xffff;
	v3 =	vor.u32 v3, v7  }
0x32c: {  	v1 =	vld.idx.msk [tilespmem:v1+s10+$0x0], $0xffff  }
0x32d: {  	v42 =	vld.idx.msk [tilespmem:v38+s15+$0x0], $0xffff  }
0x32e: {  	v2 =	vld.idx.msk [tilespmem:v2+s10+$0x0], $0xffff  }
0x32f: {  	v46 =	vld.idx.msk [tilespmem:v21+s16+$0x0], $0xffff  }
0x330: {  	v3 =	vld.idx.msk [tilespmem:v3+s10+$0x0], $0xffff  }
0x331: {  	v1 =	vsub.f32 v41, v1  }
0x332: {  	v45 =	vand.u32 $0xFFFFFFF8, v42;
	v5 =	vand.u32 $0x7, v42  }
0x333: {  	vm5 =	vle.f32 v1, $3.305183330e-07;
	v2 =	vsub.f32 v44, v2;
	v6 =	vadd.s32 v8, v45  }
0x334: {  	v47 =	vsel vm5, $0x2, v20;
	v5 =	vor.u32 v5, v6  }
0x335: {  	v1 =	vsub.f32 v46, v3;
	v48 =	vadd.s32 $0x4F, v47;
	vm6 =	vle.f32 v2, $3.305183330e-07  }
0x336: {  	v2 =	vsel vm6, $0x2, v20  }
0x337: {  	vm7 =	vle.f32 v1, $3.305183330e-07;
	v49 =	vadd.s32 $0x4F, v2  }
0x338: {  	v0 =	vld.idx.msk [tilespmem:v38+s16+$0x0], $0xffff;
	v1 =	vsel vm7, $0x2, v20  }
0x339: {  	v51 =	vadd.s32 $0x4F, v1;
	v5 =	vld.idx.msk [tilespmem:v5+s10+$0x0], $0xffff  }
0x33a: {  	v50 =	vld.idx.msk [tilespmem:v48+s15+$0x0], $0xffff;
	_ =	sdelay $0x1  }
0x33b: {  	v52 =	vld.idx.msk [tilespmem:v49+s15+$0x0], $0xffff;
	_ =	sdelay $0x1  }
0x33c: {  	v58 =	vld.idx.msk [tilespmem:v51+s15+$0x0], $0xffff  }
0x33d: {  	v0 =	vsub.f32 v0, v5;
	v53 =	vand.u32 $0xFFFFFFF8, v50  }
0x33e: {  	v4 =	vshll.u32 v35, $0x1;
	v54 =	vand.u32 $0x7, v50;
	v55 =	vadd.s32 v9, v53  }
0x33f: {  	vm8 =	vle.f32 v0, $3.305183330e-07;
	v0 =	vor.u32 v54, v55;
	v59 =	vand.u32 $0xFFFFFFF8, v52  }
0x340: {  	v5 =	vand.u32 $0x7, v52;
	v56 =	vsel vm8, $0x1, v18;
	v15 =	vadd.s32 v10, v59  }
0x341: {  	v60 =	vand.u32 $0xFFFFFFF8, v58;
	v57 =	vor.u32 v4, v56;
	v5 =	vor.u32 v5, v15  }
0x342: {  	v7 =	vld.idx.msk [tilespmem:v48+s16+$0x0], $0xffff;
	v4 =	vand.u32 $0x7, v58;
	v15 =	vadd.s32 v11, v60;
	v14 =	vor.u32 $0x50, v57  }
0x343: {  	v12 =	vld.idx.msk [tilespmem:v49+s16+$0x0], $0xffff;
	v4 =	vor.u32 v4, v15  }
0x344: {  	v0 =	vld.idx.msk [tilespmem:v0+s10+$0x0], $0xffff  }
0x345: {  	v61 =	vld.idx.msk [tilespmem:v51+s16+$0x0], $0xffff  }
0x346: {  	v5 =	vld.idx.msk [tilespmem:v5+s10+$0x0], $0xffff  }
0x347: {  	v16 =	vld.idx.msk [tilespmem:v14+s15+$0x0], $0xffff  }
0x348: {  	v4 =	vld.idx.msk [tilespmem:v4+s10+$0x0], $0xffff  }
0x349: {  	v0 =	vsub.f32 v7, v0;
	_ =	sdelay $0x1  }
0x34a: {  	v6 =	vshll.u32 v47, $0x1;
	vm9 =	vle.f32 v0, $3.305183330e-07  }
0x34b: {  	v5 =	vsub.f32 v12, v5;
	v62 =	vsel vm9, $0x1, v18;
	v63 =	vand.u32 $0xFFFFFFF8, v16  }
0x34c: {  	v24 =	vand.u32 $0x7, v16;
	v0 =	vsub.f32 v61, v4;
	v25 =	vadd.s32 v8, v63  }
0x34d: {  	v6 =	vor.u32 v6, v62;
	vm10 =	vle.f32 v5, $3.305183330e-07;
	v7 =	vor.u32 v24, v25  }
0x34e: {  	v2 =	vshll.u32 v2, $0x1;
	v26 =	vor.u32 $0x50, v6;
	v5 =	vsel vm10, $0x1, v18  }
0x34f: {  	vm11 =	vle.f32 v0, $3.305183330e-07;
	v2 =	vor.u32 v2, v5  }
0x350: {  	v1 =	vshll.u32 v1, $0x1;
	v30 =	vsel vm11, $0x1, v18;
	v5 =	vor.u32 $0x50, v2  }
0x351: {  	v27 =	vld.idx.msk [tilespmem:v14+s16+$0x0], $0xffff;
	v1 =	vor.u32 v1, v30  }
0x352: {  	v29 =	vld.idx.msk [tilespmem:v7+s10+$0x0], $0xffff;
	v7 =	vor.u32 $0x50, v1  }
0x353: {  	v28 =	vld.idx.msk [tilespmem:v26+s15+$0x0], $0xffff;
	_ =	sdelay $0x1  }
0x354: {  	v31 =	vld.idx.msk [tilespmem:v5+s15+$0x0], $0xffff;
	_ =	sdelay $0x1  }
0x355: {  	v35 =	vld.idx.msk [tilespmem:v7+s15+$0x0], $0xffff  }
0x356: {  	v3 =	vadd.s32 $0x1, v57;
	v32 =	vand.u32 $0xFFFFFFF8, v28;
	v0 =	vsub.f32 v27, v29  }
0x357: {  	v3 =	vshll.u32 v3, $0x1;
	v33 =	vand.u32 $0x7, v28;
	v34 =	vadd.s32 v9, v32  }
0x358: {  	v4 =	vor.u32 v33, v34;
	vm12 =	vle.f32 v0, $3.305183330e-07;
	v39 =	vand.u32 $0xFFFFFFF8, v31  }
0x359: {  	v14 =	vand.u32 $0x7, v31;
	v38 =	vsel vm12, $0x1, v18;
	v15 =	vadd.s32 v10, v39  }
0x35a: {  	v3 =	vor.u32 v3, v38;
	v41 =	vor.u32 v14, v15;
	v43 =	vand.u32 $0xFFFFFFF8, v35  }
0x35b: {  	v40 =	vld.idx.msk [tilespmem:v26+s16+$0x0], $0xffff;
	v42 =	vadd.s32 $0x50, v3;
	v0 =	vand.u32 $0x7, v35;
	v15 =	vadd.s32 v11, v43  }
0x35c: {  	v5 =	vld.idx.msk [tilespmem:v5+s16+$0x0], $0xffff;
	v0 =	vor.u32 v0, v15  }
0x35d: {  	v4 =	vld.idx.msk [tilespmem:v4+s10+$0x0], $0xffff  }
0x35e: {  	v45 =	vld.idx.msk [tilespmem:v7+s16+$0x0], $0xffff  }
0x35f: {  	v13 =	vld.idx.msk [tilespmem:v41+s10+$0x0], $0xffff  }
0x360: {  	v44 =	vld.idx.msk [tilespmem:v42+s15+$0x0], $0xffff  }
0x361: {  	v0 =	vld.idx.msk [tilespmem:v0+s10+$0x0], $0xffff  }
0x362: {  	v6 =	vadd.s32 $0x1, v6;
	v2 =	vadd.s32 $0x1, v2;
	v4 =	vsub.f32 v40, v4  }
0x363: {  	v6 =	vshll.u32 v6, $0x1;
	v2 =	vshll.u32 v2, $0x1  }
0x364: {  	v1 =	vadd.s32 $0x1, v1;
	vm13 =	vle.f32 v4, $3.305183330e-07;
	v5 =	vsub.f32 v5, v13  }
0x365: {  	v46 =	vsel vm13, $0x1, v18;
	v47 =	vand.u32 $0xFFFFFFF8, v44;
	v49 =	vand.u32 $0x7, v44  }
0x366: {  	v6 =	vor.u32 v6, v46;
	vm14 =	vle.f32 v5, $3.305183330e-07;
	v0 =	vsub.f32 v45, v0  }
0x367: {  	v50 =	vadd.s32 v8, v47;
	v48 =	vadd.s32 $0x50, v6;
	v51 =	vsel vm14, $0x1, v18  }
0x368: {  	v5 =	vor.u32 v49, v50;
	v2 =	vor.u32 v2, v51;
	vm15 =	vle.f32 v0, $3.305183330e-07  }
0x369: {  	v1 =	vshll.u32 v1, $0x1;
	v52 =	vadd.s32 $0x50, v2;
	v0 =	vsel vm15, $0x1, v18  }
0x36a: {  	v0 =	vor.u32 v1, v0  }
0x36b: {  	v54 =	vld.idx.msk [tilespmem:v42+s16+$0x0], $0xffff;
	v56 =	vadd.s32 $0x50, v0  }
0x36c: {  	v53 =	vld.idx.msk [tilespmem:v48+s15+$0x0], $0xffff  }
0x36d: {  	v55 =	vld.idx.msk [tilespmem:v5+s10+$0x0], $0xffff  }
0x36e: {  	v57 =	vld.idx.msk [tilespmem:v52+s15+$0x0], $0xffff;
	_ =	sdelay $0x1  }
0x36f: {  	v59 =	vld.idx.msk [tilespmem:v56+s15+$0x0], $0xffff  }
0x370: {  	v58 =	vand.u32 $0xFFFFFFF8, v53  }
0x371: {  	v3 =	vadd.s32 $0x1, v3;
	v7 =	vand.u32 $0x7, v53;
	v15 =	vadd.s32 v9, v58  }
0x372: {  	v1 =	vsub.f32 v54, v55;
	v7 =	vor.u32 v7, v15;
	v60 =	vand.u32 $0xFFFFFFF8, v57  }
0x373: {  	v3 =	vshll.u32 v3, $0x1;
	v61 =	vand.u32 $0x7, v57;
	v62 =	vadd.s32 v10, v60  }
0x374: {  	vm4 =	vle.f32 v1, $3.305183330e-07;
	v1 =	vor.u32 v61, v62;
	v25 =	vand.u32 $0xFFFFFFF8, v59  }
0x375: {  	v63 =	vsel vm4, $0x1, v18;
	v13 =	vand.u32 $0x7, v59;
	v15 =	vadd.s32 v11, v25  }
0x376: {  	v12 =	vld.idx.msk [tilespmem:v48+s16+$0x0], $0xffff;
	v3 =	vor.u32 v3, v63;
	v13 =	vor.u32 v13, v15  }
0x377: {  	v24 =	vadd.s32 $0x50, v3;
	v7 =	vld.idx.msk [tilespmem:v7+s10+$0x0], $0xffff  }
0x378: {  	v4 =	vld.idx.msk [tilespmem:v52+s16+$0x0], $0xffff  }
0x379: {  	v1 =	vld.idx.msk [tilespmem:v1+s10+$0x0], $0xffff  }
0x37a: {  	v5 =	vld.idx.msk [tilespmem:v56+s16+$0x0], $0xffff  }
0x37b: {  	v13 =	vld.idx.msk [tilespmem:v13+s10+$0x0], $0xffff  }
0x37c: {  	v6 =	vadd.s32 $0x1, v6;
	v26 =	vld.idx.msk [tilespmem:v24+s15+$0x0], $0xffff;
	v7 =	vsub.f32 v12, v7  }
0x37d: {  	v6 =	vshll.u32 v6, $0x1;
	v2 =	vadd.s32 $0x1, v2  }
0x37e: {  	v0 =	vadd.s32 $0x1, v0;
	vm5 =	vle.f32 v7, $3.305183330e-07;
	v1 =	vsub.f32 v4, v1  }
0x37f: {  	v2 =	vshll.u32 v2, $0x1;
	v0 =	vshll.u32 v0, $0x1;
	v7 =	vsel vm5, $0x1, v18  }
0x380: {  	v6 =	vor.u32 v6, v7;
	vm6 =	vle.f32 v1, $3.305183330e-07;
	v29 =	vsub.f32 v5, v13  }
0x381: {  	v28 =	vand.u32 $0xFFFFFFF8, v26;
	v27 =	vadd.s32 $0x50, v6;
	v1 =	vsel vm6, $0x1, v18  }
0x382: {  	v30 =	vand.u32 $0x7, v26;
	v1 =	vor.u32 v2, v1;
	vm7 =	vle.f32 v29, $3.305183330e-07  }
0x383: {  	v7 =	vadd.s32 v8, v28;
	v31 =	vadd.s32 $0x50, v1;
	v2 =	vsel vm7, $0x1, v18  }
0x384: {  	v5 =	vor.u32 v30, v7;
	v0 =	vor.u32 v0, v2  }
0x385: {  	v34 =	vadd.s32 $0x50, v0  }
0x386: {  	v32 =	vld.idx.msk [tilespmem:v27+s15+$0x0], $0xffff  }
0x387: {  	v33 =	vld.idx.msk [tilespmem:v24+s16+$0x0], $0xffff  }
0x388: {  	v35 =	vld.idx.msk [tilespmem:v31+s15+$0x0], $0xffff  }
0x389: {  	v5 =	vld.idx.msk [tilespmem:v5+s10+$0x0], $0xffff  }
0x38a: {  	v39 =	vld.idx.msk [tilespmem:v34+s15+$0x0], $0xffff  }
0x38b: {  	v38 =	vand.u32 $0xFFFFFFF8, v32  }
0x38c: {  	v7 =	vand.u32 $0x7, v32;
	v15 =	vadd.s32 v9, v38  }
0x38d: {  	v7 =	vor.u32 v7, v15;
	v16 =	vand.u32 $0xFFFFFFF8, v35  }
0x38e: {  	v40 =	vand.u32 $0x7, v35;
	v41 =	vadd.s32 v10, v16  }
0x38f: {  	v2 =	vsub.f32 v33, v5;
	v5 =	vor.u32 v40, v41;
	v44 =	vand.u32 $0xFFFFFFF8, v39  }
0x390: {  	v15 =	vand.u32 $0x7, v39;
	v14 =	vadd.s32 v11, v44  }
0x391: {  	v4 =	vld.idx.msk [tilespmem:v27+s16+$0x0], $0xffff;
	v46 =	vor.u32 v15, v14  }
0x392: {  	v3 =	vadd.s32 $0x1, v3;
	vm8 =	vle.f32 v2, $3.305183330e-07;
	v42 =	vld.idx.msk [tilespmem:v7+s10+$0x0], $0xffff  }
0x393: {  	v3 =	vshll.u32 v3, $0x1;
	v45 =	vld.idx.msk [tilespmem:v31+s16+$0x0], $0xffff;
	v43 =	vsel vm8, $0x1, v18  }
0x394: {  	v3 =	vor.u32 v3, v43;
	v5 =	vld.idx.msk [tilespmem:v5+s10+$0x0], $0xffff  }
0x395: {  	v49 =	vld.idx.msk [tilespmem:v34+s16+$0x0], $0xffff;
	v47 =	vadd.s32 $0x50, v3  }
0x396: {  	v12 =	vld.idx.msk [tilespmem:v46+s10+$0x0], $0xffff  }
0x397: {  	v2 =	vsub.f32 v4, v42;
	_ =	sdelay $0x1  }
0x398: {  	v48 =	vadd.s32 $0x1, v6;
	vm9 =	vle.f32 v2, $3.305183330e-07;
	v5 =	vsub.f32 v45, v5  }
0x399: {  	v1 =	vadd.s32 $0x1, v1;
	v51 =	vld.idx.msk [tilespmem:v47+s15+$0x0], $0xffff;
	v4 =	vshll.u32 v48, $0x1;
	v50 =	vsel vm9, $0x1, v18  }
0x39a: {  	v4 =	vor.u32 v4, v50;
	vm10 =	vle.f32 v5, $3.305183330e-07;
	v2 =	vsub.f32 v49, v12  }
0x39b: {  	v1 =	vshll.u32 v1, $0x1;
	v6 =	vadd.s32 $0x50, v4;
	v5 =	vsel vm10, $0x1, v18  }
0x39c: {  	v0 =	vadd.s32 $0x1, v0;
	v1 =	vor.u32 v1, v5;
	vm11 =	vle.f32 v2, $3.305183330e-07  }
0x39d: {  	v0 =	vshll.u32 v0, $0x1;
	v53 =	vadd.s32 $0x50, v1;
	v57 =	vsel vm11, $0x1, v18  }
0x39e: {  	v52 =	vand.u32 $0xFFFFFFF8, v51;
	v0 =	vor.u32 v0, v57  }
0x39f: {  	v54 =	vand.u32 $0x7, v51;
	v56 =	vadd.s32 v8, v52;
	v5 =	vadd.s32 $0x50, v0  }
0x3a0: {  	v2 =	vor.u32 v54, v56;
	v55 =	vld.idx.msk [tilespmem:v6+s15+$0x0], $0xffff;
	_ =	sdelay $0x1  }
0x3a1: {  	v58 =	vld.idx.msk [tilespmem:v53+s15+$0x0], $0xffff  }
0x3a2: {  	v14 =	vld.idx.msk [tilespmem:v47+s16+$0x0], $0xffff  }
0x3a3: {  	v60 =	vld.idx.msk [tilespmem:v5+s15+$0x0], $0xffff  }
0x3a4: {  	v2 =	vld.idx.msk [tilespmem:v2+s10+$0x0], $0xffff;
	v59 =	vand.u32 $0xFFFFFFF8, v55  }
0x3a5: {  	v13 =	vand.u32 $0x7, v55;
	v15 =	vadd.s32 v9, v59  }
0x3a6: {  	v13 =	vor.u32 v13, v15;
	v16 =	vand.u32 $0xFFFFFFF8, v58  }
0x3a7: {  	v12 =	vand.u32 $0x7, v58;
	v16 =	vadd.s32 v10, v16  }
0x3a8: {  	v3 =	vadd.s32 $0x1, v3;
	v12 =	vor.u32 v12, v16;
	v61 =	vand.u32 $0xFFFFFFF8, v60  }
0x3a9: {  	v2 =	vsub.f32 v14, v2;
	v15 =	vand.u32 $0x7, v60;
	v14 =	vadd.s32 v11, v61  }
0x3aa: {  	v3 =	vshll.u32 v3, $0x1;
	v6 =	vld.idx.msk [tilespmem:v6+s16+$0x0], $0xffff;
	v24 =	vor.u32 v15, v14  }
0x3ab: {  	v62 =	vadd.s32 $0xFFFFFFC2, v3;
	vm12 =	vle.f32 v2, $3.305183330e-07;
	v13 =	vld.idx.msk [tilespmem:v13+s10+$0x0], $0xffff  }
0x3ac: {  	v63 =	vld.idx.msk [tilespmem:v53+s16+$0x0], $0xffff;
	v2 =	vand.u32 $0x6, v62;
	v25 =	vsel vm12, $0x1, v18  }
0x3ad: {  	v26 =	vand.u32 $0xFFFFFFF8, v62;
	v2 =	vor.u32 v25, v2;
	v12 =	vld.idx.msk [tilespmem:v12+s10+$0x0], $0xffff  }
0x3ae: {  	v4 =	vadd.s32 $0x1, v4;
	v1 =	vadd.s32 $0x1, v1;
	v5 =	vld.idx.msk [tilespmem:v5+s16+$0x0], $0xffff;
	v2 =	vor.u32 v2, v26  }
0x3af: {  	v4 =	vshll.u32 v4, $0x1;
	v1 =	vshll.u32 v1, $0x1;
	v2 =	vadd.s32 $0x40, v2;
	v7 =	vld.idx.msk [tilespmem:v24+s10+$0x0], $0xffff  }
0x3b0: {  	v4 =	vadd.s32 $0xFFFFFFC2, v4;
	v1 =	vadd.s32 $0xFFFFFFC2, v1;
	v6 =	vsub.f32 v6, v13  }
0x3b1: {  	v27 =	vand.u32 $0xFFFFFFF8, v4;
	v4 =	vand.u32 $0x6, v4;
	v28 =	vand.u32 $0xFFFFFFF8, v1  }
0x3b2: {  	v0 =	vadd.s32 $0x1, v0;
	vm13 =	vle.f32 v6, $3.305183330e-07;
	v3 =	vsub.f32 v63, v12  }
0x3b3: {  	v1 =	vand.u32 $0x6, v1;
	v0 =	vshll.u32 v0, $0x1;
	v6 =	vsel vm13, $0x1, v18  }
0x3b4: {  	v2 =	vld.idx.msk [tilespmem:v2+s11+$0x0], $0xffff;
	v4 =	vor.u32 v6, v4;
	vm14 =	vle.f32 v3, $3.305183330e-07;
	v29 =	vsub.f32 v5, v7  }
0x3b5: {  	v0 =	vadd.s32 $0xFFFFFFC2, v0;
	v4 =	vor.u32 v4, v27;
	v3 =	vsel vm14, $0x1, v18  }
0x3b6: {  	v4 =	vadd.s32 $0x40, v4;
	v1 =	vor.u32 v3, v1;
	vm15 =	vle.f32 v29, $3.305183330e-07  }
0x3b7: {  	v30 =	vand.u32 $0x6, v0;
	v1 =	vor.u32 v1, v28;
	v3 =	vsel vm15, $0x1, v18  }
0x3b8: {  	v0 =	vand.u32 $0xFFFFFFF8, v0;
	v1 =	vadd.s32 $0x40, v1;
	v3 =	vor.u32 v3, v30  }
0x3b9: {  	[tilespmem:s22+$0xFFFFFE00] =	vst v2;
	v0 =	vor.u32 v3, v0  }
0x3ba: {  	v2 =	vld.idx.msk [tilespmem:v22+s15+$0x0], $0xffff;
	v0 =	vadd.s32 $0x40, v0  }
0x3bb: {  	v4 =	vld.idx.msk [tilespmem:v4+s11+$0x0], $0xffff;
	_ =	sdelay $0x1  }
0x3bc: {  	v1 =	vld.idx.msk [tilespmem:v1+s11+$0x0], $0xffff;
	_ =	sdelay $0x1  }
0x3bd: {  	v32 =	vand.u32 $0xFFFFFFF8, v2;
	v0 =	vld.idx.msk [tilespmem:v0+s11+$0x0], $0xffff  }
0x3be: {  	v2 =	vand.u32 $0x7, v2;
	[tilespmem:s22+$0xFFFFFE10] =	vst v4;
	v4 =	vadd.s32 v8, v32  }
0x3bf: {  	v31 =	vld.idx.msk [tilespmem:v22+s15+$0x0], $0xffff;
	v33 =	vor.u32 v2, v4  }
0x3c0: {  	[tilespmem:s22+$0xFFFFFE20] =	vst v1  }
0x3c1: {  	v34 =	vld.idx.msk [tilespmem:v22+s15+$0x0], $0xffff  }
0x3c2: {  	v38 =	vld.idx.msk [tilespmem:v22+s16+$0x0], $0xffff;
	[tilespmem:s22+$0xFFFFFE30] =	vst v0  }
0x3c3: {  	v40 =	vld.idx.msk [tilespmem:v22+s15+$0x0], $0xffff  }
0x3c4: {  	v35 =	vand.u32 $0xFFFFFFF8, v31;
	v1 =	vld.idx.msk [tilespmem:v33+s10+$0x0], $0xffff  }
0x3c5: {  	v3 =	vand.u32 $0x7, v31;
	v4 =	vadd.s32 v9, v35  }
0x3c6: {  	v39 =	vor.u32 v3, v4;
	v41 =	vand.u32 $0xFFFFFFF8, v34  }
0x3c7: {  	v2 =	vand.u32 $0x7, v34;
	v4 =	vadd.s32 v10, v41  }
0x3c8: {  	v2 =	vor.u32 v2, v4;
	v43 =	vand.u32 $0xFFFFFFF8, v40  }
0x3c9: {  	v1 =	vsub.f32 v38, v1;
	v3 =	vand.u32 $0x7, v40;
	v44 =	vadd.s32 v11, v43  }
0x3ca: {  	v42 =	vld.idx.msk [tilespmem:v22+s16+$0x0], $0xffff;
	v3 =	vor.u32 v3, v44  }
0x3cb: {  	v0 =	vld.idx.msk [tilespmem:v39+s10+$0x0], $0xffff;
	vm4 =	vle.f32 v1, $3.305183330e-07  }
0x3cc: {  	v45 =	vld.idx.msk [tilespmem:v22+s16+$0x0], $0xffff;
	v47 =	vsel vm4, $0x2, v20  }
0x3cd: {  	v46 =	vld.idx.msk [tilespmem:v2+s10+$0x0], $0xffff;
	v48 =	vadd.s32 $0x8E, v47  }
0x3ce: {  	v49 =	vld.idx.msk [tilespmem:v22+s16+$0x0], $0xffff  }
0x3cf: {  	v50 =	vld.idx.msk [tilespmem:v3+s10+$0x0], $0xffff  }
0x3d0: {  	v0 =	vsub.f32 v42, v0;
	_ =	sdelay $0x1  }
0x3d1: {  	vm5 =	vle.f32 v0, $3.305183330e-07;
	v1 =	vsub.f32 v45, v46;
	v53 =	vld.idx.msk [tilespmem:v48+s15+$0x0], $0xffff  }
0x3d2: {  	v51 =	vsel vm5, $0x2, v20  }
0x3d3: {  	v52 =	vadd.s32 $0x8E, v51;
	vm6 =	vle.f32 v1, $3.305183330e-07;
	v0 =	vsub.f32 v49, v50  }
0x3d4: {  	v1 =	vsel vm6, $0x2, v20  }
0x3d5: {  	v54 =	vadd.s32 $0x8E, v1;
	vm7 =	vle.f32 v0, $3.305183330e-07  }
0x3d6: {  	v56 =	vand.u32 $0xFFFFFFF8, v53;
	v57 =	vsel vm7, $0x2, v20  }
0x3d7: {  	v7 =	vand.u32 $0x7, v53;
	v0 =	vadd.s32 v8, v56;
	v58 =	vadd.s32 $0x8E, v57  }
0x3d8: {  	v55 =	vld.idx.msk [tilespmem:v52+s15+$0x0], $0xffff;
	v0 =	vor.u32 v7, v0;
	_ =	sdelay $0x1  }
0x3d9: {  	v59 =	vld.idx.msk [tilespmem:v54+s15+$0x0], $0xffff  }
0x3da: {  	v5 =	vld.idx.msk [tilespmem:v48+s16+$0x0], $0xffff  }
0x3db: {  	v61 =	vld.idx.msk [tilespmem:v58+s15+$0x0], $0xffff  }
0x3dc: {  	v60 =	vand.u32 $0xFFFFFFF8, v55;
	v0 =	vld.idx.msk [tilespmem:v0+s10+$0x0], $0xffff  }
0x3dd: {  	v4 =	vand.u32 $0x7, v55;
	v15 =	vadd.s32 v9, v60  }
0x3de: {  	v4 =	vor.u32 v4, v15;
	v16 =	vand.u32 $0xFFFFFFF8, v59  }
0x3df: {  	v7 =	vand.u32 $0x7, v59;
	v16 =	vadd.s32 v10, v16  }
0x3e0: {  	v7 =	vor.u32 v7, v16;
	v16 =	vand.u32 $0xFFFFFFF8, v61  }
0x3e1: {  	v0 =	vsub.f32 v5, v0;
	v62 =	vand.u32 $0x7, v61;
	v63 =	vadd.s32 v11, v16  }
0x3e2: {  	v6 =	vld.idx.msk [tilespmem:v52+s16+$0x0], $0xffff;
	v5 =	vor.u32 v62, v63  }
0x3e3: {  	v4 =	vld.idx.msk [tilespmem:v4+s10+$0x0], $0xffff;
	vm8 =	vle.f32 v0, $3.305183330e-07  }
0x3e4: {  	v2 =	vshll.u32 v47, $0x1;
	v12 =	vld.idx.msk [tilespmem:v54+s16+$0x0], $0xffff;
	v25 =	vsel vm8, $0x1, v18  }
0x3e5: {  	v24 =	vld.idx.msk [tilespmem:v7+s10+$0x0], $0xffff;
	v2 =	vor.u32 v2, v25  }
0x3e6: {  	v27 =	vld.idx.msk [tilespmem:v58+s16+$0x0], $0xffff;
	v26 =	vadd.s32 $0x8F, v2  }
0x3e7: {  	v28 =	vld.idx.msk [tilespmem:v5+s10+$0x0], $0xffff  }
0x3e8: {  	v4 =	vsub.f32 v6, v4;
	_ =	sdelay $0x1  }
0x3e9: {  	vm9 =	vle.f32 v4, $3.305183330e-07;
	v0 =	vsub.f32 v12, v24  }
0x3ea: {  	v3 =	vshll.u32 v51, $0x1;
	v29 =	vsel vm9, $0x1, v18;
	v30 =	vld.idx.msk [tilespmem:v26+s15+$0x0], $0xffff  }
0x3eb: {  	v3 =	vor.u32 v3, v29;
	vm10 =	vle.f32 v0, $3.305183330e-07;
	v4 =	vsub.f32 v27, v28  }
0x3ec: {  	v1 =	vshll.u32 v1, $0x1;
	v5 =	vadd.s32 $0x8F, v3;
	v31 =	vsel vm10, $0x1, v18  }
0x3ed: {  	v1 =	vor.u32 v1, v31;
	vm11 =	vle.f32 v4, $3.305183330e-07  }
0x3ee: {  	v13 =	vshll.u32 v57, $0x1;
	v32 =	vadd.s32 $0x8F, v1;
	v34 =	vsel vm11, $0x1, v18  }
0x3ef: {  	v35 =	vand.u32 $0xFFFFFFF8, v30;
	v12 =	vor.u32 v13, v34  }
0x3f0: {  	v0 =	vand.u32 $0x7, v30;
	v38 =	vadd.s32 v8, v35;
	v39 =	vadd.s32 $0x8F, v12  }
0x3f1: {  	v33 =	vld.idx.msk [tilespmem:v5+s15+$0x0], $0xffff;
	v0 =	vor.u32 v0, v38;
	_ =	sdelay $0x1  }
0x3f2: {  	v40 =	vld.idx.msk [tilespmem:v32+s15+$0x0], $0xffff  }
0x3f3: {  	v6 =	vld.idx.msk [tilespmem:v26+s16+$0x0], $0xffff  }
0x3f4: {  	v42 =	vld.idx.msk [tilespmem:v39+s15+$0x0], $0xffff  }
0x3f5: {  	v41 =	vand.u32 $0xFFFFFFF8, v33;
	v0 =	vld.idx.msk [tilespmem:v0+s10+$0x0], $0xffff  }
0x3f6: {  	v4 =	vand.u32 $0x7, v33;
	v15 =	vadd.s32 v9, v41  }
0x3f7: {  	v4 =	vor.u32 v4, v15;
	v16 =	vand.u32 $0xFFFFFFF8, v40  }
0x3f8: {  	v13 =	vand.u32 $0x7, v40;
	v16 =	vadd.s32 v10, v16  }
0x3f9: {  	v13 =	vor.u32 v13, v16;
	v16 =	vand.u32 $0xFFFFFFF8, v42  }
0x3fa: {  	v0 =	vsub.f32 v6, v0;
	v43 =	vand.u32 $0x7, v42;
	v44 =	vadd.s32 v11, v16  }
0x3fb: {  	v5 =	vld.idx.msk [tilespmem:v5+s16+$0x0], $0xffff;
	v6 =	vor.u32 v43, v44  }
0x3fc: {  	v2 =	vadd.s32 $0x1, v2;
	v4 =	vld.idx.msk [tilespmem:v4+s10+$0x0], $0xffff;
	vm12 =	vle.f32 v0, $3.305183330e-07  }
0x3fd: {  	v2 =	vshll.u32 v2, $0x1;
	v7 =	vld.idx.msk [tilespmem:v32+s16+$0x0], $0xffff;
	v46 =	vsel vm12, $0x1, v18  }
0x3fe: {  	v45 =	vld.idx.msk [tilespmem:v13+s10+$0x0], $0xffff;
	v2 =	vor.u32 v2, v46  }
0x3ff: {  	v48 =	vld.idx.msk [tilespmem:v39+s16+$0x0], $0xffff;
	v47 =	vadd.s32 $0x8F, v2  }
0x400: {  	v49 =	vld.idx.msk [tilespmem:v6+s10+$0x0], $0xffff  }
0x401: {  	v4 =	vsub.f32 v5, v4;
	_ =	sdelay $0x1  }
0x402: {  	v3 =	vadd.s32 $0x1, v3;
	vm13 =	vle.f32 v4, $3.305183330e-07;
	v0 =	vsub.f32 v7, v45  }
0x403: {  	v3 =	vshll.u32 v3, $0x1;
	v1 =	vadd.s32 $0x1, v1;
	v50 =	vsel vm13, $0x1, v18;
	v51 =	vld.idx.msk [tilespmem:v47+s15+$0x0], $0xffff  }
0x404: {  	v3 =	vor.u32 v3, v50;
	vm14 =	vle.f32 v0, $3.305183330e-07;
	v4 =	vsub.f32 v48, v49  }
0x405: {  	v1 =	vshll.u32 v1, $0x1;
	v6 =	vadd.s32 $0x8F, v3;
	v52 =	vsel vm14, $0x1, v18  }
0x406: {  	v12 =	vadd.s32 $0x1, v12;
	v1 =	vor.u32 v1, v52;
	vm15 =	vle.f32 v4, $3.305183330e-07  }
0x407: {  	v12 =	vshll.u32 v12, $0x1;
	v7 =	vadd.s32 $0x8F, v1;
	v54 =	vsel vm15, $0x1, v18  }
0x408: {  	v55 =	vand.u32 $0xFFFFFFF8, v51;
	v12 =	vor.u32 v12, v54  }
0x409: {  	v0 =	vand.u32 $0x7, v51;
	v56 =	vadd.s32 v8, v55;
	v57 =	vadd.s32 $0x8F, v12  }
0x40a: {  	v53 =	vld.idx.msk [tilespmem:v6+s15+$0x0], $0xffff;
	v0 =	vor.u32 v0, v56;
	_ =	sdelay $0x1  }
0x40b: {  	v58 =	vld.idx.msk [tilespmem:v7+s15+$0x0], $0xffff  }
0x40c: {  	v5 =	vld.idx.msk [tilespmem:v47+s16+$0x0], $0xffff  }
0x40d: {  	v60 =	vld.idx.msk [tilespmem:v57+s15+$0x0], $0xffff  }
0x40e: {  	v59 =	vand.u32 $0xFFFFFFF8, v53;
	v0 =	vld.idx.msk [tilespmem:v0+s10+$0x0], $0xffff  }
0x40f: {  	v4 =	vand.u32 $0x7, v53;
	v15 =	vadd.s32 v9, v59  }
0x410: {  	v4 =	vor.u32 v4, v15;
	v16 =	vand.u32 $0xFFFFFFF8, v58  }
0x411: {  	v13 =	vand.u32 $0x7, v58;
	v16 =	vadd.s32 v10, v16  }
0x412: {  	v13 =	vor.u32 v13, v16;
	v16 =	vand.u32 $0xFFFFFFF8, v60  }
0x413: {  	v0 =	vsub.f32 v5, v0;
	v61 =	vand.u32 $0x7, v60;
	v62 =	vadd.s32 v11, v16  }
0x414: {  	v6 =	vld.idx.msk [tilespmem:v6+s16+$0x0], $0xffff;
	v5 =	vor.u32 v61, v62  }
0x415: {  	v2 =	vadd.s32 $0x1, v2;
	v4 =	vld.idx.msk [tilespmem:v4+s10+$0x0], $0xffff;
	vm4 =	vle.f32 v0, $3.305183330e-07  }
0x416: {  	v2 =	vshll.u32 v2, $0x1;
	v7 =	vld.idx.msk [tilespmem:v7+s16+$0x0], $0xffff;
	v24 =	vsel vm4, $0x1, v18  }
0x417: {  	v63 =	vld.idx.msk [tilespmem:v13+s10+$0x0], $0xffff;
	v2 =	vor.u32 v2, v24  }
0x418: {  	v26 =	vld.idx.msk [tilespmem:v57+s16+$0x0], $0xffff;
	v25 =	vadd.s32 $0x8F, v2  }
0x419: {  	v27 =	vld.idx.msk [tilespmem:v5+s10+$0x0], $0xffff  }
0x41a: {  	v4 =	vsub.f32 v6, v4;
	_ =	sdelay $0x1  }
0x41b: {  	v3 =	vadd.s32 $0x1, v3;
	vm5 =	vle.f32 v4, $3.305183330e-07;
	v0 =	vsub.f32 v7, v63  }
0x41c: {  	v3 =	vshll.u32 v3, $0x1;
	v1 =	vadd.s32 $0x1, v1;
	v28 =	vsel vm5, $0x1, v18;
	v29 =	vld.idx.msk [tilespmem:v25+s15+$0x0], $0xffff  }
0x41d: {  	v3 =	vor.u32 v3, v28;
	vm6 =	vle.f32 v0, $3.305183330e-07;
	v4 =	vsub.f32 v26, v27  }
0x41e: {  	v1 =	vshll.u32 v1, $0x1;
	v5 =	vadd.s32 $0x8F, v3;
	v30 =	vsel vm6, $0x1, v18  }
0x41f: {  	v12 =	vadd.s32 $0x1, v12;
	v1 =	vor.u32 v1, v30;
	vm7 =	vle.f32 v4, $3.305183330e-07  }
0x420: {  	v12 =	vshll.u32 v12, $0x1;
	v7 =	vadd.s32 $0x8F, v1;
	v32 =	vsel vm7, $0x1, v18  }
0x421: {  	v33 =	vand.u32 $0xFFFFFFF8, v29;
	v12 =	vor.u32 v12, v32  }
0x422: {  	v0 =	vand.u32 $0x7, v29;
	v34 =	vadd.s32 v8, v33;
	v35 =	vadd.s32 $0x8F, v12  }
0x423: {  	v31 =	vld.idx.msk [tilespmem:v5+s15+$0x0], $0xffff;
	v0 =	vor.u32 v0, v34;
	_ =	sdelay $0x1  }
0x424: {  	v38 =	vld.idx.msk [tilespmem:v7+s15+$0x0], $0xffff  }
0x425: {  	v6 =	vld.idx.msk [tilespmem:v25+s16+$0x0], $0xffff  }
0x426: {  	v40 =	vld.idx.msk [tilespmem:v35+s15+$0x0], $0xffff  }
0x427: {  	v39 =	vand.u32 $0xFFFFFFF8, v31;
	v0 =	vld.idx.msk [tilespmem:v0+s10+$0x0], $0xffff  }
0x428: {  	v4 =	vand.u32 $0x7, v31;
	v15 =	vadd.s32 v9, v39  }
0x429: {  	v4 =	vor.u32 v4, v15;
	v16 =	vand.u32 $0xFFFFFFF8, v38  }
0x42a: {  	v13 =	vand.u32 $0x7, v38;
	v16 =	vadd.s32 v10, v16  }
0x42b: {  	v13 =	vor.u32 v13, v16;
	v16 =	vand.u32 $0xFFFFFFF8, v40  }
0x42c: {  	v0 =	vsub.f32 v6, v0;
	v41 =	vand.u32 $0x7, v40;
	v42 =	vadd.s32 v11, v16  }
0x42d: {  	v5 =	vld.idx.msk [tilespmem:v5+s16+$0x0], $0xffff;
	v6 =	vor.u32 v41, v42  }
0x42e: {  	v2 =	vadd.s32 $0x1, v2;
	v4 =	vld.idx.msk [tilespmem:v4+s10+$0x0], $0xffff;
	vm8 =	vle.f32 v0, $3.305183330e-07  }
0x42f: {  	v2 =	vshll.u32 v2, $0x1;
	v7 =	vld.idx.msk [tilespmem:v7+s16+$0x0], $0xffff;
	v44 =	vsel vm8, $0x1, v18  }
0x430: {  	v43 =	vld.idx.msk [tilespmem:v13+s10+$0x0], $0xffff;
	v2 =	vor.u32 v2, v44  }
0x431: {  	v46 =	vld.idx.msk [tilespmem:v35+s16+$0x0], $0xffff;
	v45 =	vadd.s32 $0x8F, v2  }
0x432: {  	v47 =	vld.idx.msk [tilespmem:v6+s10+$0x0], $0xffff  }
0x433: {  	v4 =	vsub.f32 v5, v4;
	_ =	sdelay $0x1  }
0x434: {  	v3 =	vadd.s32 $0x1, v3;
	vm9 =	vle.f32 v4, $3.305183330e-07;
	v0 =	vsub.f32 v7, v43  }
0x435: {  	v3 =	vshll.u32 v3, $0x1;
	v1 =	vadd.s32 $0x1, v1;
	v48 =	vsel vm9, $0x1, v18;
	v49 =	vld.idx.msk [tilespmem:v45+s15+$0x0], $0xffff  }
0x436: {  	v3 =	vor.u32 v3, v48;
	vm10 =	vle.f32 v0, $3.305183330e-07;
	v4 =	vsub.f32 v46, v47  }
0x437: {  	v1 =	vshll.u32 v1, $0x1;
	v6 =	vadd.s32 $0x8F, v3;
	v50 =	vsel vm10, $0x1, v18  }
0x438: {  	v12 =	vadd.s32 $0x1, v12;
	v1 =	vor.u32 v1, v50;
	vm11 =	vle.f32 v4, $3.305183330e-07  }
0x439: {  	v12 =	vshll.u32 v12, $0x1;
	v7 =	vadd.s32 $0x8F, v1;
	v52 =	vsel vm11, $0x1, v18  }
0x43a: {  	v53 =	vand.u32 $0xFFFFFFF8, v49;
	v12 =	vor.u32 v12, v52  }
0x43b: {  	v0 =	vand.u32 $0x7, v49;
	v54 =	vadd.s32 v8, v53;
	v55 =	vadd.s32 $0x8F, v12  }
0x43c: {  	v51 =	vld.idx.msk [tilespmem:v6+s15+$0x0], $0xffff;
	v0 =	vor.u32 v0, v54;
	_ =	sdelay $0x1  }
0x43d: {  	v56 =	vld.idx.msk [tilespmem:v7+s15+$0x0], $0xffff  }
0x43e: {  	v5 =	vld.idx.msk [tilespmem:v45+s16+$0x0], $0xffff  }
0x43f: {  	v58 =	vld.idx.msk [tilespmem:v55+s15+$0x0], $0xffff  }
0x440: {  	v57 =	vand.u32 $0xFFFFFFF8, v51;
	v0 =	vld.idx.msk [tilespmem:v0+s10+$0x0], $0xffff  }
0x441: {  	v4 =	vand.u32 $0x7, v51;
	v15 =	vadd.s32 v9, v57  }
0x442: {  	v4 =	vor.u32 v4, v15;
	v16 =	vand.u32 $0xFFFFFFF8, v56  }
0x443: {  	v13 =	vand.u32 $0x7, v56;
	v16 =	vadd.s32 v10, v16  }
0x444: {  	v2 =	vadd.s32 $0x1, v2;
	v13 =	vor.u32 v13, v16;
	v16 =	vand.u32 $0xFFFFFFF8, v58  }
0x445: {  	v0 =	vsub.f32 v5, v0;
	v59 =	vand.u32 $0x7, v58;
	v60 =	vadd.s32 v11, v16  }
0x446: {  	v2 =	vshll.u32 v2, $0x1;
	v6 =	vld.idx.msk [tilespmem:v6+s16+$0x0], $0xffff;
	v5 =	vor.u32 v59, v60  }
0x447: {  	v61 =	vadd.s32 $0xFFFFFFC2, v2;
	v4 =	vld.idx.msk [tilespmem:v4+s10+$0x0], $0xffff;
	vm12 =	vle.f32 v0, $3.305183330e-07  }
0x448: {  	v7 =	vld.idx.msk [tilespmem:v7+s16+$0x0], $0xffff;
	v0 =	vand.u32 $0x6, v61;
	v63 =	vsel vm12, $0x1, v18  }
0x449: {  	v24 =	vand.u32 $0xFFFFFFF8, v61;
	v62 =	vld.idx.msk [tilespmem:v13+s10+$0x0], $0xffff;
	v0 =	vor.u32 v63, v0  }
0x44a: {  	v3 =	vadd.s32 $0x1, v3;
	v1 =	vadd.s32 $0x1, v1;
	v25 =	vld.idx.msk [tilespmem:v55+s16+$0x0], $0xffff;
	v0 =	vor.u32 v0, v24  }
0x44b: {  	v3 =	vshll.u32 v3, $0x1;
	v1 =	vshll.u32 v1, $0x1;
	v0 =	vadd.s32 $0x80, v0;
	v26 =	vld.idx.msk [tilespmem:v5+s10+$0x0], $0xffff  }
0x44c: {  	v3 =	vadd.s32 $0xFFFFFFC2, v3;
	v1 =	vadd.s32 $0xFFFFFFC2, v1;
	v4 =	vsub.f32 v6, v4  }
0x44d: {  	v28 =	vand.u32 $0x6, v3;
	v3 =	vand.u32 $0xFFFFFFF8, v3;
	v31 =	vand.u32 $0x6, v1  }
0x44e: {  	v32 =	vadd.s32 $0x1, v12;
	vm13 =	vle.f32 v4, $3.305183330e-07;
	v2 =	vsub.f32 v7, v62  }
0x44f: {  	v1 =	vand.u32 $0xFFFFFFF8, v1;
	v33 =	vshll.u32 v32, $0x1;
	v27 =	vsel vm13, $0x1, v18  }
0x450: {  	v5 =	vor.u32 v27, v28;
	vm14 =	vle.f32 v2, $3.305183330e-07;
	v0 =	vld.idx.msk [tilespmem:v0+s11+$0x0], $0xffff;
	v4 =	vsub.f32 v25, v26  }
0x451: {  	v34 =	vadd.s32 $0xFFFFFFC2, v33;
	v3 =	vor.u32 v5, v3;
	v30 =	vsel vm14, $0x1, v18  }
0x452: {  	v29 =	vadd.s32 $0x80, v3;
	v3 =	vor.u32 v30, v31;
	vm15 =	vle.f32 v4, $3.305183330e-07  }
0x453: {  	v5 =	vand.u32 $0x6, v34;
	v1 =	vor.u32 v3, v1;
	v4 =	vsel vm15, $0x1, v18  }
0x454: {  	v3 =	vand.u32 $0xFFFFFFF8, v34;
	v1 =	vadd.s32 $0x80, v1;
	v4 =	vor.u32 v4, v5  }
0x455: {  	[tilespmem:s22+$0x0] =	vst v0;
	v35 =	vor.u32 v4, v3  }
0x456: {  	v38 =	vld.idx.msk [tilespmem:v23+s15+$0x0], $0xffff;
	v0 =	vadd.s32 $0x80, v35  }
0x457: {  	v2 =	vld.idx.msk [tilespmem:v29+s11+$0x0], $0xffff;
	_ =	sdelay $0x1  }
0x458: {  	v1 =	vld.idx.msk [tilespmem:v1+s11+$0x0], $0xffff;
	_ =	sdelay $0x1  }
0x459: {  	v0 =	vld.idx.msk [tilespmem:v0+s11+$0x0], $0xffff  }
0x45a: {  	v39 =	vand.u32 $0xFFFFFFF8, v38;
	[tilespmem:s22+$0x10] =	vst v2  }
0x45b: {  	v3 =	vand.u32 $0x7, v38;
	v4 =	vadd.s32 v8, v39;
	v2 =	vld.idx.msk [tilespmem:v23+s15+$0x0], $0xffff  }
0x45c: {  	v3 =	vor.u32 v3, v4;
	[tilespmem:s22+$0x20] =	vst v1  }
0x45d: {  	v1 =	vld.idx.msk [tilespmem:v23+s15+$0x0], $0xffff  }
0x45e: {  	[tilespmem:s22+$0x30] =	vst v0  }
0x45f: {  	v43 =	vld.idx.msk [tilespmem:v23+s15+$0x0], $0xffff  }
0x460: {  	v41 =	vld.idx.msk [tilespmem:v23+s16+$0x0], $0xffff;
	v40 =	vand.u32 $0xFFFFFFF8, v2  }
0x461: {  	v2 =	vand.u32 $0x7, v2;
	v3 =	vld.idx.msk [tilespmem:v3+s10+$0x0], $0xffff;
	v4 =	vadd.s32 v9, v40  }
0x462: {  	v42 =	vor.u32 v2, v4;
	v44 =	vand.u32 $0xFFFFFFF8, v1  }
0x463: {  	v1 =	vand.u32 $0x7, v1;
	v4 =	vadd.s32 v10, v44  }
0x464: {  	v1 =	vor.u32 v1, v4;
	v46 =	vand.u32 $0xFFFFFFF8, v43  }
0x465: {  	v2 =	vand.u32 $0x7, v43;
	v4 =	vadd.s32 v11, v46  }
0x466: {  	v45 =	vld.idx.msk [tilespmem:v23+s16+$0x0], $0xffff;
	v3 =	vsub.f32 v41, v3;
	v2 =	vor.u32 v2, v4  }
0x467: {  	v0 =	vld.idx.msk [tilespmem:v42+s10+$0x0], $0xffff  }
0x468: {  	v47 =	vld.idx.msk [tilespmem:v23+s16+$0x0], $0xffff;
	vm4 =	vle.f32 v3, $3.305183330e-07  }
0x469: {  	v48 =	vsel vm4, $0x2, v20;
	v1 =	vld.idx.msk [tilespmem:v1+s10+$0x0], $0xffff  }
0x46a: {  	v50 =	vld.idx.msk [tilespmem:v23+s16+$0x0], $0xffff;
	v49 =	vadd.s32 $0xCD, v48  }
0x46b: {  	v51 =	vld.idx.msk [tilespmem:v2+s10+$0x0], $0xffff  }
0x46c: {  	v0 =	vsub.f32 v45, v0;
	_ =	sdelay $0x1  }
0x46d: {  	vm5 =	vle.f32 v0, $3.305183330e-07;
	v1 =	vsub.f32 v47, v1  }
0x46e: {  	v54 =	vld.idx.msk [tilespmem:v49+s15+$0x0], $0xffff;
	v52 =	vsel vm5, $0x2, v20  }
0x46f: {  	v53 =	vadd.s32 $0xCD, v52;
	vm6 =	vle.f32 v1, $3.305183330e-07;
	v0 =	vsub.f32 v50, v51  }
0x470: {  	v1 =	vsel vm6, $0x2, v20  }
0x471: {  	v55 =	vadd.s32 $0xCD, v1;
	vm7 =	vle.f32 v0, $3.305183330e-07  }
0x472: {  	v58 =	vsel vm7, $0x2, v20  }
0x473: {  	v57 =	vand.u32 $0xFFFFFFF8, v54;
	v59 =	vadd.s32 $0xCD, v58  }
0x474: {  	v3 =	vand.u32 $0x7, v54;
	v0 =	vadd.s32 v8, v57;
	v56 =	vld.idx.msk [tilespmem:v53+s15+$0x0], $0xffff  }
0x475: {  	v0 =	vor.u32 v3, v0  }
0x476: {  	v60 =	vld.idx.msk [tilespmem:v55+s15+$0x0], $0xffff;
	_ =	sdelay $0x1  }
0x477: {  	v62 =	vld.idx.msk [tilespmem:v59+s15+$0x0], $0xffff  }
0x478: {  	v5 =	vld.idx.msk [tilespmem:v49+s16+$0x0], $0xffff;
	v61 =	vand.u32 $0xFFFFFFF8, v56  }
0x479: {  	v12 =	vand.u32 $0x7, v56;
	v0 =	vld.idx.msk [tilespmem:v0+s10+$0x0], $0xffff;
	v15 =	vadd.s32 v9, v61  }
0x47a: {  	v12 =	vor.u32 v12, v15;
	v16 =	vand.u32 $0xFFFFFFF8, v60  }
0x47b: {  	v3 =	vand.u32 $0x7, v60;
	v16 =	vadd.s32 v10, v16  }
0x47c: {  	v3 =	vor.u32 v3, v16;
	v16 =	vand.u32 $0xFFFFFFF8, v62  }
0x47d: {  	v63 =	vand.u32 $0x7, v62;
	v24 =	vadd.s32 v11, v16  }
0x47e: {  	v7 =	vld.idx.msk [tilespmem:v53+s16+$0x0], $0xffff;
	v0 =	vsub.f32 v5, v0;
	v5 =	vor.u32 v63, v24  }
0x47f: {  	v12 =	vld.idx.msk [tilespmem:v12+s10+$0x0], $0xffff  }
0x480: {  	v25 =	vld.idx.msk [tilespmem:v55+s16+$0x0], $0xffff;
	vm8 =	vle.f32 v0, $3.305183330e-07  }
0x481: {  	v4 =	vshll.u32 v48, $0x1;
	v26 =	vsel vm8, $0x1, v18;
	v3 =	vld.idx.msk [tilespmem:v3+s10+$0x0], $0xffff  }
0x482: {  	v29 =	vld.idx.msk [tilespmem:v59+s16+$0x0], $0xffff;
	v4 =	vor.u32 v4, v26  }
0x483: {  	v28 =	vadd.s32 $0xCE, v4;
	v5 =	vld.idx.msk [tilespmem:v5+s10+$0x0], $0xffff  }
0x484: {  	v27 =	vsub.f32 v7, v12;
	_ =	sdelay $0x1  }
0x485: {  	vm9 =	vle.f32 v27, $3.305183330e-07;
	v0 =	vsub.f32 v25, v3  }
0x486: {  	v2 =	vshll.u32 v52, $0x1;
	v6 =	vsel vm9, $0x1, v18  }
0x487: {  	v31 =	vld.idx.msk [tilespmem:v28+s15+$0x0], $0xffff;
	v2 =	vor.u32 v2, v6;
	vm10 =	vle.f32 v0, $3.305183330e-07;
	v5 =	vsub.f32 v29, v5  }
0x488: {  	v1 =	vshll.u32 v1, $0x1;
	v30 =	vadd.s32 $0xCE, v2;
	v0 =	vsel vm10, $0x1, v18  }
0x489: {  	v0 =	vor.u32 v1, v0;
	vm11 =	vle.f32 v5, $3.305183330e-07  }
0x48a: {  	v13 =	vshll.u32 v58, $0x1;
	v1 =	vadd.s32 $0xCE, v0;
	v33 =	vsel vm11, $0x1, v18  }
0x48b: {  	v12 =	vor.u32 v13, v33  }
0x48c: {  	v34 =	vand.u32 $0xFFFFFFF8, v31;
	v38 =	vadd.s32 $0xCE, v12  }
0x48d: {  	v6 =	vand.u32 $0x7, v31;
	v35 =	vadd.s32 v8, v34;
	v32 =	vld.idx.msk [tilespmem:v30+s15+$0x0], $0xffff  }
0x48e: {  	v6 =	vor.u32 v6, v35  }
0x48f: {  	v39 =	vld.idx.msk [tilespmem:v1+s15+$0x0], $0xffff;
	_ =	sdelay $0x1  }
0x490: {  	v41 =	vld.idx.msk [tilespmem:v38+s15+$0x0], $0xffff  }
0x491: {  	v7 =	vld.idx.msk [tilespmem:v28+s16+$0x0], $0xffff;
	v40 =	vand.u32 $0xFFFFFFF8, v32  }
0x492: {  	v5 =	vand.u32 $0x7, v32;
	v6 =	vld.idx.msk [tilespmem:v6+s10+$0x0], $0xffff;
	v15 =	vadd.s32 v9, v40  }
0x493: {  	v5 =	vor.u32 v5, v15;
	v16 =	vand.u32 $0xFFFFFFF8, v39  }
0x494: {  	v13 =	vand.u32 $0x7, v39;
	v16 =	vadd.s32 v10, v16  }
0x495: {  	v13 =	vor.u32 v13, v16;
	v16 =	vand.u32 $0xFFFFFFF8, v41  }
0x496: {  	v42 =	vand.u32 $0x7, v41;
	v43 =	vadd.s32 v11, v16  }
0x497: {  	v3 =	vld.idx.msk [tilespmem:v30+s16+$0x0], $0xffff;
	v6 =	vsub.f32 v7, v6;
	v7 =	vor.u32 v42, v43  }
0x498: {  	v5 =	vld.idx.msk [tilespmem:v5+s10+$0x0], $0xffff  }
0x499: {  	v4 =	vadd.s32 $0x1, v4;
	v1 =	vld.idx.msk [tilespmem:v1+s16+$0x0], $0xffff;
	vm12 =	vle.f32 v6, $3.305183330e-07  }
0x49a: {  	v4 =	vshll.u32 v4, $0x1;
	v6 =	vsel vm12, $0x1, v18;
	v13 =	vld.idx.msk [tilespmem:v13+s10+$0x0], $0xffff  }
0x49b: {  	v45 =	vld.idx.msk [tilespmem:v38+s16+$0x0], $0xffff;
	v4 =	vor.u32 v4, v6  }
0x49c: {  	v44 =	vadd.s32 $0xCE, v4;
	v46 =	vld.idx.msk [tilespmem:v7+s10+$0x0], $0xffff  }
0x49d: {  	v3 =	vsub.f32 v3, v5;
	_ =	sdelay $0x1  }
0x49e: {  	v2 =	vadd.s32 $0x1, v2;
	vm13 =	vle.f32 v3, $3.305183330e-07;
	v1 =	vsub.f32 v1, v13  }
0x49f: {  	v2 =	vshll.u32 v2, $0x1;
	v0 =	vadd.s32 $0x1, v0;
	v47 =	vsel vm13, $0x1, v18  }
0x4a0: {  	v48 =	vld.idx.msk [tilespmem:v44+s15+$0x0], $0xffff;
	v2 =	vor.u32 v2, v47;
	vm14 =	vle.f32 v1, $3.305183330e-07;
	v3 =	vsub.f32 v45, v46  }
0x4a1: {  	v0 =	vshll.u32 v0, $0x1;
	v7 =	vadd.s32 $0xCE, v2;
	v1 =	vsel vm14, $0x1, v18  }
0x4a2: {  	v49 =	vadd.s32 $0x1, v12;
	v0 =	vor.u32 v0, v1;
	vm15 =	vle.f32 v3, $3.305183330e-07  }
0x4a3: {  	v6 =	vshll.u32 v49, $0x1;
	v1 =	vadd.s32 $0xCE, v0;
	v51 =	vsel vm15, $0x1, v18  }
0x4a4: {  	v6 =	vor.u32 v6, v51  }
0x4a5: {  	v52 =	vand.u32 $0xFFFFFFF8, v48;
	v55 =	vadd.s32 $0xCE, v6  }
0x4a6: {  	v53 =	vand.u32 $0x7, v48;
	v54 =	vadd.s32 v8, v52;
	v50 =	vld.idx.msk [tilespmem:v7+s15+$0x0], $0xffff  }
0x4a7: {  	v12 =	vor.u32 v53, v54  }
0x4a8: {  	v56 =	vld.idx.msk [tilespmem:v1+s15+$0x0], $0xffff;
	_ =	sdelay $0x1  }
0x4a9: {  	v58 =	vld.idx.msk [tilespmem:v55+s15+$0x0], $0xffff  }
0x4aa: {  	v5 =	vld.idx.msk [tilespmem:v44+s16+$0x0], $0xffff;
	v57 =	vand.u32 $0xFFFFFFF8, v50  }
0x4ab: {  	v3 =	vand.u32 $0x7, v50;
	v12 =	vld.idx.msk [tilespmem:v12+s10+$0x0], $0xffff;
	v15 =	vadd.s32 v9, v57  }
0x4ac: {  	v3 =	vor.u32 v3, v15;
	v16 =	vand.u32 $0xFFFFFFF8, v56  }
0x4ad: {  	v13 =	vand.u32 $0x7, v56;
	v16 =	vadd.s32 v10, v16  }
0x4ae: {  	v13 =	vor.u32 v13, v16;
	v16 =	vand.u32 $0xFFFFFFF8, v58  }
0x4af: {  	v59 =	vand.u32 $0x7, v58;
	v60 =	vadd.s32 v11, v16  }
0x4b0: {  	v7 =	vld.idx.msk [tilespmem:v7+s16+$0x0], $0xffff;
	v5 =	vsub.f32 v5, v12;
	v12 =	vor.u32 v59, v60  }
0x4b1: {  	v3 =	vld.idx.msk [tilespmem:v3+s10+$0x0], $0xffff  }
0x4b2: {  	v4 =	vadd.s32 $0x1, v4;
	v1 =	vld.idx.msk [tilespmem:v1+s16+$0x0], $0xffff;
	vm4 =	vle.f32 v5, $3.305183330e-07  }
0x4b3: {  	v4 =	vshll.u32 v4, $0x1;
	v5 =	vsel vm4, $0x1, v18;
	v13 =	vld.idx.msk [tilespmem:v13+s10+$0x0], $0xffff  }
0x4b4: {  	v61 =	vld.idx.msk [tilespmem:v55+s16+$0x0], $0xffff;
	v4 =	vor.u32 v4, v5  }
0x4b5: {  	v5 =	vadd.s32 $0xCE, v4;
	v62 =	vld.idx.msk [tilespmem:v12+s10+$0x0], $0xffff  }
0x4b6: {  	v3 =	vsub.f32 v7, v3;
	_ =	sdelay $0x1  }
0x4b7: {  	v2 =	vadd.s32 $0x1, v2;
	vm5 =	vle.f32 v3, $3.305183330e-07;
	v1 =	vsub.f32 v1, v13  }
0x4b8: {  	v2 =	vshll.u32 v2, $0x1;
	v0 =	vadd.s32 $0x1, v0;
	v63 =	vsel vm5, $0x1, v18  }
0x4b9: {  	v24 =	vld.idx.msk [tilespmem:v5+s15+$0x0], $0xffff;
	v2 =	vor.u32 v2, v63;
	vm6 =	vle.f32 v1, $3.305183330e-07;
	v3 =	vsub.f32 v61, v62  }
0x4ba: {  	v0 =	vshll.u32 v0, $0x1;
	v12 =	vadd.s32 $0xCE, v2;
	v1 =	vsel vm6, $0x1, v18  }
0x4bb: {  	v6 =	vadd.s32 $0x1, v6;
	v0 =	vor.u32 v0, v1;
	vm7 =	vle.f32 v3, $3.305183330e-07  }
0x4bc: {  	v6 =	vshll.u32 v6, $0x1;
	v1 =	vadd.s32 $0xCE, v0;
	v26 =	vsel vm7, $0x1, v18  }
0x4bd: {  	v6 =	vor.u32 v6, v26  }
0x4be: {  	v27 =	vand.u32 $0xFFFFFFF8, v24;
	v30 =	vadd.s32 $0xCE, v6  }
0x4bf: {  	v28 =	vand.u32 $0x7, v24;
	v29 =	vadd.s32 v8, v27;
	v25 =	vld.idx.msk [tilespmem:v12+s15+$0x0], $0xffff  }
0x4c0: {  	v7 =	vor.u32 v28, v29  }
0x4c1: {  	v31 =	vld.idx.msk [tilespmem:v1+s15+$0x0], $0xffff;
	_ =	sdelay $0x1  }
0x4c2: {  	v33 =	vld.idx.msk [tilespmem:v30+s15+$0x0], $0xffff  }
0x4c3: {  	v5 =	vld.idx.msk [tilespmem:v5+s16+$0x0], $0xffff;
	v32 =	vand.u32 $0xFFFFFFF8, v25  }
0x4c4: {  	v3 =	vand.u32 $0x7, v25;
	v7 =	vld.idx.msk [tilespmem:v7+s10+$0x0], $0xffff;
	v15 =	vadd.s32 v9, v32  }
0x4c5: {  	v3 =	vor.u32 v3, v15;
	v16 =	vand.u32 $0xFFFFFFF8, v31  }
0x4c6: {  	v13 =	vand.u32 $0x7, v31;
	v16 =	vadd.s32 v10, v16  }
0x4c7: {  	v13 =	vor.u32 v13, v16;
	v16 =	vand.u32 $0xFFFFFFF8, v33  }
0x4c8: {  	v34 =	vand.u32 $0x7, v33;
	v35 =	vadd.s32 v11, v16  }
0x4c9: {  	v12 =	vld.idx.msk [tilespmem:v12+s16+$0x0], $0xffff;
	v5 =	vsub.f32 v5, v7;
	v7 =	vor.u32 v34, v35  }
0x4ca: {  	v3 =	vld.idx.msk [tilespmem:v3+s10+$0x0], $0xffff  }
0x4cb: {  	v4 =	vadd.s32 $0x1, v4;
	v1 =	vld.idx.msk [tilespmem:v1+s16+$0x0], $0xffff;
	vm8 =	vle.f32 v5, $3.305183330e-07  }
0x4cc: {  	v4 =	vshll.u32 v4, $0x1;
	v5 =	vsel vm8, $0x1, v18;
	v13 =	vld.idx.msk [tilespmem:v13+s10+$0x0], $0xffff  }
0x4cd: {  	v38 =	vld.idx.msk [tilespmem:v30+s16+$0x0], $0xffff;
	v4 =	vor.u32 v4, v5  }
0x4ce: {  	v5 =	vadd.s32 $0xCE, v4;
	v39 =	vld.idx.msk [tilespmem:v7+s10+$0x0], $0xffff  }
0x4cf: {  	v3 =	vsub.f32 v12, v3;
	_ =	sdelay $0x1  }
0x4d0: {  	v2 =	vadd.s32 $0x1, v2;
	vm9 =	vle.f32 v3, $3.305183330e-07;
	v1 =	vsub.f32 v1, v13  }
0x4d1: {  	v2 =	vshll.u32 v2, $0x1;
	v0 =	vadd.s32 $0x1, v0;
	v40 =	vsel vm9, $0x1, v18  }
0x4d2: {  	v41 =	vld.idx.msk [tilespmem:v5+s15+$0x0], $0xffff;
	v2 =	vor.u32 v2, v40;
	vm10 =	vle.f32 v1, $3.305183330e-07;
	v3 =	vsub.f32 v38, v39  }
0x4d3: {  	v0 =	vshll.u32 v0, $0x1;
	v7 =	vadd.s32 $0xCE, v2;
	v1 =	vsel vm10, $0x1, v18  }
0x4d4: {  	v6 =	vadd.s32 $0x1, v6;
	v0 =	vor.u32 v0, v1;
	vm11 =	vle.f32 v3, $3.305183330e-07  }
0x4d5: {  	v6 =	vshll.u32 v6, $0x1;
	v1 =	vadd.s32 $0xCE, v0;
	v43 =	vsel vm11, $0x1, v18  }
0x4d6: {  	v6 =	vor.u32 v6, v43  }
0x4d7: {  	v44 =	vand.u32 $0xFFFFFFF8, v41;
	v46 =	vadd.s32 $0xCE, v6  }
0x4d8: {  	v45 =	vand.u32 $0x7, v41;
	v8 =	vadd.s32 v8, v44;
	v42 =	vld.idx.msk [tilespmem:v7+s15+$0x0], $0xffff  }
0x4d9: {  	v8 =	vor.u32 v45, v8  }
0x4da: {  	v47 =	vld.idx.msk [tilespmem:v1+s15+$0x0], $0xffff;
	_ =	sdelay $0x1  }
0x4db: {  	v49 =	vld.idx.msk [tilespmem:v46+s15+$0x0], $0xffff  }
0x4dc: {  	v5 =	vld.idx.msk [tilespmem:v5+s16+$0x0], $0xffff;
	v48 =	vand.u32 $0xFFFFFFF8, v42  }
0x4dd: {  	v3 =	vand.u32 $0x7, v42;
	v8 =	vld.idx.msk [tilespmem:v8+s10+$0x0], $0xffff;
	v9 =	vadd.s32 v9, v48  }
0x4de: {  	v3 =	vor.u32 v3, v9;
	v50 =	vand.u32 $0xFFFFFFF8, v47  }
0x4df: {  	v12 =	vand.u32 $0x7, v47;
	v10 =	vadd.s32 v10, v50  }
0x4e0: {  	v10 =	vor.u32 v12, v10;
	v51 =	vand.u32 $0xFFFFFFF8, v49  }
0x4e1: {  	v9 =	vand.u32 $0x7, v49;
	v52 =	vadd.s32 v11, v51  }
0x4e2: {  	v4 =	vadd.s32 $0x1, v4;
	v7 =	vld.idx.msk [tilespmem:v7+s16+$0x0], $0xffff;
	v5 =	vsub.f32 v5, v8;
	v8 =	vor.u32 v9, v52  }
0x4e3: {  	v4 =	vshll.u32 v4, $0x1;
	v2 =	vadd.s32 $0x1, v2;
	v3 =	vld.idx.msk [tilespmem:v3+s10+$0x0], $0xffff  }
0x4e4: {  	v4 =	vadd.s32 $0xFFFFFFC2, v4;
	v2 =	vshll.u32 v2, $0x1;
	v1 =	vld.idx.msk [tilespmem:v1+s16+$0x0], $0xffff  }
0x4e5: {  	v54 =	vand.u32 $0x6, v4;
	v2 =	vadd.s32 $0xFFFFFFC2, v2;
	v53 =	vld.idx.msk [tilespmem:v10+s10+$0x0], $0xffff  }
0x4e6: {  	v4 =	vand.u32 $0xFFFFFFF8, v4;
	v0 =	vadd.s32 $0x1, v0;
	v58 =	vand.u32 $0x6, v2;
	v55 =	vld.idx.msk [tilespmem:v46+s16+$0x0], $0xffff  }
0x4e7: {  	v2 =	vand.u32 $0xFFFFFFF8, v2;
	v0 =	vshll.u32 v0, $0x1;
	vm12 =	vle.f32 v5, $3.305183330e-07;
	v56 =	vld.idx.msk [tilespmem:v8+s10+$0x0], $0xffff  }
0x4e8: {  	v0 =	vadd.s32 $0xFFFFFFC2, v0;
	v5 =	vsel vm12, $0x1, v18;
	v3 =	vsub.f32 v7, v3  }
0x4e9: {  	v59 =	vadd.s32 $0x1, v6;
	v61 =	vand.u32 $0xFFFFFFF8, v0;
	v5 =	vor.u32 v5, v54  }
0x4ea: {  	v4 =	vor.u32 v5, v4;
	vm13 =	vle.f32 v3, $3.305183330e-07;
	v1 =	vsub.f32 v1, v53  }
0x4eb: {  	v0 =	vand.u32 $0x6, v0;
	v4 =	vadd.s32 $0xC0, v4;
	v57 =	vsel vm13, $0x1, v18  }
0x4ec: {  	v5 =	vor.u32 v57, v58;
	vm14 =	vle.f32 v1, $3.305183330e-07;
	v3 =	vsub.f32 v55, v56  }
0x4ed: {  	v1 =	vshll.u32 v59, $0x1;
	v2 =	vor.u32 v5, v2;
	v60 =	vsel vm14, $0x1, v18  }
0x4ee: {  	v1 =	vadd.s32 $0xFFFFFFC2, v1;
	v2 =	vadd.s32 $0xC0, v2;
	vm15 =	vle.f32 v3, $3.305183330e-07  }
0x4ef: {  	v0 =	vor.u32 v60, v0;
	v62 =	vand.u32 $0x6, v1;
	v3 =	vsel vm15, $0x1, v18  }
0x4f0: {  	v1 =	vand.u32 $0xFFFFFFF8, v1;
	v0 =	vor.u32 v0, v61;
	v3 =	vor.u32 v3, v62  }
0x4f1: {  	v0 =	vadd.s32 $0xC0, v0;
	v1 =	vor.u32 v3, v1  }
0x4f2: {  	v1 =	vadd.s32 $0xC0, v1;
	_ =	sdelay $0x1  }
0x4f3: {  	v63 =	vld.idx.msk [tilespmem:v4+s11+$0x0], $0xffff  }
0x4f4: {  	v2 =	vld.idx.msk [tilespmem:v2+s11+$0x0], $0xffff  }
0x4f5: {  	s20 =	sadd.s32 $0x4, s20;
	v0 =	vld.idx.msk [tilespmem:v0+s11+$0x0], $0xffff  }
0x4f6: {  	p0 =	slt.u32 s20, $0x1C;
	v1 =	vld.idx.msk [tilespmem:v1+s11+$0x0], $0xffff  }
.Ltmp1:
0x4f7: {  	_ = 	snop;
	(pc) =	sbr.rel @p0 .LBB2_4-.Ltmp1, $4  }
0x4f8: {  	[tilespmem:s22+$0x200] =	vst v63  }
0x4f9: {  	[tilespmem:s22+$0x210] =	vst v2  }
0x4fa: {  	[tilespmem:s22+$0x220] =	vst v0  }
0x4fb: {  	s21 =	sadd.s32 $0x40, s21;
	[tilespmem:s22+$0x230] =	vst v1;
	s22 =	sadd.s32 $0x40, s22  }
0x4fc: {  	s19 =	sadd.s32 $0x1, s19  }
0x4fd: {  	p0 =	sne.s32 s19, s8  }
.Ltmp2:
0x4fe: {  	_ = 	snop;
	(pc) =	sbr.rel @p0 .LBB2_1-.Ltmp2, $4  }
0x4ff: {  	[hbm4b:s7+s2] =	stream.linear.scatter [tilespmem:s17], [sflag:$0x4], $0x800, $0x38;
	[tilespmem:$0x10940] =	vst v63  }
0x500: {  	_ =	swait.ge [sflag:s18], $0x800  }
0x501: {  	[sflag:s18] =	ssyncset.done $0x0  }
0x502: {  	[sflag:s18] =	ssyncadd.s32 $0xFFFFF800  }
0x503: {  	_ =	sfence.sel $0x180000  }
0x504: {  	[bflag:$0x0] =	sbarrier.arrive $0xFFFF  }
0x505: {  	p0 =	sne.s32 s0, $0x0;
	_ =	strace $0x90000047  }
0x506: {  	s0 =	sadd.s32 @!p0 $0x100000, s1;
	[bflag:$0x2] =	sbarrier.arrive $0xFFFF  }
0x507: {  	[sflag:s0] =	ssyncadd.tile.s32 @!p0 $0x1;
	_ =	shalt  }
.Lfunc_end2:
_tile_overlayer_lowered:
.L_overlay_start_2:
0x508: {  	(tag) =	ssettag $0x2  }
0x509: {  	s0 =	rddreg [dreg:$0x0];
	s2 =	stileid.u32  }
0x50a: {  	s1 =	rddreg [dreg:$0x1];
	p0 =	sne.s32 s2, $0x0  }
0x50b: {  	s3 =	rddreg [dreg:$0x2];
	[bflag:$0x3] =	sbarrier.arrive $0xFFFF;
	s2 =	simm.s32 @!p0 $0x1C04  }
0x50c: {  	[timem:s3], [sflag:s2] =	dma.local @!p0 [hbm:s0], s1  }
0x50d: {  	s0 =	simm.s32 @!p0 $0x4  }
0x50e: {  	_ =	swait.ge @!p0 [sflag:s0], s1  }
0x50f: {  	s1 =	ssub.s32 @!p0 $0x0, s1;
	[sflag:s0] =	ssyncset.done @!p0 $0x0  }
0x510: {  	[sflag:s0] =	ssyncadd.s32 @!p0 s1  }
0x511: {  	[bflag:$0x3] =	sbarrier.arrive $0xFFFF  }
0x512: {  	_ =	shalt  }

</sc_bundles>
